<compile_context>
chip_gen: v7x
topology: tpu7x:2x2x1
jax: 0.10.2.dev20260603
libtpu: 0.0.44.dev20260713+nightly
codegen_flags: <defaults>
</compile_context>

<pallas_src>
import functools

import jax
import jax.numpy as jnp
import numpy as np
from jax import lax
from jax.experimental import pallas as pl
from jax.experimental.pallas import tpu as pltpu
from jax.experimental.pallas import tpu_sc as plsc

B = 32
D = 128
V = 1000000
NB = 4096
NBF = np.float32(NB)
VT1 = 8192
VT3 = 8192
CBR = 96
TINY = np.float32(np.finfo(np.float32).tiny)
NEG_EPS = np.float32(1e-38)



def _mm_body(h_ref, t_ref, w_ref, lg_ref, mn_ref, mx_ref, rmin_ref, rmax_ref,
             *, nblk, v_len):
    i = pl.program_id(0)
    blk = lax.dot_general(h_ref[...], w_ref[...], (((1,), (1,)), ((), ())),
                          preferred_element_type=jnp.float32)
    lt = blk / t_ref[...]
    col = lax.broadcasted_iota(jnp.int32, lt.shape, 1) + i * VT1
    valid = col < v_len
    lt = jnp.where(valid, lt, -jnp.inf)
    lg_ref[...] = lt.reshape(B, VT1 // 128, 128)
    bmin = jnp.min(jnp.where(valid, lt, jnp.inf), axis=1, keepdims=True)
    bmax = jnp.max(lt, axis=1, keepdims=True)
    bmin_b = jnp.broadcast_to(bmin, (B, 128))
    bmax_b = jnp.broadcast_to(bmax, (B, 128))

    @pl.when(i == 0)
    def _():
        rmin_ref[...] = bmin_b
        rmax_ref[...] = bmax_b

    @pl.when(i > 0)
    def _():
        rmin_ref[...] = jnp.minimum(rmin_ref[...], bmin_b)
        rmax_ref[...] = jnp.maximum(rmax_ref[...], bmax_b)

    @pl.when(i == nblk - 1)
    def _():
        mn_ref[...] = jnp.min(rmin_ref[...], axis=1, keepdims=True)
        mx_ref[...] = jnp.max(rmax_ref[...], axis=1, keepdims=True)


def _stage1(hidden, temp2, w, v_real=V):
    nblk = (v_real + VT1 - 1) // VT1
    vb = nblk * (VT1 // 128)
    return pl.pallas_call(
        functools.partial(_mm_body, nblk=nblk, v_len=v_real),
        grid=(nblk,),
        in_specs=[
            pl.BlockSpec((B, D), lambda i: (0, 0)),
            pl.BlockSpec((B, 1), lambda i: (0, 0)),
            pl.BlockSpec((VT1, D), lambda i: (i, 0)),
        ],
        out_specs=[
            pl.BlockSpec((B, VT1 // 128, 128), lambda i: (0, i, 0)),
            pl.BlockSpec((B, 1), lambda i: (0, 0)),
            pl.BlockSpec((B, 1), lambda i: (0, 0)),
        ],
        out_shape=[
            jax.ShapeDtypeStruct((B, vb, 128), jnp.float32),
            jax.ShapeDtypeStruct((B, 1), jnp.float32),
            jax.ShapeDtypeStruct((B, 1), jnp.float32),
        ],
        scratch_shapes=[
            pltpu.VMEM((B, 128), jnp.float32),
            pltpu.VMEM((B, 128), jnp.float32),
        ],
    )(hidden, temp2, w)



def _lane_scalar(vec, lane):
    sel = jnp.where(lax.iota(jnp.int32, 16) == lane, vec, -jnp.inf)
    return jnp.max(sel)


def _sc_body(lg_hbm, mn_hbm, mx_hbm, tp_hbm, s1_hbm, w1_hbm, s2_hbm, out_hbm,
             buf0, buf1, sem0, sem1, hist, merged, mn_v, mx_v, tp_v,
             s1_v, w1_v, s2_v, outbuf, *, vb):
    nch = vb // CBR
    bufs = (buf0, buf1)
    sems = (sem0, sem1)
    wid = lax.axis_index("s") * 2 + lax.axis_index("c")
    r = wid
    pltpu.sync_copy(mn_hbm, mn_v)
    pltpu.sync_copy(mx_hbm, mx_v)
    pltpu.sync_copy(tp_hbm, tp_v)
    pltpu.sync_copy(s1_hbm, s1_v)
    pltpu.sync_copy(w1_hbm, w1_v)
    pltpu.sync_copy(s2_hbm, s2_v)
    cbase = (r // 16) * 16
    lane = r % 16
    m_s = _lane_scalar(mn_v[pl.ds(cbase, 16)], lane)
    M_s = _lane_scalar(mx_v[pl.ds(cbase, 16)], lane)
    tp_s = _lane_scalar(tp_v[pl.ds(cbase, 16)], lane)
    s1_s = _lane_scalar(s1_v[pl.ds(cbase, 16)], lane)
    w1_s = _lane_scalar(w1_v[pl.ds(cbase, 16)], lane)
    s2_s = _lane_scalar(s2_v[pl.ds(cbase, 16)], lane)
    mb = jnp.full((16,), m_s, jnp.float32)
    Mb = jnp.full((16,), M_s, jnp.float32)
    s1b = jnp.full((16,), s1_s, jnp.float32)
    lanebase = lax.iota(jnp.int32, 16) * NB

    def zero_hist():
        def zloop(j, c):
            hist[pl.ds(j * 16, 16)] = jnp.zeros((16,), jnp.float32)
            return c
        lax.fori_loop(0, (16 * NB) // 16, zloop, 0)

    def merge_total():
        def mloop(cb, tot):
            acc = jnp.zeros((16,), jnp.float32)
            for l in range(16):
                acc = acc + hist[pl.ds(l * NB + cb * 16, 16)]
            merged[pl.ds(cb * 16, 16)] = acc
            return tot + jnp.sum(acc)
        return lax.fori_loop(0, NB // 16, mloop, jnp.float32(0.0))

    def walk(tpz, offset):
        def wloop(t, carry):
            found, bstar, sab, sinc, csum = carry
            cb = NB // 16 - 1 - t
            vv = merged[pl.ds(cb * 16, 16)]
            tot = jnp.sum(vv)
            pre = plsc.cumsum(vv)
            sufinc = offset + (csum + (tot - pre) + vv)
            maskv = sufinc > tpz
            cnt = jnp.sum(maskv.astype(jnp.int32))
            has = cnt > 0
            first = jnp.logical_and(has, jnp.logical_not(found))
            blocal = cnt - 1
            pre_at = _lane_scalar(pre, blocal)
            v_at = _lane_scalar(vv, blocal)
            sab_new = csum + (tot - pre_at)
            sinc_new = offset + (sab_new + v_at)
            return (jnp.logical_or(found, has),
                    jnp.where(first, cb * 16 + blocal, bstar),
                    jnp.where(first, sab_new, sab),
                    jnp.where(first, sinc_new, sinc),
                    csum + tot)
        init = (jnp.bool_(False), jnp.int32(0), jnp.float32(0.0),
                jnp.float32(1.0), jnp.float32(0.0))
        found, bstar, sab, sinc, _ = lax.fori_loop(0, NB // 16, wloop, init)
        return bstar, sab, sinc

    def stream(pass2, b1_s, lo2b, s2b):
        def start_copy(c, par):
            pltpu.make_async_copy(lg_hbm.at[r, pl.ds(c * CBR, CBR)],
                                  bufs[par], sems[par]).start()

        def process(bufp):
            @plsc.parallel_loop(0, CBR * 8, 1, unroll=8)
            def _vloop(q):
                rr = q >> 3
                u = q & 7
                vv = bufp[rr, pl.ds(u * 16, 16)]
                e = jnp.exp(vv - Mb)
                t1 = (vv - mb) * s1b
                b1v = jnp.clip(t1.astype(jnp.int32), 0, NB - 1)
                if not pass2:
                    idx = lanebase + b1v
                    plsc.addupdate_scatter(hist, [idx], e)
                else:
                    t2 = (vv - lo2b) * s2b
                    b2v = jnp.clip(t2.astype(jnp.int32), 0, NB - 1)
                    idx = lanebase + b2v
                    selm = b1v == jnp.full((16,), b1_s, jnp.int32)
                    plsc.addupdate_scatter(hist, [idx], e, mask=selm)

        start_copy(0, 0)
        start_copy(1, 1)

        def pair_loop(cc, _):
            for par in range(2):
                c = cc * 2 + par
                pltpu.make_async_copy(lg_hbm.at[r, pl.ds(0, CBR)],
                                      bufs[par], sems[par]).wait()
                process(bufs[par])

                @pl.when(c + 2 < nch)
                def _():
                    start_copy(c + 2, par)
            return 0
        lax.fori_loop(0, nch // 2, pair_loop, 0)

    zero_hist()
    stream(False, None, None, None)
    z_tot = merge_total()
    tpz = tp_s * z_tot
    b1, sab1, _ = walk(tpz, jnp.float32(0.0))

    b1f = b1.astype(jnp.float32)
    lo2_s = m_s + b1f * w1_s
    lo2b = jnp.full((16,), lo2_s, jnp.float32)
    s2b = jnp.full((16,), s2_s, jnp.float32)
    zero_hist()
    stream(True, b1, lo2b, s2b)
    merge_total()
    b2, _, z2 = walk(tpz, sab1)

    io16 = lax.iota(jnp.int32, 16)
    ov = jnp.where(io16 == 0, b1f,
                   jnp.where(io16 == 1, b2.astype(jnp.float32),
                             jnp.where(io16 == 2, z2, jnp.float32(0.0))))
    outbuf[0, pl.ds(0, 16)] = ov
    pltpu.sync_copy(outbuf, out_hbm.at[r])


def _stage2(logits3d, mn, mx, top_p, s1, w1, s2):
    vb = logits3d.shape[1]
    mesh = plsc.VectorSubcoreMesh(core_axis_name="c", subcore_axis_name="s")
    kern = pl.kernel(
        functools.partial(_sc_body, vb=vb),
        out_type=jax.ShapeDtypeStruct((B, 1, 16), jnp.float32),
        mesh=mesh,
        scratch_types=[
            pltpu.VMEM((CBR, 128), jnp.float32),
            pltpu.VMEM((CBR, 128), jnp.float32),
            pltpu.SemaphoreType.DMA,
            pltpu.SemaphoreType.DMA,
            pltpu.VMEM((16 * NB,), jnp.float32),
            pltpu.VMEM((NB,), jnp.float32),
            pltpu.VMEM((B,), jnp.float32),
            pltpu.VMEM((B,), jnp.float32),
            pltpu.VMEM((B,), jnp.float32),
            pltpu.VMEM((B,), jnp.float32),
            pltpu.VMEM((B,), jnp.float32),
            pltpu.VMEM((B,), jnp.float32),
            pltpu.VMEM((1, 16), jnp.float32),
        ],
        compiler_params=pltpu.CompilerParams(needs_layout_passes=False),
    )
    return kern(logits3d, mn, mx, top_p, s1, w1, s2)



_ROT = ((13, 15, 26, 6), (17, 29, 16, 24))


def _threefry_bits(j):
    k0 = jnp.uint32(0)
    k1 = jnp.uint32(42)
    k2 = jnp.uint32(0 ^ 42 ^ 0x1BD11BDA)
    ks = (k0, k1, k2)
    x0 = jnp.zeros_like(j) + ks[0]
    x1 = j + ks[1]
    for g in range(5):
        for rr in _ROT[g % 2]:
            x0 = x0 + x1
            x1 = (x1 << jnp.uint32(rr)) | (x1 >> jnp.uint32(32 - rr))
            x1 = x0 ^ x1
        x0 = x0 + ks[(g + 1) % 3]
        x1 = x1 + ks[(g + 2) % 3] + jnp.uint32(g + 1)
    return x0 ^ x1


def _gum_body(g_ref, *, v_len):
    i = pl.program_id(0)
    shape = (B, VT3)
    col = lax.broadcasted_iota(jnp.int32, shape, 1) + i * VT3
    row = lax.broadcasted_iota(jnp.int32, shape, 0)
    j = (row * v_len + col).astype(jnp.uint32)
    bits = _threefry_bits(j)
    fb = (bits >> jnp.uint32(9)) | jnp.uint32(0x3F800000)
    f = lax.bitcast_convert_type(fb, jnp.float32) - jnp.float32(1.0)
    u = jnp.maximum(TINY, f * jnp.float32(1.0) + TINY)
    g = -jnp.log(-jnp.log(u))
    g_ref[...] = g.reshape(B, VT3 // 128, 128)


def _stage_gum(vb, v_real=V):
    nblk = vb // (VT3 // 128)
    return pl.pallas_call(
        functools.partial(_gum_body, v_len=v_real),
        grid=(nblk,),
        in_specs=[],
        out_specs=pl.BlockSpec((B, VT3 // 128, 128), lambda i: (0, i, 0)),
        out_shape=jax.ShapeDtypeStruct((B, vb, 128), jnp.float32),
    )()


def _smp_body(lg_ref, g_ref, mn_ref, mx_ref, s1_ref, w1_ref, s2_ref,
              b1_ref, b2_ref, z2_ref, ids_ref,
              bv_ref, bi_ref, *, nblk, v_len):
    i = pl.program_id(0)
    lt = lg_ref[...].reshape(B, VT3)
    mnb = mn_ref[...]
    mxb = mx_ref[...]
    t1 = (lt - mnb) * s1_ref[...]
    bin1 = jnp.minimum(t1.astype(jnp.int32), NB - 1)
    b1f = b1_ref[...]
    b1i = b1f.astype(jnp.int32)
    lo2 = mnb + b1f * w1_ref[...]
    t2 = (lt - lo2) * s2_ref[...]
    bin2 = jnp.clip(t2.astype(jnp.int32), 0, NB - 1)
    b2i = b2_ref[...].astype(jnp.int32)
    kept = (bin1 > b1i) | ((bin1 == b1i) & (bin2 >= b2i))
    e = jnp.exp(lt - mxb)
    p2 = jnp.where(kept, e / z2_ref[...], jnp.float32(0.0))
    z = jnp.log(p2 + NEG_EPS)

    col = lax.broadcasted_iota(jnp.int32, lt.shape, 1) + i * VT3
    g = g_ref[...].reshape(B, VT3)
    s = jnp.where(col < v_len, g + z, -jnp.inf)
    bmax = jnp.max(s, axis=1, keepdims=True)
    cand = jnp.where(s == bmax, col, jnp.int32(2**31 - 1))
    bidx = jnp.min(cand, axis=1, keepdims=True)
    bmax_b = jnp.broadcast_to(bmax, (B, 128))
    bidx_b = jnp.broadcast_to(bidx, (B, 128))

    @pl.when(i == 0)
    def _():
        bv_ref[...] = bmax_b
        bi_ref[...] = bidx_b

    @pl.when(i > 0)
    def _():
        upd = bmax_b > bv_ref[...]
        bv_ref[...] = jnp.where(upd, bmax_b, bv_ref[...])
        bi_ref[...] = jnp.where(upd, bidx_b, bi_ref[...])

    @pl.when(i == nblk - 1)
    def _():
        ids_ref[...] = jnp.min(bi_ref[...], axis=1, keepdims=True)


def _stage3(logits3d, gum3d, mn, mx, s1, w1, s2, b1f, b2f, z2, v_real=V):
    nblk = logits3d.shape[1] // (VT3 // 128)
    return pl.pallas_call(
        functools.partial(_smp_body, nblk=nblk, v_len=v_real),
        grid=(nblk,),
        in_specs=[pl.BlockSpec((B, VT3 // 128, 128), lambda i: (0, i, 0)),
                  pl.BlockSpec((B, VT3 // 128, 128), lambda i: (0, i, 0))] + [
            pl.BlockSpec((B, 1), lambda i: (0, 0)) for _ in range(8)],
        out_specs=pl.BlockSpec((B, 1), lambda i: (0, 0)),
        out_shape=jax.ShapeDtypeStruct((B, 1), jnp.int32),
        scratch_shapes=[
            pltpu.VMEM((B, 128), jnp.float32),
            pltpu.VMEM((B, 128), jnp.int32),
        ],
    )(logits3d, gum3d, mn, mx, s1, w1, s2, b1f, b2f, z2)



def kernel(hidden_states, temperature, top_p, embd_weight):
    temp2 = temperature.reshape(B, 1)
    logits3d, mn, mx = _stage1(hidden_states, temp2, embd_weight)
    s1 = NBF / (mx - mn)
    w1 = (mx - mn) / NBF
    s2 = NBF / w1
    gum3d = _stage_gum(logits3d.shape[1])
    params = _stage2(logits3d, mn.reshape(B), mx.reshape(B), top_p,
                     s1.reshape(B), w1.reshape(B), s2.reshape(B)).reshape(B, 16)
    b1f = params[:, 0:1]
    b2f = params[:, 1:2]
    z2 = params[:, 2:3]
    ids2 = _stage3(logits3d, gum3d, mn, mx, s1, w1, s2, b1f, b2f, z2)
    return ids2.reshape(B)

# --- scband reference (transcript-rebuilt; emitter-appended) ---
"""Pipeline reference for scband-sampler-31061203484873 (READ-ONLY COPY).

The authoritative reference and input builder live on the scoring server;
editing this copy changes nothing except your own understanding.
"""

import jax, jax.numpy as jnp
import numpy as np

B = 32
D = 128
VOCAB = 1000000

def setup_inputs(seed: int = 0) -> dict:
    key = jax.random.key(seed)
    k1, k2, k3, k4 = jax.random.split(key, 4)
    hidden_states = jax.random.normal(k1, (B, D), dtype=jnp.float32)
    embd_weight = (jax.random.normal(k2, (VOCAB, D), dtype=jnp.float32) * 0.02)
    temperature = jax.random.uniform(k3, (B,), dtype=jnp.float32, minval=0.5, maxval=1.5)
    top_p = jax.random.uniform(k4, (B,), dtype=jnp.float32, minval=0.8, maxval=0.99)
    return {"hidden_states": hidden_states, "temperature": temperature, "top_p": top_p, "embd_weight": embd_weight}

def reference(hidden_states, temperature, top_p, embd_weight):
    # logits = hidden_states @ W^T
    logits = jnp.matmul(hidden_states, embd_weight.T)
    # per-sequence temperature scaling
    logits = logits / temperature[:, None]
    # top-p (nucleus) masking: sort descending
    order = jnp.argsort(-logits, axis=-1)
    sorted_logits = jnp.take_along_axis(logits, order, axis=-1)
    sorted_probs = jax.nn.softmax(sorted_logits, axis=-1)
    sum_probs = jnp.cumsum(sorted_probs, axis=-1)
    mask = (sum_probs - sorted_probs) > top_p[:, None]
    sorted_logits = jnp.where(mask, -jnp.inf, sorted_logits)
    # scatter back to original order via inverse permutation
    inv = jnp.argsort(order, axis=-1)
    logits = jnp.take_along_axis(sorted_logits, inv, axis=-1)
    probs = jax.nn.softmax(logits, axis=-1)
    # multinomial sampling (1 sample per row) == categorical
    ids = jax.random.categorical(jax.random.key(42), jnp.log(probs + 1e-38), axis=-1)
    return ids

if __name__ == "__main__":
    import jax
    _d = setup_inputs()
    print(jax.jit(kernel)(*tuple(_d.values())))

</pallas_src>

<mosaic_0001>
#map = affine_map<(d0, d1) -> (0, 0, 0)>
#map1 = affine_map<(d0, d1) -> (0)>
module attributes {stable_mosaic.version = 14 : i64} {
  func.func @_sc_body(%arg0: i32, %arg1: i32, %arg2: memref<32x7872x128xf32, #tpu.memory_space<hbm>>, %arg3: memref<32xf32, #tpu.memory_space<hbm>>, %arg4: memref<32xf32, #tpu.memory_space<hbm>>, %arg5: memref<32xf32, #tpu.memory_space<hbm>>, %arg6: memref<32xf32, #tpu.memory_space<hbm>>, %arg7: memref<32xf32, #tpu.memory_space<hbm>>, %arg8: memref<32xf32, #tpu.memory_space<hbm>>, %arg9: memref<32x1x16xf32, #tpu.memory_space<hbm>>, %arg10: memref<96x128xf32, #tpu.memory_space<vmem>>, %arg11: memref<96x128xf32, #tpu.memory_space<vmem>>, %arg12: memref<!tpu.dma_semaphore, #tpu.memory_space<semaphore_mem>>, %arg13: memref<!tpu.dma_semaphore, #tpu.memory_space<semaphore_mem>>, %arg14: memref<65536xf32, #tpu.memory_space<vmem>>, %arg15: memref<4096xf32, #tpu.memory_space<vmem>>, %arg16: memref<32xf32, #tpu.memory_space<vmem>>, %arg17: memref<32xf32, #tpu.memory_space<vmem>>, %arg18: memref<32xf32, #tpu.memory_space<vmem>>, %arg19: memref<32xf32, #tpu.memory_space<vmem>>, %arg20: memref<32xf32, #tpu.memory_space<vmem>>, %arg21: memref<32xf32, #tpu.memory_space<vmem>>, %arg22: memref<1x16xf32, #tpu.memory_space<vmem>>) attributes {dimension_semantics = [#tpu.dimension_semantics<core_parallel>, #tpu.dimension_semantics<subcore_parallel>], iteration_bounds = array<i64: 2, 16>, scalar_prefetch = 0 : i64, scratch_operands = 13 : i64, tpu.core_type = #tpu.core_type<sc_vector_subcore>, window_params = [{transform_indices = #map}, {transform_indices = #map1}, {transform_indices = #map1}, {transform_indices = #map1}, {transform_indices = #map1}, {transform_indices = #map1}, {transform_indices = #map1}, {transform_indices = #map}]} {
    %mul3A = arith.constant 2 : i32
    %mul3A_0 = arith.muli %arg1, %mul3A : i32
    %add3A = arith.addi %mul3A_0, %arg0 : i32
    "tpu.region"() ({
      %run_scoped3A = tpu.sem_alloc : memref<!tpu.dma_semaphore, #tpu.memory_space<semaphore_mem>>
      tpu.enqueue_dma source(%arg3 : memref<32xf32, #tpu.memory_space<hbm>>) target(%arg16 : memref<32xf32, #tpu.memory_space<vmem>>) target_semaphore(%run_scoped3A : memref<!tpu.dma_semaphore, #tpu.memory_space<semaphore_mem>>)
      tpu.wait_dma2 semaphore(%run_scoped3A : memref<!tpu.dma_semaphore, #tpu.memory_space<semaphore_mem>>) src(%arg3 : memref<32xf32, #tpu.memory_space<hbm>>) dst(%arg16 : memref<32xf32, #tpu.memory_space<vmem>>)
      tpu.yield
    }) : () -> ()
    "tpu.region"() ({
      %run_scoped3A = tpu.sem_alloc : memref<!tpu.dma_semaphore, #tpu.memory_space<semaphore_mem>>
      tpu.enqueue_dma source(%arg4 : memref<32xf32, #tpu.memory_space<hbm>>) target(%arg17 : memref<32xf32, #tpu.memory_space<vmem>>) target_semaphore(%run_scoped3A : memref<!tpu.dma_semaphore, #tpu.memory_space<semaphore_mem>>)
      tpu.wait_dma2 semaphore(%run_scoped3A : memref<!tpu.dma_semaphore, #tpu.memory_space<semaphore_mem>>) src(%arg4 : memref<32xf32, #tpu.memory_space<hbm>>) dst(%arg17 : memref<32xf32, #tpu.memory_space<vmem>>)
      tpu.yield
    }) : () -> ()
    "tpu.region"() ({
      %run_scoped3A = tpu.sem_alloc : memref<!tpu.dma_semaphore, #tpu.memory_space<semaphore_mem>>
      tpu.enqueue_dma source(%arg5 : memref<32xf32, #tpu.memory_space<hbm>>) target(%arg18 : memref<32xf32, #tpu.memory_space<vmem>>) target_semaphore(%run_scoped3A : memref<!tpu.dma_semaphore, #tpu.memory_space<semaphore_mem>>)
      tpu.wait_dma2 semaphore(%run_scoped3A : memref<!tpu.dma_semaphore, #tpu.memory_space<semaphore_mem>>) src(%arg5 : memref<32xf32, #tpu.memory_space<hbm>>) dst(%arg18 : memref<32xf32, #tpu.memory_space<vmem>>)
      tpu.yield
    }) : () -> ()
    "tpu.region"() ({
      %run_scoped3A = tpu.sem_alloc : memref<!tpu.dma_semaphore, #tpu.memory_space<semaphore_mem>>
      tpu.enqueue_dma source(%arg6 : memref<32xf32, #tpu.memory_space<hbm>>) target(%arg19 : memref<32xf32, #tpu.memory_space<vmem>>) target_semaphore(%run_scoped3A : memref<!tpu.dma_semaphore, #tpu.memory_space<semaphore_mem>>)
      tpu.wait_dma2 semaphore(%run_scoped3A : memref<!tpu.dma_semaphore, #tpu.memory_space<semaphore_mem>>) src(%arg6 : memref<32xf32, #tpu.memory_space<hbm>>) dst(%arg19 : memref<32xf32, #tpu.memory_space<vmem>>)
      tpu.yield
    }) : () -> ()
    "tpu.region"() ({
      %run_scoped3A = tpu.sem_alloc : memref<!tpu.dma_semaphore, #tpu.memory_space<semaphore_mem>>
      tpu.enqueue_dma source(%arg7 : memref<32xf32, #tpu.memory_space<hbm>>) target(%arg20 : memref<32xf32, #tpu.memory_space<vmem>>) target_semaphore(%run_scoped3A : memref<!tpu.dma_semaphore, #tpu.memory_space<semaphore_mem>>)
      tpu.wait_dma2 semaphore(%run_scoped3A : memref<!tpu.dma_semaphore, #tpu.memory_space<semaphore_mem>>) src(%arg7 : memref<32xf32, #tpu.memory_space<hbm>>) dst(%arg20 : memref<32xf32, #tpu.memory_space<vmem>>)
      tpu.yield
    }) : () -> ()
    "tpu.region"() ({
      %run_scoped3A = tpu.sem_alloc : memref<!tpu.dma_semaphore, #tpu.memory_space<semaphore_mem>>
      tpu.enqueue_dma source(%arg8 : memref<32xf32, #tpu.memory_space<hbm>>) target(%arg21 : memref<32xf32, #tpu.memory_space<vmem>>) target_semaphore(%run_scoped3A : memref<!tpu.dma_semaphore, #tpu.memory_space<semaphore_mem>>)
      tpu.wait_dma2 semaphore(%run_scoped3A : memref<!tpu.dma_semaphore, #tpu.memory_space<semaphore_mem>>) src(%arg8 : memref<32xf32, #tpu.memory_space<hbm>>) dst(%arg21 : memref<32xf32, #tpu.memory_space<vmem>>)
      tpu.yield
    }) : () -> ()
    %jit3A = arith.constant 16 : i32
    %div3A = arith.divsi %add3A, %jit3A : i32
    %sign3A = arith.constant 0 : i32
    %sign3A_1 = arith.cmpi sgt, %add3A, %sign3A : i32
    %sign3A_2 = arith.extui %sign3A_1 : i1 to i32
    %sign3A_3 = arith.constant 0 : i32
    %sign3A_4 = arith.cmpi slt, %add3A, %sign3A_3 : i32
    %sign3A_5 = arith.extui %sign3A_4 : i1 to i32
    %sign3A_6 = arith.subi %sign3A_2, %sign3A_5 : i32
    %sign3A_7 = arith.constant 0 : i32
    %sign3A_8 = arith.cmpi sgt, %jit3A, %sign3A_7 : i32
    %sign3A_9 = arith.extui %sign3A_8 : i1 to i32
    %sign3A_10 = arith.constant 0 : i32
    %sign3A_11 = arith.cmpi slt, %jit3A, %sign3A_10 : i32
    %sign3A_12 = arith.extui %sign3A_11 : i1 to i32
    %sign3A_13 = arith.subi %sign3A_9, %sign3A_12 : i32
    %ne3A = arith.cmpi ne, %sign3A_6, %sign3A_13 : i32
    %rem3A = arith.remsi %add3A, %jit3A : i32
    %ne3A_14 = arith.constant 0 : i32
    %ne3A_15 = arith.cmpi ne, %rem3A, %ne3A_14 : i32
    %and3A = arith.andi %ne3A, %ne3A_15 : i1
    %sub3A = arith.constant 1 : i32
    %sub3A_16 = arith.subi %div3A, %sub3A : i32
    %select_n3A = arith.select %and3A, %sub3A_16, %div3A : i32
    %mul3A_17 = arith.constant 16 : i32
    %mul3A_18 = arith.muli %select_n3A, %mul3A_17 : i32
    %jit3A_19 = arith.constant 16 : i32
    %eq3A = arith.constant 0 : i32
    %eq3A_20 = arith.cmpi eq, %jit3A_19, %eq3A : i32
    %jit3A_21 = arith.constant 1 : i32
    %select_n3A_22 = arith.select %eq3A_20, %jit3A_21, %jit3A_19 : i32
    %rem3A_23 = arith.remsi %add3A, %select_n3A_22 : i32
    %ne3A_24 = arith.constant 0 : i32
    %ne3A_25 = arith.cmpi ne, %rem3A_23, %ne3A_24 : i32
    %lt3A = arith.constant 0 : i32
    %lt3A_26 = arith.cmpi slt, %rem3A_23, %lt3A : i32
    %lt3A_27 = arith.constant 0 : i32
    %lt3A_28 = arith.cmpi slt, %select_n3A_22, %lt3A_27 : i32
    %ne3A_29 = arith.xori %lt3A_26, %lt3A_28 : i1
    %and3A_30 = arith.andi %ne3A_29, %ne3A_25 : i1
    %add3A_31 = arith.addi %rem3A_23, %select_n3A_22 : i32
    %select_n3A_32 = arith.select %and3A_30, %add3A_31, %rem3A_23 : i32
    %get3A = arith.index_cast %mul3A_18 : i32 to index
    %get3A_33 = tpu.vector_load %arg16[%get3A] {strides = array<i32>} : memref<32xf32, #tpu.memory_space<vmem>>, vector<16xf32>,
    %iota3A = tpu.iota {dimensions = array<i32: 0>} : vector<16xi32>
    %eq3A_34 = vector.broadcast %select_n3A_32 : i32 to vector<16xi32>
    %eq3A_35 = arith.cmpi eq, %iota3A, %eq3A_34 : vector<16xi32>
    %jit3A_36 = arith.constant 0xFF800000 : f32
    %broadcast_in_dim3A = vector.broadcast %jit3A_36 : f32 to vector<16xf32>
    %select_n3A_37 = arith.select %eq3A_35, %get3A_33, %broadcast_in_dim3A : vector<16xi1>, vector<16xf32>
    %reduce_max3A = arith.constant true
    %reduce_max3A_38 = vector.broadcast %reduce_max3A : i1 to vector<16xi1>
    %reduce_max3A_39 = tpu.scan <max>, %select_n3A_37 masked %reduce_max3A_38 : vector<16xf32>, vector<16xi1> -> vector<16xf32>
    %reduce_max3A_40 = vector.extract %reduce_max3A_39[15] : f32 from vector<16xf32>
    %get3A_41 = arith.index_cast %mul3A_18 : i32 to index
    %get3A_42 = tpu.vector_load %arg17[%get3A_41] {strides = array<i32>} : memref<32xf32, #tpu.memory_space<vmem>>, vector<16xf32>,
    %iota3A_43 = tpu.iota {dimensions = array<i32: 0>} : vector<16xi32>
    %eq3A_44 = vector.broadcast %select_n3A_32 : i32 to vector<16xi32>
    %eq3A_45 = arith.cmpi eq, %iota3A_43, %eq3A_44 : vector<16xi32>
    %jit3A_46 = arith.constant 0xFF800000 : f32
    %broadcast_in_dim3A_47 = vector.broadcast %jit3A_46 : f32 to vector<16xf32>
    %select_n3A_48 = arith.select %eq3A_45, %get3A_42, %broadcast_in_dim3A_47 : vector<16xi1>, vector<16xf32>
    %reduce_max3A_49 = arith.constant true
    %reduce_max3A_50 = vector.broadcast %reduce_max3A_49 : i1 to vector<16xi1>
    %reduce_max3A_51 = tpu.scan <max>, %select_n3A_48 masked %reduce_max3A_50 : vector<16xf32>, vector<16xi1> -> vector<16xf32>
    %reduce_max3A_52 = vector.extract %reduce_max3A_51[15] : f32 from vector<16xf32>
    %get3A_53 = arith.index_cast %mul3A_18 : i32 to index
    %get3A_54 = tpu.vector_load %arg18[%get3A_53] {strides = array<i32>} : memref<32xf32, #tpu.memory_space<vmem>>, vector<16xf32>,
    %iota3A_55 = tpu.iota {dimensions = array<i32: 0>} : vector<16xi32>
    %eq3A_56 = vector.broadcast %select_n3A_32 : i32 to vector<16xi32>
    %eq3A_57 = arith.cmpi eq, %iota3A_55, %eq3A_56 : vector<16xi32>
    %jit3A_58 = arith.constant 0xFF800000 : f32
    %broadcast_in_dim3A_59 = vector.broadcast %jit3A_58 : f32 to vector<16xf32>
    %select_n3A_60 = arith.select %eq3A_57, %get3A_54, %broadcast_in_dim3A_59 : vector<16xi1>, vector<16xf32>
    %reduce_max3A_61 = arith.constant true
    %reduce_max3A_62 = vector.broadcast %reduce_max3A_61 : i1 to vector<16xi1>
    %reduce_max3A_63 = tpu.scan <max>, %select_n3A_60 masked %reduce_max3A_62 : vector<16xf32>, vector<16xi1> -> vector<16xf32>
    %reduce_max3A_64 = vector.extract %reduce_max3A_63[15] : f32 from vector<16xf32>
    %get3A_65 = arith.index_cast %mul3A_18 : i32 to index
    %get3A_66 = tpu.vector_load %arg19[%get3A_65] {strides = array<i32>} : memref<32xf32, #tpu.memory_space<vmem>>, vector<16xf32>,
    %iota3A_67 = tpu.iota {dimensions = array<i32: 0>} : vector<16xi32>
    %eq3A_68 = vector.broadcast %select_n3A_32 : i32 to vector<16xi32>
    %eq3A_69 = arith.cmpi eq, %iota3A_67, %eq3A_68 : vector<16xi32>
    %jit3A_70 = arith.constant 0xFF800000 : f32
    %broadcast_in_dim3A_71 = vector.broadcast %jit3A_70 : f32 to vector<16xf32>
    %select_n3A_72 = arith.select %eq3A_69, %get3A_66, %broadcast_in_dim3A_71 : vector<16xi1>, vector<16xf32>
    %reduce_max3A_73 = arith.constant true
    %reduce_max3A_74 = vector.broadcast %reduce_max3A_73 : i1 to vector<16xi1>
    %reduce_max3A_75 = tpu.scan <max>, %select_n3A_72 masked %reduce_max3A_74 : vector<16xf32>, vector<16xi1> -> vector<16xf32>
    %reduce_max3A_76 = vector.extract %reduce_max3A_75[15] : f32 from vector<16xf32>
    %get3A_77 = arith.index_cast %mul3A_18 : i32 to index
    %get3A_78 = tpu.vector_load %arg20[%get3A_77] {strides = array<i32>} : memref<32xf32, #tpu.memory_space<vmem>>, vector<16xf32>,
    %iota3A_79 = tpu.iota {dimensions = array<i32: 0>} : vector<16xi32>
    %eq3A_80 = vector.broadcast %select_n3A_32 : i32 to vector<16xi32>
    %eq3A_81 = arith.cmpi eq, %iota3A_79, %eq3A_80 : vector<16xi32>
    %jit3A_82 = arith.constant 0xFF800000 : f32
    %broadcast_in_dim3A_83 = vector.broadcast %jit3A_82 : f32 to vector<16xf32>
    %select_n3A_84 = arith.select %eq3A_81, %get3A_78, %broadcast_in_dim3A_83 : vector<16xi1>, vector<16xf32>
    %reduce_max3A_85 = arith.constant true
    %reduce_max3A_86 = vector.broadcast %reduce_max3A_85 : i1 to vector<16xi1>
    %reduce_max3A_87 = tpu.scan <max>, %select_n3A_84 masked %reduce_max3A_86 : vector<16xf32>, vector<16xi1> -> vector<16xf32>
    %reduce_max3A_88 = vector.extract %reduce_max3A_87[15] : f32 from vector<16xf32>
    %get3A_89 = arith.index_cast %mul3A_18 : i32 to index
    %get3A_90 = tpu.vector_load %arg21[%get3A_89] {strides = array<i32>} : memref<32xf32, #tpu.memory_space<vmem>>, vector<16xf32>,
    %iota3A_91 = tpu.iota {dimensions = array<i32: 0>} : vector<16xi32>
    %eq3A_92 = vector.broadcast %select_n3A_32 : i32 to vector<16xi32>
    %eq3A_93 = arith.cmpi eq, %iota3A_91, %eq3A_92 : vector<16xi32>
    %jit3A_94 = arith.constant 0xFF800000 : f32
    %broadcast_in_dim3A_95 = vector.broadcast %jit3A_94 : f32 to vector<16xf32>
    %select_n3A_96 = arith.select %eq3A_93, %get3A_90, %broadcast_in_dim3A_95 : vector<16xi1>, vector<16xf32>
    %reduce_max3A_97 = arith.constant true
    %reduce_max3A_98 = vector.broadcast %reduce_max3A_97 : i1 to vector<16xi1>
    %reduce_max3A_99 = tpu.scan <max>, %select_n3A_96 masked %reduce_max3A_98 : vector<16xf32>, vector<16xi1> -> vector<16xf32>
    %reduce_max3A_100 = vector.extract %reduce_max3A_99[15] : f32 from vector<16xf32>
    %broadcast_in_dim3A_101 = vector.broadcast %reduce_max3A_40 : f32 to vector<16xf32>
    %broadcast_in_dim3A_102 = vector.broadcast %reduce_max3A_52 : f32 to vector<16xf32>
    %broadcast_in_dim3A_103 = vector.broadcast %reduce_max3A_76 : f32 to vector<16xf32>
    %iota3A_104 = tpu.iota {dimensions = array<i32: 0>} : vector<16xi32>
    %mul3A_105 = arith.constant 4096 : i32
    %mul3A_106 = vector.broadcast %mul3A_105 : i32 to vector<16xi32>
    %mul3A_107 = arith.muli %iota3A_104, %mul3A_106 : vector<16xi32>
    %scan3A = arith.constant 0 : i32
    %scan3A_108 = arith.constant 0 : i32
    %scan3A_109 = arith.constant 4096 : i32
    %scan3A_110 = arith.addi %scan3A_108, %scan3A_109 : i32
    %scan3A_111 = arith.constant 1 : i32
    scf.for %scan3A_228 = %scan3A_108 to %scan3A_110 step %scan3A_111  : i32 {
      %broadcast_in_dim3A_229 = arith.constant 0.000000e+00 : f32
      %broadcast_in_dim3A_230 = vector.broadcast %broadcast_in_dim3A_229 : f32 to vector<16xf32>
      %mul3A_231 = arith.constant 16 : i32
      %mul3A_232 = arith.muli %scan3A_228, %mul3A_231 : i32
      %swap3A_233 = arith.index_cast %mul3A_232 : i32 to index
      %swap3A_234 = tpu.vector_load %arg14[%swap3A_233] {strides = array<i32>} : memref<65536xf32, #tpu.memory_space<vmem>>, vector<16xf32>,
      tpu.vector_store %arg14[%swap3A_233], %broadcast_in_dim3A_230 {strides = array<i32>} : memref<65536xf32, #tpu.memory_space<vmem>>, vector<16xf32>,
    }
    %scan3A_112 = arith.constant 4096 : i32
    %dma_start3A = arith.constant 0 : i32
    %dma_start3A_113 = arith.constant 0 : i32
    %dma_start3A_114 = tpu.memref_slice %arg2[%add3A, %dma_start3A, %dma_start3A_113] : memref<32x7872x128xf32, #tpu.memory_space<hbm>> -> memref<1x96x128xf32, #tpu.memory_space<hbm>>
    %dma_start3A_115 = tpu.memref_squeeze %dma_start3A_114 : memref<1x96x128xf32, #tpu.memory_space<hbm>> -> memref<96x128xf32, #tpu.memory_space<hbm>>
    %dma_start3A_116 = arith.constant 0 : i32
    %dma_start3A_117 = arith.constant 0 : i32
    %dma_start3A_118 = tpu.memref_slice %arg2[%add3A, %dma_start3A_116, %dma_start3A_117] : memref<32x7872x128xf32, #tpu.memory_space<hbm>> -> memref<1x96x128xf32, #tpu.memory_space<hbm>>
    %dma_start3A_119 = tpu.memref_squeeze %dma_start3A_118 : memref<1x96x128xf32, #tpu.memory_space<hbm>> -> memref<96x128xf32, #tpu.memory_space<hbm>>
    tpu.enqueue_dma source(%dma_start3A_119 : memref<96x128xf32, #tpu.memory_space<hbm>>) target(%arg10 : memref<96x128xf32, #tpu.memory_space<vmem>>) target_semaphore(%arg12 : memref<!tpu.dma_semaphore, #tpu.memory_space<semaphore_mem>>)
    %dma_start3A_120 = arith.constant 96 : i32
    %dma_start3A_121 = arith.constant 0 : i32
    %dma_start3A_122 = tpu.memref_slice %arg2[%add3A, %dma_start3A_120, %dma_start3A_121] : memref<32x7872x128xf32, #tpu.memory_space<hbm>> -> memref<1x96x128xf32, #tpu.memory_space<hbm>>
    %dma_start3A_123 = tpu.memref_squeeze %dma_start3A_122 : memref<1x96x128xf32, #tpu.memory_space<hbm>> -> memref<96x128xf32, #tpu.memory_space<hbm>>
    %dma_start3A_124 = arith.constant 96 : i32
    %dma_start3A_125 = arith.constant 0 : i32
    %dma_start3A_126 = tpu.memref_slice %arg2[%add3A, %dma_start3A_124, %dma_start3A_125] : memref<32x7872x128xf32, #tpu.memory_space<hbm>> -> memref<1x96x128xf32, #tpu.memory_space<hbm>>
    %dma_start3A_127 = tpu.memref_squeeze %dma_start3A_126 : memref<1x96x128xf32, #tpu.memory_space<hbm>> -> memref<96x128xf32, #tpu.memory_space<hbm>>
    tpu.enqueue_dma source(%dma_start3A_127 : memref<96x128xf32, #tpu.memory_space<hbm>>) target(%arg11 : memref<96x128xf32, #tpu.memory_space<vmem>>) target_semaphore(%arg13 : memref<!tpu.dma_semaphore, #tpu.memory_space<semaphore_mem>>)
    %scan3A_128 = arith.constant 0 : i32
    %scan3A_129 = arith.constant 0 : i32
    %scan3A_130 = arith.constant 41 : i32
    %scan3A_131 = arith.addi %scan3A_129, %scan3A_130 : i32
    %scan3A_132 = arith.constant 1 : i32
    %scan3A_133 = scf.for %scan3A_228 = %scan3A_129 to %scan3A_131 step %scan3A_132 iter_args(%scan3A_229 = %scan3A_128) -> (i32)  : i32 {
      %mul3A_230 = arith.constant 2 : i32
      %mul3A_231 = arith.muli %scan3A_228, %mul3A_230 : i32
      %add3A_232 = arith.constant 0 : i32
      %add3A_233 = arith.addi %mul3A_231, %add3A_232 : i32
      %dma_wait3A = arith.constant 0 : i32
      %dma_wait3A_234 = arith.constant 0 : i32
      %dma_wait3A_235 = tpu.memref_slice %arg2[%add3A, %dma_wait3A, %dma_wait3A_234] : memref<32x7872x128xf32, #tpu.memory_space<hbm>> -> memref<1x96x128xf32, #tpu.memory_space<hbm>>
      %dma_wait3A_236 = tpu.memref_squeeze %dma_wait3A_235 : memref<1x96x128xf32, #tpu.memory_space<hbm>> -> memref<96x128xf32, #tpu.memory_space<hbm>>
      %dma_wait3A_237 = arith.constant 0 : i32
      %dma_wait3A_238 = arith.constant 0 : i32
      %dma_wait3A_239 = tpu.memref_slice %arg2[%add3A, %dma_wait3A_237, %dma_wait3A_238] : memref<32x7872x128xf32, #tpu.memory_space<hbm>> -> memref<1x96x128xf32, #tpu.memory_space<hbm>>
      %dma_wait3A_240 = tpu.memref_squeeze %dma_wait3A_239 : memref<1x96x128xf32, #tpu.memory_space<hbm>> -> memref<96x128xf32, #tpu.memory_space<hbm>>
      tpu.wait_dma2 semaphore(%arg12 : memref<!tpu.dma_semaphore, #tpu.memory_space<semaphore_mem>>) src(%dma_wait3A_240 : memref<96x128xf32, #tpu.memory_space<hbm>>) dst(%arg10 : memref<96x128xf32, #tpu.memory_space<vmem>>)
      %parallel_loop3A = arith.constant 0 : i32
      %parallel_loop3A_241 = arith.constant 768 : i32
      %parallel_loop3A_242 = arith.constant 1 : i32
      scf.for %parallel_loop3A_272 = %parallel_loop3A to %parallel_loop3A_241 step %parallel_loop3A_242  : i32 {
        %parallel_loop3A_273 = arith.constant 3 : i32
        %parallel_loop3A_274 = arith.shrsi %parallel_loop3A_272, %parallel_loop3A_273 : i32
        %parallel_loop3A_275 = arith.constant 7 : i32
        %parallel_loop3A_276 = arith.andi %parallel_loop3A_272, %parallel_loop3A_275 : i32
        %parallel_loop3A_277 = arith.constant 16 : i32
        %parallel_loop3A_278 = arith.muli %parallel_loop3A_276, %parallel_loop3A_277 : i32
        %parallel_loop3A_279 = arith.index_cast %parallel_loop3A_274 : i32 to index
        %parallel_loop3A_280 = arith.index_cast %parallel_loop3A_278 : i32 to index
        %parallel_loop3A_281 = tpu.vector_load %arg10[%parallel_loop3A_279, %parallel_loop3A_280] {strides = array<i32>} : memref<96x128xf32, #tpu.memory_space<vmem>>, vector<16xf32>,
        %parallel_loop3A_282 = arith.subf %parallel_loop3A_281, %broadcast_in_dim3A_102 : vector<16xf32>
        %parallel_loop3A_283 = math.exp %parallel_loop3A_282 : vector<16xf32>
        %parallel_loop3A_284 = arith.subf %parallel_loop3A_281, %broadcast_in_dim3A_101 : vector<16xf32>
        %parallel_loop3A_285 = arith.mulf %parallel_loop3A_284, %broadcast_in_dim3A_103 : vector<16xf32>
        %parallel_loop3A_286 = arith.fptosi %parallel_loop3A_285 : vector<16xf32> to vector<16xi32>
        %parallel_loop3A_287 = arith.constant 0 : i32
        %parallel_loop3A_288 = arith.constant 4095 : i32
        %parallel_loop3A_289 = vector.broadcast %parallel_loop3A_287 : i32 to vector<16xi32>
        %parallel_loop3A_290 = arith.maxsi %parallel_loop3A_289, %parallel_loop3A_286 : vector<16xi32>
        %parallel_loop3A_291 = vector.broadcast %parallel_loop3A_288 : i32 to vector<16xi32>
        %parallel_loop3A_292 = arith.minsi %parallel_loop3A_291, %parallel_loop3A_290 : vector<16xi32>
        %parallel_loop3A_293 = arith.addi %mul3A_107, %parallel_loop3A_292 : vector<16xi32>
        tpu.vector_store_idx %arg14[%parallel_loop3A_293], %parallel_loop3A_283 {add = true} : memref<65536xf32, #tpu.memory_space<vmem>>[vector<16xi32>], vector<16xf32>,
      } {sc.loop_unroll_factor = 8 : i64, sc.parallel_access}
      %add3A_243 = arith.constant 2 : i32
      %add3A_244 = arith.addi %add3A_233, %add3A_243 : i32
      %lt3A_245 = arith.constant 82 : i32
      %lt3A_246 = arith.cmpi slt, %add3A_244, %lt3A_245 : i32
      %convert_element_type3A_247 = arith.extui %lt3A_246 : i1 to i32
      %cond3A = arith.constant 0 : i32
      %cond3A_248 = arith.cmpi ne, %convert_element_type3A_247, %cond3A : i32
      scf.if %cond3A_248 {
        %add3A_272 = arith.constant 2 : i32
        %add3A_273 = arith.addi %add3A_233, %add3A_272 : i32
        %mul3A_274 = arith.constant 96 : i32
        %mul3A_275 = arith.muli %add3A_273, %mul3A_274 : i32
        %dma_start3A_276 = arith.constant 0 : i32
        %dma_start3A_277 = tpu.memref_slice %arg2[%add3A, %mul3A_275, %dma_start3A_276] : memref<32x7872x128xf32, #tpu.memory_space<hbm>> -> memref<1x96x128xf32, #tpu.memory_space<hbm>>
        %dma_start3A_278 = tpu.memref_squeeze %dma_start3A_277 : memref<1x96x128xf32, #tpu.memory_space<hbm>> -> memref<96x128xf32, #tpu.memory_space<hbm>>
        %dma_start3A_279 = arith.constant 0 : i32
        %dma_start3A_280 = tpu.memref_slice %arg2[%add3A, %mul3A_275, %dma_start3A_279] : memref<32x7872x128xf32, #tpu.memory_space<hbm>> -> memref<1x96x128xf32, #tpu.memory_space<hbm>>
        %dma_start3A_281 = tpu.memref_squeeze %dma_start3A_280 : memref<1x96x128xf32, #tpu.memory_space<hbm>> -> memref<96x128xf32, #tpu.memory_space<hbm>>
        tpu.enqueue_dma source(%dma_start3A_281 : memref<96x128xf32, #tpu.memory_space<hbm>>) target(%arg10 : memref<96x128xf32, #tpu.memory_space<vmem>>) target_semaphore(%arg12 : memref<!tpu.dma_semaphore, #tpu.memory_space<semaphore_mem>>)
      } else {
      }
      %mul3A_249 = arith.constant 2 : i32
      %mul3A_250 = arith.muli %scan3A_228, %mul3A_249 : i32
      %add3A_251 = arith.constant 1 : i32
      %add3A_252 = arith.addi %mul3A_250, %add3A_251 : i32
      %dma_wait3A_253 = arith.constant 0 : i32
      %dma_wait3A_254 = arith.constant 0 : i32
      %dma_wait3A_255 = tpu.memref_slice %arg2[%add3A, %dma_wait3A_253, %dma_wait3A_254] : memref<32x7872x128xf32, #tpu.memory_space<hbm>> -> memref<1x96x128xf32, #tpu.memory_space<hbm>>
      %dma_wait3A_256 = tpu.memref_squeeze %dma_wait3A_255 : memref<1x96x128xf32, #tpu.memory_space<hbm>> -> memref<96x128xf32, #tpu.memory_space<hbm>>
      %dma_wait3A_257 = arith.constant 0 : i32
      %dma_wait3A_258 = arith.constant 0 : i32
      %dma_wait3A_259 = tpu.memref_slice %arg2[%add3A, %dma_wait3A_257, %dma_wait3A_258] : memref<32x7872x128xf32, #tpu.memory_space<hbm>> -> memref<1x96x128xf32, #tpu.memory_space<hbm>>
      %dma_wait3A_260 = tpu.memref_squeeze %dma_wait3A_259 : memref<1x96x128xf32, #tpu.memory_space<hbm>> -> memref<96x128xf32, #tpu.memory_space<hbm>>
      tpu.wait_dma2 semaphore(%arg13 : memref<!tpu.dma_semaphore, #tpu.memory_space<semaphore_mem>>) src(%dma_wait3A_260 : memref<96x128xf32, #tpu.memory_space<hbm>>) dst(%arg11 : memref<96x128xf32, #tpu.memory_space<vmem>>)
      %parallel_loop3A_261 = arith.constant 0 : i32
      %parallel_loop3A_262 = arith.constant 768 : i32
      %parallel_loop3A_263 = arith.constant 1 : i32
      scf.for %parallel_loop3A_272 = %parallel_loop3A_261 to %parallel_loop3A_262 step %parallel_loop3A_263  : i32 {
        %parallel_loop3A_273 = arith.constant 3 : i32
        %parallel_loop3A_274 = arith.shrsi %parallel_loop3A_272, %parallel_loop3A_273 : i32
        %parallel_loop3A_275 = arith.constant 7 : i32
        %parallel_loop3A_276 = arith.andi %parallel_loop3A_272, %parallel_loop3A_275 : i32
        %parallel_loop3A_277 = arith.constant 16 : i32
        %parallel_loop3A_278 = arith.muli %parallel_loop3A_276, %parallel_loop3A_277 : i32
        %parallel_loop3A_279 = arith.index_cast %parallel_loop3A_274 : i32 to index
        %parallel_loop3A_280 = arith.index_cast %parallel_loop3A_278 : i32 to index
        %parallel_loop3A_281 = tpu.vector_load %arg11[%parallel_loop3A_279, %parallel_loop3A_280] {strides = array<i32>} : memref<96x128xf32, #tpu.memory_space<vmem>>, vector<16xf32>,
        %parallel_loop3A_282 = arith.subf %parallel_loop3A_281, %broadcast_in_dim3A_102 : vector<16xf32>
        %parallel_loop3A_283 = math.exp %parallel_loop3A_282 : vector<16xf32>
        %parallel_loop3A_284 = arith.subf %parallel_loop3A_281, %broadcast_in_dim3A_101 : vector<16xf32>
        %parallel_loop3A_285 = arith.mulf %parallel_loop3A_284, %broadcast_in_dim3A_103 : vector<16xf32>
        %parallel_loop3A_286 = arith.fptosi %parallel_loop3A_285 : vector<16xf32> to vector<16xi32>
        %parallel_loop3A_287 = arith.constant 0 : i32
        %parallel_loop3A_288 = arith.constant 4095 : i32
        %parallel_loop3A_289 = vector.broadcast %parallel_loop3A_287 : i32 to vector<16xi32>
        %parallel_loop3A_290 = arith.maxsi %parallel_loop3A_289, %parallel_loop3A_286 : vector<16xi32>
        %parallel_loop3A_291 = vector.broadcast %parallel_loop3A_288 : i32 to vector<16xi32>
        %parallel_loop3A_292 = arith.minsi %parallel_loop3A_291, %parallel_loop3A_290 : vector<16xi32>
        %parallel_loop3A_293 = arith.addi %mul3A_107, %parallel_loop3A_292 : vector<16xi32>
        tpu.vector_store_idx %arg14[%parallel_loop3A_293], %parallel_loop3A_283 {add = true} : memref<65536xf32, #tpu.memory_space<vmem>>[vector<16xi32>], vector<16xf32>,
      } {sc.loop_unroll_factor = 8 : i64, sc.parallel_access}
      %add3A_264 = arith.constant 2 : i32
      %add3A_265 = arith.addi %add3A_252, %add3A_264 : i32
      %lt3A_266 = arith.constant 82 : i32
      %lt3A_267 = arith.cmpi slt, %add3A_265, %lt3A_266 : i32
      %convert_element_type3A_268 = arith.extui %lt3A_267 : i1 to i32
      %cond3A_269 = arith.constant 0 : i32
      %cond3A_270 = arith.cmpi ne, %convert_element_type3A_268, %cond3A_269 : i32
      scf.if %cond3A_270 {
        %add3A_272 = arith.constant 2 : i32
        %add3A_273 = arith.addi %add3A_252, %add3A_272 : i32
        %mul3A_274 = arith.constant 96 : i32
        %mul3A_275 = arith.muli %add3A_273, %mul3A_274 : i32
        %dma_start3A_276 = arith.constant 0 : i32
        %dma_start3A_277 = tpu.memref_slice %arg2[%add3A, %mul3A_275, %dma_start3A_276] : memref<32x7872x128xf32, #tpu.memory_space<hbm>> -> memref<1x96x128xf32, #tpu.memory_space<hbm>>
        %dma_start3A_278 = tpu.memref_squeeze %dma_start3A_277 : memref<1x96x128xf32, #tpu.memory_space<hbm>> -> memref<96x128xf32, #tpu.memory_space<hbm>>
        %dma_start3A_279 = arith.constant 0 : i32
        %dma_start3A_280 = tpu.memref_slice %arg2[%add3A, %mul3A_275, %dma_start3A_279] : memref<32x7872x128xf32, #tpu.memory_space<hbm>> -> memref<1x96x128xf32, #tpu.memory_space<hbm>>
        %dma_start3A_281 = tpu.memref_squeeze %dma_start3A_280 : memref<1x96x128xf32, #tpu.memory_space<hbm>> -> memref<96x128xf32, #tpu.memory_space<hbm>>
        tpu.enqueue_dma source(%dma_start3A_281 : memref<96x128xf32, #tpu.memory_space<hbm>>) target(%arg11 : memref<96x128xf32, #tpu.memory_space<vmem>>) target_semaphore(%arg13 : memref<!tpu.dma_semaphore, #tpu.memory_space<semaphore_mem>>)
      } else {
      }
      %scan3A_271 = arith.constant 0 : i32
      scf.yield %scan3A_271 : i32
    }
    %scan3A_134 = arith.constant 41 : i32
    %scan3A_135 = arith.constant 0.000000e+00 : f32
    %scan3A_136 = arith.constant 0 : i32
    %scan3A_137 = arith.constant 256 : i32
    %scan3A_138 = arith.addi %scan3A_136, %scan3A_137 : i32
    %scan3A_139 = arith.constant 1 : i32
    %scan3A_140 = scf.for %scan3A_228 = %scan3A_136 to %scan3A_138 step %scan3A_139 iter_args(%scan3A_229 = %scan3A_135) -> (f32)  : i32 {
      %broadcast_in_dim3A_230 = arith.constant 0.000000e+00 : f32
      %broadcast_in_dim3A_231 = vector.broadcast %broadcast_in_dim3A_230 : f32 to vector<16xf32>
      %mul3A_232 = arith.constant 16 : i32
      %mul3A_233 = arith.muli %scan3A_228, %mul3A_232 : i32
      %add3A_234 = arith.constant 0 : i32
      %add3A_235 = arith.addi %add3A_234, %mul3A_233 : i32
      %get3A_236 = arith.index_cast %add3A_235 : i32 to index
      %get3A_237 = tpu.vector_load %arg14[%get3A_236] {strides = array<i32>} : memref<65536xf32, #tpu.memory_space<vmem>>, vector<16xf32>,
      %add3A_238 = arith.addf %broadcast_in_dim3A_231, %get3A_237 : vector<16xf32>
      %mul3A_239 = arith.constant 16 : i32
      %mul3A_240 = arith.muli %scan3A_228, %mul3A_239 : i32
      %add3A_241 = arith.constant 4096 : i32
      %add3A_242 = arith.addi %add3A_241, %mul3A_240 : i32
      %get3A_243 = arith.index_cast %add3A_242 : i32 to index
      %get3A_244 = tpu.vector_load %arg14[%get3A_243] {strides = array<i32>} : memref<65536xf32, #tpu.memory_space<vmem>>, vector<16xf32>,
      %add3A_245 = arith.addf %add3A_238, %get3A_244 : vector<16xf32>
      %mul3A_246 = arith.constant 16 : i32
      %mul3A_247 = arith.muli %scan3A_228, %mul3A_246 : i32
      %add3A_248 = arith.constant 8192 : i32
      %add3A_249 = arith.addi %add3A_248, %mul3A_247 : i32
      %get3A_250 = arith.index_cast %add3A_249 : i32 to index
      %get3A_251 = tpu.vector_load %arg14[%get3A_250] {strides = array<i32>} : memref<65536xf32, #tpu.memory_space<vmem>>, vector<16xf32>,
      %add3A_252 = arith.addf %add3A_245, %get3A_251 : vector<16xf32>
      %mul3A_253 = arith.constant 16 : i32
      %mul3A_254 = arith.muli %scan3A_228, %mul3A_253 : i32
      %add3A_255 = arith.constant 12288 : i32
      %add3A_256 = arith.addi %add3A_255, %mul3A_254 : i32
      %get3A_257 = arith.index_cast %add3A_256 : i32 to index
      %get3A_258 = tpu.vector_load %arg14[%get3A_257] {strides = array<i32>} : memref<65536xf32, #tpu.memory_space<vmem>>, vector<16xf32>,
      %add3A_259 = arith.addf %add3A_252, %get3A_258 : vector<16xf32>
      %mul3A_260 = arith.constant 16 : i32
      %mul3A_261 = arith.muli %scan3A_228, %mul3A_260 : i32
      %add3A_262 = arith.constant 16384 : i32
      %add3A_263 = arith.addi %add3A_262, %mul3A_261 : i32
      %get3A_264 = arith.index_cast %add3A_263 : i32 to index
      %get3A_265 = tpu.vector_load %arg14[%get3A_264] {strides = array<i32>} : memref<65536xf32, #tpu.memory_space<vmem>>, vector<16xf32>,
      %add3A_266 = arith.addf %add3A_259, %get3A_265 : vector<16xf32>
      %mul3A_267 = arith.constant 16 : i32
      %mul3A_268 = arith.muli %scan3A_228, %mul3A_267 : i32
      %add3A_269 = arith.constant 20480 : i32
      %add3A_270 = arith.addi %add3A_269, %mul3A_268 : i32
      %get3A_271 = arith.index_cast %add3A_270 : i32 to index
      %get3A_272 = tpu.vector_load %arg14[%get3A_271] {strides = array<i32>} : memref<65536xf32, #tpu.memory_space<vmem>>, vector<16xf32>,
      %add3A_273 = arith.addf %add3A_266, %get3A_272 : vector<16xf32>
      %mul3A_274 = arith.constant 16 : i32
      %mul3A_275 = arith.muli %scan3A_228, %mul3A_274 : i32
      %add3A_276 = arith.constant 24576 : i32
      %add3A_277 = arith.addi %add3A_276, %mul3A_275 : i32
      %get3A_278 = arith.index_cast %add3A_277 : i32 to index
      %get3A_279 = tpu.vector_load %arg14[%get3A_278] {strides = array<i32>} : memref<65536xf32, #tpu.memory_space<vmem>>, vector<16xf32>,
      %add3A_280 = arith.addf %add3A_273, %get3A_279 : vector<16xf32>
      %mul3A_281 = arith.constant 16 : i32
      %mul3A_282 = arith.muli %scan3A_228, %mul3A_281 : i32
      %add3A_283 = arith.constant 28672 : i32
      %add3A_284 = arith.addi %add3A_283, %mul3A_282 : i32
      %get3A_285 = arith.index_cast %add3A_284 : i32 to index
      %get3A_286 = tpu.vector_load %arg14[%get3A_285] {strides = array<i32>} : memref<65536xf32, #tpu.memory_space<vmem>>, vector<16xf32>,
      %add3A_287 = arith.addf %add3A_280, %get3A_286 : vector<16xf32>
      %mul3A_288 = arith.constant 16 : i32
      %mul3A_289 = arith.muli %scan3A_228, %mul3A_288 : i32
      %add3A_290 = arith.constant 32768 : i32
      %add3A_291 = arith.addi %add3A_290, %mul3A_289 : i32
      %get3A_292 = arith.index_cast %add3A_291 : i32 to index
      %get3A_293 = tpu.vector_load %arg14[%get3A_292] {strides = array<i32>} : memref<65536xf32, #tpu.memory_space<vmem>>, vector<16xf32>,
      %add3A_294 = arith.addf %add3A_287, %get3A_293 : vector<16xf32>
      %mul3A_295 = arith.constant 16 : i32
      %mul3A_296 = arith.muli %scan3A_228, %mul3A_295 : i32
      %add3A_297 = arith.constant 36864 : i32
      %add3A_298 = arith.addi %add3A_297, %mul3A_296 : i32
      %get3A_299 = arith.index_cast %add3A_298 : i32 to index
      %get3A_300 = tpu.vector_load %arg14[%get3A_299] {strides = array<i32>} : memref<65536xf32, #tpu.memory_space<vmem>>, vector<16xf32>,
      %add3A_301 = arith.addf %add3A_294, %get3A_300 : vector<16xf32>
      %mul3A_302 = arith.constant 16 : i32
      %mul3A_303 = arith.muli %scan3A_228, %mul3A_302 : i32
      %add3A_304 = arith.constant 40960 : i32
      %add3A_305 = arith.addi %add3A_304, %mul3A_303 : i32
      %get3A_306 = arith.index_cast %add3A_305 : i32 to index
      %get3A_307 = tpu.vector_load %arg14[%get3A_306] {strides = array<i32>} : memref<65536xf32, #tpu.memory_space<vmem>>, vector<16xf32>,
      %add3A_308 = arith.addf %add3A_301, %get3A_307 : vector<16xf32>
      %mul3A_309 = arith.constant 16 : i32
      %mul3A_310 = arith.muli %scan3A_228, %mul3A_309 : i32
      %add3A_311 = arith.constant 45056 : i32
      %add3A_312 = arith.addi %add3A_311, %mul3A_310 : i32
      %get3A_313 = arith.index_cast %add3A_312 : i32 to index
      %get3A_314 = tpu.vector_load %arg14[%get3A_313] {strides = array<i32>} : memref<65536xf32, #tpu.memory_space<vmem>>, vector<16xf32>,
      %add3A_315 = arith.addf %add3A_308, %get3A_314 : vector<16xf32>
      %mul3A_316 = arith.constant 16 : i32
      %mul3A_317 = arith.muli %scan3A_228, %mul3A_316 : i32
      %add3A_318 = arith.constant 49152 : i32
      %add3A_319 = arith.addi %add3A_318, %mul3A_317 : i32
      %get3A_320 = arith.index_cast %add3A_319 : i32 to index
      %get3A_321 = tpu.vector_load %arg14[%get3A_320] {strides = array<i32>} : memref<65536xf32, #tpu.memory_space<vmem>>, vector<16xf32>,
      %add3A_322 = arith.addf %add3A_315, %get3A_321 : vector<16xf32>
      %mul3A_323 = arith.constant 16 : i32
      %mul3A_324 = arith.muli %scan3A_228, %mul3A_323 : i32
      %add3A_325 = arith.constant 53248 : i32
      %add3A_326 = arith.addi %add3A_325, %mul3A_324 : i32
      %get3A_327 = arith.index_cast %add3A_326 : i32 to index
      %get3A_328 = tpu.vector_load %arg14[%get3A_327] {strides = array<i32>} : memref<65536xf32, #tpu.memory_space<vmem>>, vector<16xf32>,
      %add3A_329 = arith.addf %add3A_322, %get3A_328 : vector<16xf32>
      %mul3A_330 = arith.constant 16 : i32
      %mul3A_331 = arith.muli %scan3A_228, %mul3A_330 : i32
      %add3A_332 = arith.constant 57344 : i32
      %add3A_333 = arith.addi %add3A_332, %mul3A_331 : i32
      %get3A_334 = arith.index_cast %add3A_333 : i32 to index
      %get3A_335 = tpu.vector_load %arg14[%get3A_334] {strides = array<i32>} : memref<65536xf32, #tpu.memory_space<vmem>>, vector<16xf32>,
      %add3A_336 = arith.addf %add3A_329, %get3A_335 : vector<16xf32>
      %mul3A_337 = arith.constant 16 : i32
      %mul3A_338 = arith.muli %scan3A_228, %mul3A_337 : i32
      %add3A_339 = arith.constant 61440 : i32
      %add3A_340 = arith.addi %add3A_339, %mul3A_338 : i32
      %get3A_341 = arith.index_cast %add3A_340 : i32 to index
      %get3A_342 = tpu.vector_load %arg14[%get3A_341] {strides = array<i32>} : memref<65536xf32, #tpu.memory_space<vmem>>, vector<16xf32>,
      %add3A_343 = arith.addf %add3A_336, %get3A_342 : vector<16xf32>
      %mul3A_344 = arith.constant 16 : i32
      %mul3A_345 = arith.muli %scan3A_228, %mul3A_344 : i32
      %swap3A_346 = arith.index_cast %mul3A_345 : i32 to index
      %swap3A_347 = tpu.vector_load %arg15[%swap3A_346] {strides = array<i32>} : memref<4096xf32, #tpu.memory_space<vmem>>, vector<16xf32>,
      tpu.vector_store %arg15[%swap3A_346], %add3A_343 {strides = array<i32>} : memref<4096xf32, #tpu.memory_space<vmem>>, vector<16xf32>,
      %reduce_sum3A = arith.constant true
      %reduce_sum3A_348 = vector.broadcast %reduce_sum3A : i1 to vector<16xi1>
      %reduce_sum3A_349 = tpu.scan <sum>, %add3A_343 masked %reduce_sum3A_348 : vector<16xf32>, vector<16xi1> -> vector<16xf32>
      %reduce_sum3A_350 = vector.extract %reduce_sum3A_349[15] : f32 from vector<16xf32>
      %add3A_351 = arith.addf %scan3A_229, %reduce_sum3A_350 : f32
      scf.yield %add3A_351 : f32
    }
    %scan3A_141 = arith.constant 256 : i32
    %mul3A_142 = arith.mulf %reduce_max3A_64, %scan3A_140 : f32
    %scan3A_143 = arith.constant 0.000000e+00 : f32
    %scan3A_144 = arith.constant false
    %scan3A_145 = arith.constant 0 : i32
    %scan3A_146 = arith.constant 0.000000e+00 : f32
    %scan3A_147 = arith.constant 1.000000e+00 : f32
    %scan3A_148 = arith.constant 0.000000e+00 : f32
    %scan3A_149 = arith.constant 0 : i32
    %scan3A_150 = arith.constant 256 : i32
    %scan3A_151 = arith.addi %scan3A_149, %scan3A_150 : i32
    %scan3A_152 = arith.constant 1 : i32
    %scan3A_153:5 = scf.for %scan3A_228 = %scan3A_149 to %scan3A_151 step %scan3A_152 iter_args(%scan3A_229 = %scan3A_144, %scan3A_230 = %scan3A_145, %scan3A_231 = %scan3A_146, %scan3A_232 = %scan3A_147, %scan3A_233 = %scan3A_148) -> (i1, i32, f32, f32, f32)  : i32 {
      %sub3A_234 = arith.constant 255 : i32
      %sub3A_235 = arith.subi %sub3A_234, %scan3A_228 : i32
      %mul3A_236 = arith.constant 16 : i32
      %mul3A_237 = arith.muli %sub3A_235, %mul3A_236 : i32
      %get3A_238 = arith.index_cast %mul3A_237 : i32 to index
      %get3A_239 = tpu.vector_load %arg15[%get3A_238] {strides = array<i32>} : memref<4096xf32, #tpu.memory_space<vmem>>, vector<16xf32>,
      %reduce_sum3A = arith.constant true
      %reduce_sum3A_240 = vector.broadcast %reduce_sum3A : i1 to vector<16xi1>
      %reduce_sum3A_241 = tpu.scan <sum>, %get3A_239 masked %reduce_sum3A_240 : vector<16xf32>, vector<16xi1> -> vector<16xf32>
      %reduce_sum3A_242 = vector.extract %reduce_sum3A_241[15] : f32 from vector<16xf32>
      %broadcast_in_dim3A_243 = arith.constant true
      %broadcast_in_dim3A_244 = vector.broadcast %broadcast_in_dim3A_243 : i1 to vector<16xi1>
      %masked_cumsum3A = tpu.scan <sum>, %get3A_239 masked %broadcast_in_dim3A_244 : vector<16xf32>, vector<16xi1> -> vector<16xf32>
      %sub3A_245 = vector.broadcast %reduce_sum3A_242 : f32 to vector<16xf32>
      %sub3A_246 = arith.subf %sub3A_245, %masked_cumsum3A : vector<16xf32>
      %add3A_247 = vector.broadcast %scan3A_233 : f32 to vector<16xf32>
      %add3A_248 = arith.addf %add3A_247, %sub3A_246 : vector<16xf32>
      %add3A_249 = arith.addf %add3A_248, %get3A_239 : vector<16xf32>
      %add3A_250 = vector.broadcast %scan3A_143 : f32 to vector<16xf32>
      %add3A_251 = arith.addf %add3A_250, %add3A_249 : vector<16xf32>
      %gt3A = vector.broadcast %mul3A_142 : f32 to vector<16xf32>
      %gt3A_252 = arith.cmpf ogt, %add3A_251, %gt3A : vector<16xf32>
      %convert_element_type3A_253 = arith.extui %gt3A_252 : vector<16xi1> to vector<16xi32>
      %reduce_sum3A_254 = arith.constant true
      %reduce_sum3A_255 = vector.broadcast %reduce_sum3A_254 : i1 to vector<16xi1>
      %reduce_sum3A_256 = tpu.scan <sum>, %convert_element_type3A_253 masked %reduce_sum3A_255 : vector<16xi32>, vector<16xi1> -> vector<16xi32>
      %reduce_sum3A_257 = vector.extract %reduce_sum3A_256[15] : i32 from vector<16xi32>
      %gt3A_258 = arith.constant 0 : i32
      %gt3A_259 = arith.cmpi sgt, %reduce_sum3A_257, %gt3A_258 : i32
      %not3A = arith.constant true
      %not3A_260 = arith.xori %scan3A_229, %not3A : i1
      %and3A_261 = arith.andi %gt3A_259, %not3A_260 : i1
      %sub3A_262 = arith.constant 1 : i32
      %sub3A_263 = arith.subi %reduce_sum3A_257, %sub3A_262 : i32
      %iota3A_264 = tpu.iota {dimensions = array<i32: 0>} : vector<16xi32>
      %eq3A_265 = vector.broadcast %sub3A_263 : i32 to vector<16xi32>
      %eq3A_266 = arith.cmpi eq, %iota3A_264, %eq3A_265 : vector<16xi32>
      %jit3A_267 = arith.constant 0xFF800000 : f32
      %broadcast_in_dim3A_268 = vector.broadcast %jit3A_267 : f32 to vector<16xf32>
      %select_n3A_269 = arith.select %eq3A_266, %masked_cumsum3A, %broadcast_in_dim3A_268 : vector<16xi1>, vector<16xf32>
      %reduce_max3A_270 = arith.constant true
      %reduce_max3A_271 = vector.broadcast %reduce_max3A_270 : i1 to vector<16xi1>
      %reduce_max3A_272 = tpu.scan <max>, %select_n3A_269 masked %reduce_max3A_271 : vector<16xf32>, vector<16xi1> -> vector<16xf32>
      %reduce_max3A_273 = vector.extract %reduce_max3A_272[15] : f32 from vector<16xf32>
      %iota3A_274 = tpu.iota {dimensions = array<i32: 0>} : vector<16xi32>
      %eq3A_275 = vector.broadcast %sub3A_263 : i32 to vector<16xi32>
      %eq3A_276 = arith.cmpi eq, %iota3A_274, %eq3A_275 : vector<16xi32>
      %jit3A_277 = arith.constant 0xFF800000 : f32
      %broadcast_in_dim3A_278 = vector.broadcast %jit3A_277 : f32 to vector<16xf32>
      %select_n3A_279 = arith.select %eq3A_276, %get3A_239, %broadcast_in_dim3A_278 : vector<16xi1>, vector<16xf32>
      %reduce_max3A_280 = arith.constant true
      %reduce_max3A_281 = vector.broadcast %reduce_max3A_280 : i1 to vector<16xi1>
      %reduce_max3A_282 = tpu.scan <max>, %select_n3A_279 masked %reduce_max3A_281 : vector<16xf32>, vector<16xi1> -> vector<16xf32>
      %reduce_max3A_283 = vector.extract %reduce_max3A_282[15] : f32 from vector<16xf32>
      %sub3A_284 = arith.subf %reduce_sum3A_242, %reduce_max3A_273 : f32
      %add3A_285 = arith.addf %scan3A_233, %sub3A_284 : f32
      %add3A_286 = arith.addf %add3A_285, %reduce_max3A_283 : f32
      %add3A_287 = arith.addf %scan3A_143, %add3A_286 : f32
      %or3A = arith.ori %scan3A_229, %gt3A_259 : i1
      %mul3A_288 = arith.constant 16 : i32
      %mul3A_289 = arith.muli %sub3A_235, %mul3A_288 : i32
      %add3A_290 = arith.addi %mul3A_289, %sub3A_263 : i32
      %select_n3A_291 = arith.select %and3A_261, %add3A_290, %scan3A_230 : i32
      %select_n3A_292 = arith.select %and3A_261, %add3A_285, %scan3A_231 : f32
      %select_n3A_293 = arith.select %and3A_261, %add3A_287, %scan3A_232 : f32
      %add3A_294 = arith.addf %scan3A_233, %reduce_sum3A_242 : f32
      scf.yield %or3A, %select_n3A_291, %select_n3A_292, %select_n3A_293, %add3A_294 : i1, i32, f32, f32, f32
    }
    %scan3A_154 = arith.constant 256 : i32
    %convert_element_type3A = arith.sitofp %scan3A_153#1 : i32 to f32
    %mul3A_155 = arith.mulf %convert_element_type3A, %reduce_max3A_88 : f32
    %add3A_156 = arith.addf %reduce_max3A_40, %mul3A_155 : f32
    %broadcast_in_dim3A_157 = vector.broadcast %add3A_156 : f32 to vector<16xf32>
    %broadcast_in_dim3A_158 = vector.broadcast %reduce_max3A_100 : f32 to vector<16xf32>
    %scan3A_159 = arith.constant 0 : i32
    %scan3A_160 = arith.constant 0 : i32
    %scan3A_161 = arith.constant 4096 : i32
    %scan3A_162 = arith.addi %scan3A_160, %scan3A_161 : i32
    %scan3A_163 = arith.constant 1 : i32
    scf.for %scan3A_228 = %scan3A_160 to %scan3A_162 step %scan3A_163  : i32 {
      %broadcast_in_dim3A_229 = arith.constant 0.000000e+00 : f32
      %broadcast_in_dim3A_230 = vector.broadcast %broadcast_in_dim3A_229 : f32 to vector<16xf32>
      %mul3A_231 = arith.constant 16 : i32
      %mul3A_232 = arith.muli %scan3A_228, %mul3A_231 : i32
      %swap3A_233 = arith.index_cast %mul3A_232 : i32 to index
      %swap3A_234 = tpu.vector_load %arg14[%swap3A_233] {strides = array<i32>} : memref<65536xf32, #tpu.memory_space<vmem>>, vector<16xf32>,
      tpu.vector_store %arg14[%swap3A_233], %broadcast_in_dim3A_230 {strides = array<i32>} : memref<65536xf32, #tpu.memory_space<vmem>>, vector<16xf32>,
    }
    %scan3A_164 = arith.constant 4096 : i32
    %dma_start3A_165 = arith.constant 0 : i32
    %dma_start3A_166 = arith.constant 0 : i32
    %dma_start3A_167 = tpu.memref_slice %arg2[%add3A, %dma_start3A_165, %dma_start3A_166] : memref<32x7872x128xf32, #tpu.memory_space<hbm>> -> memref<1x96x128xf32, #tpu.memory_space<hbm>>
    %dma_start3A_168 = tpu.memref_squeeze %dma_start3A_167 : memref<1x96x128xf32, #tpu.memory_space<hbm>> -> memref<96x128xf32, #tpu.memory_space<hbm>>
    %dma_start3A_169 = arith.constant 0 : i32
    %dma_start3A_170 = arith.constant 0 : i32
    %dma_start3A_171 = tpu.memref_slice %arg2[%add3A, %dma_start3A_169, %dma_start3A_170] : memref<32x7872x128xf32, #tpu.memory_space<hbm>> -> memref<1x96x128xf32, #tpu.memory_space<hbm>>
    %dma_start3A_172 = tpu.memref_squeeze %dma_start3A_171 : memref<1x96x128xf32, #tpu.memory_space<hbm>> -> memref<96x128xf32, #tpu.memory_space<hbm>>
    tpu.enqueue_dma source(%dma_start3A_172 : memref<96x128xf32, #tpu.memory_space<hbm>>) target(%arg10 : memref<96x128xf32, #tpu.memory_space<vmem>>) target_semaphore(%arg12 : memref<!tpu.dma_semaphore, #tpu.memory_space<semaphore_mem>>)
    %dma_start3A_173 = arith.constant 96 : i32
    %dma_start3A_174 = arith.constant 0 : i32
    %dma_start3A_175 = tpu.memref_slice %arg2[%add3A, %dma_start3A_173, %dma_start3A_174] : memref<32x7872x128xf32, #tpu.memory_space<hbm>> -> memref<1x96x128xf32, #tpu.memory_space<hbm>>
    %dma_start3A_176 = tpu.memref_squeeze %dma_start3A_175 : memref<1x96x128xf32, #tpu.memory_space<hbm>> -> memref<96x128xf32, #tpu.memory_space<hbm>>
    %dma_start3A_177 = arith.constant 96 : i32
    %dma_start3A_178 = arith.constant 0 : i32
    %dma_start3A_179 = tpu.memref_slice %arg2[%add3A, %dma_start3A_177, %dma_start3A_178] : memref<32x7872x128xf32, #tpu.memory_space<hbm>> -> memref<1x96x128xf32, #tpu.memory_space<hbm>>
    %dma_start3A_180 = tpu.memref_squeeze %dma_start3A_179 : memref<1x96x128xf32, #tpu.memory_space<hbm>> -> memref<96x128xf32, #tpu.memory_space<hbm>>
    tpu.enqueue_dma source(%dma_start3A_180 : memref<96x128xf32, #tpu.memory_space<hbm>>) target(%arg11 : memref<96x128xf32, #tpu.memory_space<vmem>>) target_semaphore(%arg13 : memref<!tpu.dma_semaphore, #tpu.memory_space<semaphore_mem>>)
    %scan3A_181 = arith.constant 0 : i32
    %scan3A_182 = arith.constant 0 : i32
    %scan3A_183 = arith.constant 41 : i32
    %scan3A_184 = arith.addi %scan3A_182, %scan3A_183 : i32
    %scan3A_185 = arith.constant 1 : i32
    %scan3A_186 = scf.for %scan3A_228 = %scan3A_182 to %scan3A_184 step %scan3A_185 iter_args(%scan3A_229 = %scan3A_181) -> (i32)  : i32 {
      %mul3A_230 = arith.constant 2 : i32
      %mul3A_231 = arith.muli %scan3A_228, %mul3A_230 : i32
      %add3A_232 = arith.constant 0 : i32
      %add3A_233 = arith.addi %mul3A_231, %add3A_232 : i32
      %dma_wait3A = arith.constant 0 : i32
      %dma_wait3A_234 = arith.constant 0 : i32
      %dma_wait3A_235 = tpu.memref_slice %arg2[%add3A, %dma_wait3A, %dma_wait3A_234] : memref<32x7872x128xf32, #tpu.memory_space<hbm>> -> memref<1x96x128xf32, #tpu.memory_space<hbm>>
      %dma_wait3A_236 = tpu.memref_squeeze %dma_wait3A_235 : memref<1x96x128xf32, #tpu.memory_space<hbm>> -> memref<96x128xf32, #tpu.memory_space<hbm>>
      %dma_wait3A_237 = arith.constant 0 : i32
      %dma_wait3A_238 = arith.constant 0 : i32
      %dma_wait3A_239 = tpu.memref_slice %arg2[%add3A, %dma_wait3A_237, %dma_wait3A_238] : memref<32x7872x128xf32, #tpu.memory_space<hbm>> -> memref<1x96x128xf32, #tpu.memory_space<hbm>>
      %dma_wait3A_240 = tpu.memref_squeeze %dma_wait3A_239 : memref<1x96x128xf32, #tpu.memory_space<hbm>> -> memref<96x128xf32, #tpu.memory_space<hbm>>
      tpu.wait_dma2 semaphore(%arg12 : memref<!tpu.dma_semaphore, #tpu.memory_space<semaphore_mem>>) src(%dma_wait3A_240 : memref<96x128xf32, #tpu.memory_space<hbm>>) dst(%arg10 : memref<96x128xf32, #tpu.memory_space<vmem>>)
      %parallel_loop3A = arith.constant 0 : i32
      %parallel_loop3A_241 = arith.constant 768 : i32
      %parallel_loop3A_242 = arith.constant 1 : i32
      scf.for %parallel_loop3A_272 = %parallel_loop3A to %parallel_loop3A_241 step %parallel_loop3A_242  : i32 {
        %parallel_loop3A_273 = arith.constant 3 : i32
        %parallel_loop3A_274 = arith.shrsi %parallel_loop3A_272, %parallel_loop3A_273 : i32
        %parallel_loop3A_275 = arith.constant 7 : i32
        %parallel_loop3A_276 = arith.andi %parallel_loop3A_272, %parallel_loop3A_275 : i32
        %parallel_loop3A_277 = arith.constant 16 : i32
        %parallel_loop3A_278 = arith.muli %parallel_loop3A_276, %parallel_loop3A_277 : i32
        %parallel_loop3A_279 = arith.index_cast %parallel_loop3A_274 : i32 to index
        %parallel_loop3A_280 = arith.index_cast %parallel_loop3A_278 : i32 to index
        %parallel_loop3A_281 = tpu.vector_load %arg10[%parallel_loop3A_279, %parallel_loop3A_280] {strides = array<i32>} : memref<96x128xf32, #tpu.memory_space<vmem>>, vector<16xf32>,
        %parallel_loop3A_282 = arith.subf %parallel_loop3A_281, %broadcast_in_dim3A_102 : vector<16xf32>
        %parallel_loop3A_283 = math.exp %parallel_loop3A_282 : vector<16xf32>
        %parallel_loop3A_284 = arith.subf %parallel_loop3A_281, %broadcast_in_dim3A_101 : vector<16xf32>
        %parallel_loop3A_285 = arith.mulf %parallel_loop3A_284, %broadcast_in_dim3A_103 : vector<16xf32>
        %parallel_loop3A_286 = arith.fptosi %parallel_loop3A_285 : vector<16xf32> to vector<16xi32>
        %parallel_loop3A_287 = arith.constant 0 : i32
        %parallel_loop3A_288 = arith.constant 4095 : i32
        %parallel_loop3A_289 = vector.broadcast %parallel_loop3A_287 : i32 to vector<16xi32>
        %parallel_loop3A_290 = arith.maxsi %parallel_loop3A_289, %parallel_loop3A_286 : vector<16xi32>
        %parallel_loop3A_291 = vector.broadcast %parallel_loop3A_288 : i32 to vector<16xi32>
        %parallel_loop3A_292 = arith.minsi %parallel_loop3A_291, %parallel_loop3A_290 : vector<16xi32>
        %parallel_loop3A_293 = arith.subf %parallel_loop3A_281, %broadcast_in_dim3A_157 : vector<16xf32>
        %parallel_loop3A_294 = arith.mulf %parallel_loop3A_293, %broadcast_in_dim3A_158 : vector<16xf32>
        %parallel_loop3A_295 = arith.fptosi %parallel_loop3A_294 : vector<16xf32> to vector<16xi32>
        %parallel_loop3A_296 = arith.constant 0 : i32
        %parallel_loop3A_297 = arith.constant 4095 : i32
        %parallel_loop3A_298 = vector.broadcast %parallel_loop3A_296 : i32 to vector<16xi32>
        %parallel_loop3A_299 = arith.maxsi %parallel_loop3A_298, %parallel_loop3A_295 : vector<16xi32>
        %parallel_loop3A_300 = vector.broadcast %parallel_loop3A_297 : i32 to vector<16xi32>
        %parallel_loop3A_301 = arith.minsi %parallel_loop3A_300, %parallel_loop3A_299 : vector<16xi32>
        %parallel_loop3A_302 = arith.addi %mul3A_107, %parallel_loop3A_301 : vector<16xi32>
        %parallel_loop3A_303 = vector.broadcast %scan3A_153#1 : i32 to vector<16xi32>
        %parallel_loop3A_304 = arith.cmpi eq, %parallel_loop3A_292, %parallel_loop3A_303 : vector<16xi32>
        tpu.vector_store_idx %arg14[%parallel_loop3A_302], %parallel_loop3A_283 masked %parallel_loop3A_304 {add = true} : memref<65536xf32, #tpu.memory_space<vmem>>[vector<16xi32>], vector<16xf32>, vector<16xi1>
      } {sc.loop_unroll_factor = 8 : i64, sc.parallel_access}
      %add3A_243 = arith.constant 2 : i32
      %add3A_244 = arith.addi %add3A_233, %add3A_243 : i32
      %lt3A_245 = arith.constant 82 : i32
      %lt3A_246 = arith.cmpi slt, %add3A_244, %lt3A_245 : i32
      %convert_element_type3A_247 = arith.extui %lt3A_246 : i1 to i32
      %cond3A = arith.constant 0 : i32
      %cond3A_248 = arith.cmpi ne, %convert_element_type3A_247, %cond3A : i32
      scf.if %cond3A_248 {
        %add3A_272 = arith.constant 2 : i32
        %add3A_273 = arith.addi %add3A_233, %add3A_272 : i32
        %mul3A_274 = arith.constant 96 : i32
        %mul3A_275 = arith.muli %add3A_273, %mul3A_274 : i32
        %dma_start3A_276 = arith.constant 0 : i32
        %dma_start3A_277 = tpu.memref_slice %arg2[%add3A, %mul3A_275, %dma_start3A_276] : memref<32x7872x128xf32, #tpu.memory_space<hbm>> -> memref<1x96x128xf32, #tpu.memory_space<hbm>>
        %dma_start3A_278 = tpu.memref_squeeze %dma_start3A_277 : memref<1x96x128xf32, #tpu.memory_space<hbm>> -> memref<96x128xf32, #tpu.memory_space<hbm>>
        %dma_start3A_279 = arith.constant 0 : i32
        %dma_start3A_280 = tpu.memref_slice %arg2[%add3A, %mul3A_275, %dma_start3A_279] : memref<32x7872x128xf32, #tpu.memory_space<hbm>> -> memref<1x96x128xf32, #tpu.memory_space<hbm>>
        %dma_start3A_281 = tpu.memref_squeeze %dma_start3A_280 : memref<1x96x128xf32, #tpu.memory_space<hbm>> -> memref<96x128xf32, #tpu.memory_space<hbm>>
        tpu.enqueue_dma source(%dma_start3A_281 : memref<96x128xf32, #tpu.memory_space<hbm>>) target(%arg10 : memref<96x128xf32, #tpu.memory_space<vmem>>) target_semaphore(%arg12 : memref<!tpu.dma_semaphore, #tpu.memory_space<semaphore_mem>>)
      } else {
      }
      %mul3A_249 = arith.constant 2 : i32
      %mul3A_250 = arith.muli %scan3A_228, %mul3A_249 : i32
      %add3A_251 = arith.constant 1 : i32
      %add3A_252 = arith.addi %mul3A_250, %add3A_251 : i32
      %dma_wait3A_253 = arith.constant 0 : i32
      %dma_wait3A_254 = arith.constant 0 : i32
      %dma_wait3A_255 = tpu.memref_slice %arg2[%add3A, %dma_wait3A_253, %dma_wait3A_254] : memref<32x7872x128xf32, #tpu.memory_space<hbm>> -> memref<1x96x128xf32, #tpu.memory_space<hbm>>
      %dma_wait3A_256 = tpu.memref_squeeze %dma_wait3A_255 : memref<1x96x128xf32, #tpu.memory_space<hbm>> -> memref<96x128xf32, #tpu.memory_space<hbm>>
      %dma_wait3A_257 = arith.constant 0 : i32
      %dma_wait3A_258 = arith.constant 0 : i32
      %dma_wait3A_259 = tpu.memref_slice %arg2[%add3A, %dma_wait3A_257, %dma_wait3A_258] : memref<32x7872x128xf32, #tpu.memory_space<hbm>> -> memref<1x96x128xf32, #tpu.memory_space<hbm>>
      %dma_wait3A_260 = tpu.memref_squeeze %dma_wait3A_259 : memref<1x96x128xf32, #tpu.memory_space<hbm>> -> memref<96x128xf32, #tpu.memory_space<hbm>>
      tpu.wait_dma2 semaphore(%arg13 : memref<!tpu.dma_semaphore, #tpu.memory_space<semaphore_mem>>) src(%dma_wait3A_260 : memref<96x128xf32, #tpu.memory_space<hbm>>) dst(%arg11 : memref<96x128xf32, #tpu.memory_space<vmem>>)
      %parallel_loop3A_261 = arith.constant 0 : i32
      %parallel_loop3A_262 = arith.constant 768 : i32
      %parallel_loop3A_263 = arith.constant 1 : i32
      scf.for %parallel_loop3A_272 = %parallel_loop3A_261 to %parallel_loop3A_262 step %parallel_loop3A_263  : i32 {
        %parallel_loop3A_273 = arith.constant 3 : i32
        %parallel_loop3A_274 = arith.shrsi %parallel_loop3A_272, %parallel_loop3A_273 : i32
        %parallel_loop3A_275 = arith.constant 7 : i32
        %parallel_loop3A_276 = arith.andi %parallel_loop3A_272, %parallel_loop3A_275 : i32
        %parallel_loop3A_277 = arith.constant 16 : i32
        %parallel_loop3A_278 = arith.muli %parallel_loop3A_276, %parallel_loop3A_277 : i32
        %parallel_loop3A_279 = arith.index_cast %parallel_loop3A_274 : i32 to index
        %parallel_loop3A_280 = arith.index_cast %parallel_loop3A_278 : i32 to index
        %parallel_loop3A_281 = tpu.vector_load %arg11[%parallel_loop3A_279, %parallel_loop3A_280] {strides = array<i32>} : memref<96x128xf32, #tpu.memory_space<vmem>>, vector<16xf32>,
        %parallel_loop3A_282 = arith.subf %parallel_loop3A_281, %broadcast_in_dim3A_102 : vector<16xf32>
        %parallel_loop3A_283 = math.exp %parallel_loop3A_282 : vector<16xf32>
        %parallel_loop3A_284 = arith.subf %parallel_loop3A_281, %broadcast_in_dim3A_101 : vector<16xf32>
        %parallel_loop3A_285 = arith.mulf %parallel_loop3A_284, %broadcast_in_dim3A_103 : vector<16xf32>
        %parallel_loop3A_286 = arith.fptosi %parallel_loop3A_285 : vector<16xf32> to vector<16xi32>
        %parallel_loop3A_287 = arith.constant 0 : i32
        %parallel_loop3A_288 = arith.constant 4095 : i32
        %parallel_loop3A_289 = vector.broadcast %parallel_loop3A_287 : i32 to vector<16xi32>
        %parallel_loop3A_290 = arith.maxsi %parallel_loop3A_289, %parallel_loop3A_286 : vector<16xi32>
        %parallel_loop3A_291 = vector.broadcast %parallel_loop3A_288 : i32 to vector<16xi32>
        %parallel_loop3A_292 = arith.minsi %parallel_loop3A_291, %parallel_loop3A_290 : vector<16xi32>
        %parallel_loop3A_293 = arith.subf %parallel_loop3A_281, %broadcast_in_dim3A_157 : vector<16xf32>
        %parallel_loop3A_294 = arith.mulf %parallel_loop3A_293, %broadcast_in_dim3A_158 : vector<16xf32>
        %parallel_loop3A_295 = arith.fptosi %parallel_loop3A_294 : vector<16xf32> to vector<16xi32>
        %parallel_loop3A_296 = arith.constant 0 : i32
        %parallel_loop3A_297 = arith.constant 4095 : i32
        %parallel_loop3A_298 = vector.broadcast %parallel_loop3A_296 : i32 to vector<16xi32>
        %parallel_loop3A_299 = arith.maxsi %parallel_loop3A_298, %parallel_loop3A_295 : vector<16xi32>
        %parallel_loop3A_300 = vector.broadcast %parallel_loop3A_297 : i32 to vector<16xi32>
        %parallel_loop3A_301 = arith.minsi %parallel_loop3A_300, %parallel_loop3A_299 : vector<16xi32>
        %parallel_loop3A_302 = arith.addi %mul3A_107, %parallel_loop3A_301 : vector<16xi32>
        %parallel_loop3A_303 = vector.broadcast %scan3A_153#1 : i32 to vector<16xi32>
        %parallel_loop3A_304 = arith.cmpi eq, %parallel_loop3A_292, %parallel_loop3A_303 : vector<16xi32>
        tpu.vector_store_idx %arg14[%parallel_loop3A_302], %parallel_loop3A_283 masked %parallel_loop3A_304 {add = true} : memref<65536xf32, #tpu.memory_space<vmem>>[vector<16xi32>], vector<16xf32>, vector<16xi1>
      } {sc.loop_unroll_factor = 8 : i64, sc.parallel_access}
      %add3A_264 = arith.constant 2 : i32
      %add3A_265 = arith.addi %add3A_252, %add3A_264 : i32
      %lt3A_266 = arith.constant 82 : i32
      %lt3A_267 = arith.cmpi slt, %add3A_265, %lt3A_266 : i32
      %convert_element_type3A_268 = arith.extui %lt3A_267 : i1 to i32
      %cond3A_269 = arith.constant 0 : i32
      %cond3A_270 = arith.cmpi ne, %convert_element_type3A_268, %cond3A_269 : i32
      scf.if %cond3A_270 {
        %add3A_272 = arith.constant 2 : i32
        %add3A_273 = arith.addi %add3A_252, %add3A_272 : i32
        %mul3A_274 = arith.constant 96 : i32
        %mul3A_275 = arith.muli %add3A_273, %mul3A_274 : i32
        %dma_start3A_276 = arith.constant 0 : i32
        %dma_start3A_277 = tpu.memref_slice %arg2[%add3A, %mul3A_275, %dma_start3A_276] : memref<32x7872x128xf32, #tpu.memory_space<hbm>> -> memref<1x96x128xf32, #tpu.memory_space<hbm>>
        %dma_start3A_278 = tpu.memref_squeeze %dma_start3A_277 : memref<1x96x128xf32, #tpu.memory_space<hbm>> -> memref<96x128xf32, #tpu.memory_space<hbm>>
        %dma_start3A_279 = arith.constant 0 : i32
        %dma_start3A_280 = tpu.memref_slice %arg2[%add3A, %mul3A_275, %dma_start3A_279] : memref<32x7872x128xf32, #tpu.memory_space<hbm>> -> memref<1x96x128xf32, #tpu.memory_space<hbm>>
        %dma_start3A_281 = tpu.memref_squeeze %dma_start3A_280 : memref<1x96x128xf32, #tpu.memory_space<hbm>> -> memref<96x128xf32, #tpu.memory_space<hbm>>
        tpu.enqueue_dma source(%dma_start3A_281 : memref<96x128xf32, #tpu.memory_space<hbm>>) target(%arg11 : memref<96x128xf32, #tpu.memory_space<vmem>>) target_semaphore(%arg13 : memref<!tpu.dma_semaphore, #tpu.memory_space<semaphore_mem>>)
      } else {
      }
      %scan3A_271 = arith.constant 0 : i32
      scf.yield %scan3A_271 : i32
    }
    %scan3A_187 = arith.constant 41 : i32
    %scan3A_188 = arith.constant 0.000000e+00 : f32
    %scan3A_189 = arith.constant 0 : i32
    %scan3A_190 = arith.constant 256 : i32
    %scan3A_191 = arith.addi %scan3A_189, %scan3A_190 : i32
    %scan3A_192 = arith.constant 1 : i32
    %scan3A_193 = scf.for %scan3A_228 = %scan3A_189 to %scan3A_191 step %scan3A_192 iter_args(%scan3A_229 = %scan3A_188) -> (f32)  : i32 {
      %broadcast_in_dim3A_230 = arith.constant 0.000000e+00 : f32
      %broadcast_in_dim3A_231 = vector.broadcast %broadcast_in_dim3A_230 : f32 to vector<16xf32>
      %mul3A_232 = arith.constant 16 : i32
      %mul3A_233 = arith.muli %scan3A_228, %mul3A_232 : i32
      %add3A_234 = arith.constant 0 : i32
      %add3A_235 = arith.addi %add3A_234, %mul3A_233 : i32
      %get3A_236 = arith.index_cast %add3A_235 : i32 to index
      %get3A_237 = tpu.vector_load %arg14[%get3A_236] {strides = array<i32>} : memref<65536xf32, #tpu.memory_space<vmem>>, vector<16xf32>,
      %add3A_238 = arith.addf %broadcast_in_dim3A_231, %get3A_237 : vector<16xf32>
      %mul3A_239 = arith.constant 16 : i32
      %mul3A_240 = arith.muli %scan3A_228, %mul3A_239 : i32
      %add3A_241 = arith.constant 4096 : i32
      %add3A_242 = arith.addi %add3A_241, %mul3A_240 : i32
      %get3A_243 = arith.index_cast %add3A_242 : i32 to index
      %get3A_244 = tpu.vector_load %arg14[%get3A_243] {strides = array<i32>} : memref<65536xf32, #tpu.memory_space<vmem>>, vector<16xf32>,
      %add3A_245 = arith.addf %add3A_238, %get3A_244 : vector<16xf32>
      %mul3A_246 = arith.constant 16 : i32
      %mul3A_247 = arith.muli %scan3A_228, %mul3A_246 : i32
      %add3A_248 = arith.constant 8192 : i32
      %add3A_249 = arith.addi %add3A_248, %mul3A_247 : i32
      %get3A_250 = arith.index_cast %add3A_249 : i32 to index
      %get3A_251 = tpu.vector_load %arg14[%get3A_250] {strides = array<i32>} : memref<65536xf32, #tpu.memory_space<vmem>>, vector<16xf32>,
      %add3A_252 = arith.addf %add3A_245, %get3A_251 : vector<16xf32>
      %mul3A_253 = arith.constant 16 : i32
      %mul3A_254 = arith.muli %scan3A_228, %mul3A_253 : i32
      %add3A_255 = arith.constant 12288 : i32
      %add3A_256 = arith.addi %add3A_255, %mul3A_254 : i32
      %get3A_257 = arith.index_cast %add3A_256 : i32 to index
      %get3A_258 = tpu.vector_load %arg14[%get3A_257] {strides = array<i32>} : memref<65536xf32, #tpu.memory_space<vmem>>, vector<16xf32>,
      %add3A_259 = arith.addf %add3A_252, %get3A_258 : vector<16xf32>
      %mul3A_260 = arith.constant 16 : i32
      %mul3A_261 = arith.muli %scan3A_228, %mul3A_260 : i32
      %add3A_262 = arith.constant 16384 : i32
      %add3A_263 = arith.addi %add3A_262, %mul3A_261 : i32
      %get3A_264 = arith.index_cast %add3A_263 : i32 to index
      %get3A_265 = tpu.vector_load %arg14[%get3A_264] {strides = array<i32>} : memref<65536xf32, #tpu.memory_space<vmem>>, vector<16xf32>,
      %add3A_266 = arith.addf %add3A_259, %get3A_265 : vector<16xf32>
      %mul3A_267 = arith.constant 16 : i32
      %mul3A_268 = arith.muli %scan3A_228, %mul3A_267 : i32
      %add3A_269 = arith.constant 20480 : i32
      %add3A_270 = arith.addi %add3A_269, %mul3A_268 : i32
      %get3A_271 = arith.index_cast %add3A_270 : i32 to index
      %get3A_272 = tpu.vector_load %arg14[%get3A_271] {strides = array<i32>} : memref<65536xf32, #tpu.memory_space<vmem>>, vector<16xf32>,
      %add3A_273 = arith.addf %add3A_266, %get3A_272 : vector<16xf32>
      %mul3A_274 = arith.constant 16 : i32
      %mul3A_275 = arith.muli %scan3A_228, %mul3A_274 : i32
      %add3A_276 = arith.constant 24576 : i32
      %add3A_277 = arith.addi %add3A_276, %mul3A_275 : i32
      %get3A_278 = arith.index_cast %add3A_277 : i32 to index
      %get3A_279 = tpu.vector_load %arg14[%get3A_278] {strides = array<i32>} : memref<65536xf32, #tpu.memory_space<vmem>>, vector<16xf32>,
      %add3A_280 = arith.addf %add3A_273, %get3A_279 : vector<16xf32>
      %mul3A_281 = arith.constant 16 : i32
      %mul3A_282 = arith.muli %scan3A_228, %mul3A_281 : i32
      %add3A_283 = arith.constant 28672 : i32
      %add3A_284 = arith.addi %add3A_283, %mul3A_282 : i32
      %get3A_285 = arith.index_cast %add3A_284 : i32 to index
      %get3A_286 = tpu.vector_load %arg14[%get3A_285] {strides = array<i32>} : memref<65536xf32, #tpu.memory_space<vmem>>, vector<16xf32>,
      %add3A_287 = arith.addf %add3A_280, %get3A_286 : vector<16xf32>
      %mul3A_288 = arith.constant 16 : i32
      %mul3A_289 = arith.muli %scan3A_228, %mul3A_288 : i32
      %add3A_290 = arith.constant 32768 : i32
      %add3A_291 = arith.addi %add3A_290, %mul3A_289 : i32
      %get3A_292 = arith.index_cast %add3A_291 : i32 to index
      %get3A_293 = tpu.vector_load %arg14[%get3A_292] {strides = array<i32>} : memref<65536xf32, #tpu.memory_space<vmem>>, vector<16xf32>,
      %add3A_294 = arith.addf %add3A_287, %get3A_293 : vector<16xf32>
      %mul3A_295 = arith.constant 16 : i32
      %mul3A_296 = arith.muli %scan3A_228, %mul3A_295 : i32
      %add3A_297 = arith.constant 36864 : i32
      %add3A_298 = arith.addi %add3A_297, %mul3A_296 : i32
      %get3A_299 = arith.index_cast %add3A_298 : i32 to index
      %get3A_300 = tpu.vector_load %arg14[%get3A_299] {strides = array<i32>} : memref<65536xf32, #tpu.memory_space<vmem>>, vector<16xf32>,
      %add3A_301 = arith.addf %add3A_294, %get3A_300 : vector<16xf32>
      %mul3A_302 = arith.constant 16 : i32
      %mul3A_303 = arith.muli %scan3A_228, %mul3A_302 : i32
      %add3A_304 = arith.constant 40960 : i32
      %add3A_305 = arith.addi %add3A_304, %mul3A_303 : i32
      %get3A_306 = arith.index_cast %add3A_305 : i32 to index
      %get3A_307 = tpu.vector_load %arg14[%get3A_306] {strides = array<i32>} : memref<65536xf32, #tpu.memory_space<vmem>>, vector<16xf32>,
      %add3A_308 = arith.addf %add3A_301, %get3A_307 : vector<16xf32>
      %mul3A_309 = arith.constant 16 : i32
      %mul3A_310 = arith.muli %scan3A_228, %mul3A_309 : i32
      %add3A_311 = arith.constant 45056 : i32
      %add3A_312 = arith.addi %add3A_311, %mul3A_310 : i32
      %get3A_313 = arith.index_cast %add3A_312 : i32 to index
      %get3A_314 = tpu.vector_load %arg14[%get3A_313] {strides = array<i32>} : memref<65536xf32, #tpu.memory_space<vmem>>, vector<16xf32>,
      %add3A_315 = arith.addf %add3A_308, %get3A_314 : vector<16xf32>
      %mul3A_316 = arith.constant 16 : i32
      %mul3A_317 = arith.muli %scan3A_228, %mul3A_316 : i32
      %add3A_318 = arith.constant 49152 : i32
      %add3A_319 = arith.addi %add3A_318, %mul3A_317 : i32
      %get3A_320 = arith.index_cast %add3A_319 : i32 to index
      %get3A_321 = tpu.vector_load %arg14[%get3A_320] {strides = array<i32>} : memref<65536xf32, #tpu.memory_space<vmem>>, vector<16xf32>,
      %add3A_322 = arith.addf %add3A_315, %get3A_321 : vector<16xf32>
      %mul3A_323 = arith.constant 16 : i32
      %mul3A_324 = arith.muli %scan3A_228, %mul3A_323 : i32
      %add3A_325 = arith.constant 53248 : i32
      %add3A_326 = arith.addi %add3A_325, %mul3A_324 : i32
      %get3A_327 = arith.index_cast %add3A_326 : i32 to index
      %get3A_328 = tpu.vector_load %arg14[%get3A_327] {strides = array<i32>} : memref<65536xf32, #tpu.memory_space<vmem>>, vector<16xf32>,
      %add3A_329 = arith.addf %add3A_322, %get3A_328 : vector<16xf32>
      %mul3A_330 = arith.constant 16 : i32
      %mul3A_331 = arith.muli %scan3A_228, %mul3A_330 : i32
      %add3A_332 = arith.constant 57344 : i32
      %add3A_333 = arith.addi %add3A_332, %mul3A_331 : i32
      %get3A_334 = arith.index_cast %add3A_333 : i32 to index
      %get3A_335 = tpu.vector_load %arg14[%get3A_334] {strides = array<i32>} : memref<65536xf32, #tpu.memory_space<vmem>>, vector<16xf32>,
      %add3A_336 = arith.addf %add3A_329, %get3A_335 : vector<16xf32>
      %mul3A_337 = arith.constant 16 : i32
      %mul3A_338 = arith.muli %scan3A_228, %mul3A_337 : i32
      %add3A_339 = arith.constant 61440 : i32
      %add3A_340 = arith.addi %add3A_339, %mul3A_338 : i32
      %get3A_341 = arith.index_cast %add3A_340 : i32 to index
      %get3A_342 = tpu.vector_load %arg14[%get3A_341] {strides = array<i32>} : memref<65536xf32, #tpu.memory_space<vmem>>, vector<16xf32>,
      %add3A_343 = arith.addf %add3A_336, %get3A_342 : vector<16xf32>
      %mul3A_344 = arith.constant 16 : i32
      %mul3A_345 = arith.muli %scan3A_228, %mul3A_344 : i32
      %swap3A_346 = arith.index_cast %mul3A_345 : i32 to index
      %swap3A_347 = tpu.vector_load %arg15[%swap3A_346] {strides = array<i32>} : memref<4096xf32, #tpu.memory_space<vmem>>, vector<16xf32>,
      tpu.vector_store %arg15[%swap3A_346], %add3A_343 {strides = array<i32>} : memref<4096xf32, #tpu.memory_space<vmem>>, vector<16xf32>,
      %reduce_sum3A = arith.constant true
      %reduce_sum3A_348 = vector.broadcast %reduce_sum3A : i1 to vector<16xi1>
      %reduce_sum3A_349 = tpu.scan <sum>, %add3A_343 masked %reduce_sum3A_348 : vector<16xf32>, vector<16xi1> -> vector<16xf32>
      %reduce_sum3A_350 = vector.extract %reduce_sum3A_349[15] : f32 from vector<16xf32>
      %add3A_351 = arith.addf %scan3A_229, %reduce_sum3A_350 : f32
      scf.yield %add3A_351 : f32
    }
    %scan3A_194 = arith.constant 256 : i32
    %scan3A_195 = arith.constant false
    %scan3A_196 = arith.constant 0 : i32
    %scan3A_197 = arith.constant 0.000000e+00 : f32
    %scan3A_198 = arith.constant 1.000000e+00 : f32
    %scan3A_199 = arith.constant 0.000000e+00 : f32
    %scan3A_200 = arith.constant 0 : i32
    %scan3A_201 = arith.constant 256 : i32
    %scan3A_202 = arith.addi %scan3A_200, %scan3A_201 : i32
    %scan3A_203 = arith.constant 1 : i32
    %scan3A_204:5 = scf.for %scan3A_228 = %scan3A_200 to %scan3A_202 step %scan3A_203 iter_args(%scan3A_229 = %scan3A_195, %scan3A_230 = %scan3A_196, %scan3A_231 = %scan3A_197, %scan3A_232 = %scan3A_198, %scan3A_233 = %scan3A_199) -> (i1, i32, f32, f32, f32)  : i32 {
      %sub3A_234 = arith.constant 255 : i32
      %sub3A_235 = arith.subi %sub3A_234, %scan3A_228 : i32
      %mul3A_236 = arith.constant 16 : i32
      %mul3A_237 = arith.muli %sub3A_235, %mul3A_236 : i32
      %get3A_238 = arith.index_cast %mul3A_237 : i32 to index
      %get3A_239 = tpu.vector_load %arg15[%get3A_238] {strides = array<i32>} : memref<4096xf32, #tpu.memory_space<vmem>>, vector<16xf32>,
      %reduce_sum3A = arith.constant true
      %reduce_sum3A_240 = vector.broadcast %reduce_sum3A : i1 to vector<16xi1>
      %reduce_sum3A_241 = tpu.scan <sum>, %get3A_239 masked %reduce_sum3A_240 : vector<16xf32>, vector<16xi1> -> vector<16xf32>
      %reduce_sum3A_242 = vector.extract %reduce_sum3A_241[15] : f32 from vector<16xf32>
      %broadcast_in_dim3A_243 = arith.constant true
      %broadcast_in_dim3A_244 = vector.broadcast %broadcast_in_dim3A_243 : i1 to vector<16xi1>
      %masked_cumsum3A = tpu.scan <sum>, %get3A_239 masked %broadcast_in_dim3A_244 : vector<16xf32>, vector<16xi1> -> vector<16xf32>
      %sub3A_245 = vector.broadcast %reduce_sum3A_242 : f32 to vector<16xf32>
      %sub3A_246 = arith.subf %sub3A_245, %masked_cumsum3A : vector<16xf32>
      %add3A_247 = vector.broadcast %scan3A_233 : f32 to vector<16xf32>
      %add3A_248 = arith.addf %add3A_247, %sub3A_246 : vector<16xf32>
      %add3A_249 = arith.addf %add3A_248, %get3A_239 : vector<16xf32>
      %add3A_250 = vector.broadcast %scan3A_153#2 : f32 to vector<16xf32>
      %add3A_251 = arith.addf %add3A_250, %add3A_249 : vector<16xf32>
      %gt3A = vector.broadcast %mul3A_142 : f32 to vector<16xf32>
      %gt3A_252 = arith.cmpf ogt, %add3A_251, %gt3A : vector<16xf32>
      %convert_element_type3A_253 = arith.extui %gt3A_252 : vector<16xi1> to vector<16xi32>
      %reduce_sum3A_254 = arith.constant true
      %reduce_sum3A_255 = vector.broadcast %reduce_sum3A_254 : i1 to vector<16xi1>
      %reduce_sum3A_256 = tpu.scan <sum>, %convert_element_type3A_253 masked %reduce_sum3A_255 : vector<16xi32>, vector<16xi1> -> vector<16xi32>
      %reduce_sum3A_257 = vector.extract %reduce_sum3A_256[15] : i32 from vector<16xi32>
      %gt3A_258 = arith.constant 0 : i32
      %gt3A_259 = arith.cmpi sgt, %reduce_sum3A_257, %gt3A_258 : i32
      %not3A = arith.constant true
      %not3A_260 = arith.xori %scan3A_229, %not3A : i1
      %and3A_261 = arith.andi %gt3A_259, %not3A_260 : i1
      %sub3A_262 = arith.constant 1 : i32
      %sub3A_263 = arith.subi %reduce_sum3A_257, %sub3A_262 : i32
      %iota3A_264 = tpu.iota {dimensions = array<i32: 0>} : vector<16xi32>
      %eq3A_265 = vector.broadcast %sub3A_263 : i32 to vector<16xi32>
      %eq3A_266 = arith.cmpi eq, %iota3A_264, %eq3A_265 : vector<16xi32>
      %jit3A_267 = arith.constant 0xFF800000 : f32
      %broadcast_in_dim3A_268 = vector.broadcast %jit3A_267 : f32 to vector<16xf32>
      %select_n3A_269 = arith.select %eq3A_266, %masked_cumsum3A, %broadcast_in_dim3A_268 : vector<16xi1>, vector<16xf32>
      %reduce_max3A_270 = arith.constant true
      %reduce_max3A_271 = vector.broadcast %reduce_max3A_270 : i1 to vector<16xi1>
      %reduce_max3A_272 = tpu.scan <max>, %select_n3A_269 masked %reduce_max3A_271 : vector<16xf32>, vector<16xi1> -> vector<16xf32>
      %reduce_max3A_273 = vector.extract %reduce_max3A_272[15] : f32 from vector<16xf32>
      %iota3A_274 = tpu.iota {dimensions = array<i32: 0>} : vector<16xi32>
      %eq3A_275 = vector.broadcast %sub3A_263 : i32 to vector<16xi32>
      %eq3A_276 = arith.cmpi eq, %iota3A_274, %eq3A_275 : vector<16xi32>
      %jit3A_277 = arith.constant 0xFF800000 : f32
      %broadcast_in_dim3A_278 = vector.broadcast %jit3A_277 : f32 to vector<16xf32>
      %select_n3A_279 = arith.select %eq3A_276, %get3A_239, %broadcast_in_dim3A_278 : vector<16xi1>, vector<16xf32>
      %reduce_max3A_280 = arith.constant true
      %reduce_max3A_281 = vector.broadcast %reduce_max3A_280 : i1 to vector<16xi1>
      %reduce_max3A_282 = tpu.scan <max>, %select_n3A_279 masked %reduce_max3A_281 : vector<16xf32>, vector<16xi1> -> vector<16xf32>
      %reduce_max3A_283 = vector.extract %reduce_max3A_282[15] : f32 from vector<16xf32>
      %sub3A_284 = arith.subf %reduce_sum3A_242, %reduce_max3A_273 : f32
      %add3A_285 = arith.addf %scan3A_233, %sub3A_284 : f32
      %add3A_286 = arith.addf %add3A_285, %reduce_max3A_283 : f32
      %add3A_287 = arith.addf %scan3A_153#2, %add3A_286 : f32
      %or3A = arith.ori %scan3A_229, %gt3A_259 : i1
      %mul3A_288 = arith.constant 16 : i32
      %mul3A_289 = arith.muli %sub3A_235, %mul3A_288 : i32
      %add3A_290 = arith.addi %mul3A_289, %sub3A_263 : i32
      %select_n3A_291 = arith.select %and3A_261, %add3A_290, %scan3A_230 : i32
      %select_n3A_292 = arith.select %and3A_261, %add3A_285, %scan3A_231 : f32
      %select_n3A_293 = arith.select %and3A_261, %add3A_287, %scan3A_232 : f32
      %add3A_294 = arith.addf %scan3A_233, %reduce_sum3A_242 : f32
      scf.yield %or3A, %select_n3A_291, %select_n3A_292, %select_n3A_293, %add3A_294 : i1, i32, f32, f32, f32
    }
    %scan3A_205 = arith.constant 256 : i32
    %iota3A_206 = tpu.iota {dimensions = array<i32: 0>} : vector<16xi32>
    %eq3A_207 = arith.constant 0 : i32
    %eq3A_208 = vector.broadcast %eq3A_207 : i32 to vector<16xi32>
    %eq3A_209 = arith.cmpi eq, %iota3A_206, %eq3A_208 : vector<16xi32>
    %eq3A_210 = arith.constant 1 : i32
    %eq3A_211 = vector.broadcast %eq3A_210 : i32 to vector<16xi32>
    %eq3A_212 = arith.cmpi eq, %iota3A_206, %eq3A_211 : vector<16xi32>
    %convert_element_type3A_213 = arith.sitofp %scan3A_204#1 : i32 to f32
    %eq3A_214 = arith.constant 2 : i32
    %eq3A_215 = vector.broadcast %eq3A_214 : i32 to vector<16xi32>
    %eq3A_216 = arith.cmpi eq, %iota3A_206, %eq3A_215 : vector<16xi32>
    %jit3A_217 = arith.constant 0.000000e+00 : f32
    %broadcast_in_dim3A_218 = vector.broadcast %scan3A_204#3 : f32 to vector<16xf32>
    %broadcast_in_dim3A_219 = vector.broadcast %jit3A_217 : f32 to vector<16xf32>
    %select_n3A_220 = arith.select %eq3A_216, %broadcast_in_dim3A_218, %broadcast_in_dim3A_219 : vector<16xi1>, vector<16xf32>
    %broadcast_in_dim3A_221 = vector.broadcast %convert_element_type3A_213 : f32 to vector<16xf32>
    %select_n3A_222 = arith.select %eq3A_212, %broadcast_in_dim3A_221, %select_n3A_220 : vector<16xi1>, vector<16xf32>
    %broadcast_in_dim3A_223 = vector.broadcast %convert_element_type3A : f32 to vector<16xf32>
    %select_n3A_224 = arith.select %eq3A_209, %broadcast_in_dim3A_223, %select_n3A_222 : vector<16xi1>, vector<16xf32>
    %swap3A = arith.constant 0 : i32
    %swap3A_225 = arith.index_cast %swap3A : i32 to index
    %swap3A_226 = arith.constant 0 : index
    %swap3A_227 = tpu.vector_load %arg22[%swap3A_225, %swap3A_226] {strides = array<i32>} : memref<1x16xf32, #tpu.memory_space<vmem>>, vector<16xf32>,
    tpu.vector_store %arg22[%swap3A_225, %swap3A_226], %select_n3A_224 {strides = array<i32>} : memref<1x16xf32, #tpu.memory_space<vmem>>, vector<16xf32>,
    "tpu.region"() ({
      %run_scoped3A = tpu.sem_alloc : memref<!tpu.dma_semaphore, #tpu.memory_space<semaphore_mem>>
      %dma_start3A_228 = arith.constant 0 : i32
      %dma_start3A_229 = arith.constant 0 : i32
      %dma_start3A_230 = tpu.memref_slice %arg9[%add3A, %dma_start3A_228, %dma_start3A_229] : memref<32x1x16xf32, #tpu.memory_space<hbm>> -> memref<1x1x16xf32, #tpu.memory_space<hbm>>
      %dma_start3A_231 = tpu.memref_squeeze %dma_start3A_230 : memref<1x1x16xf32, #tpu.memory_space<hbm>> -> memref<1x16xf32, #tpu.memory_space<hbm>>
      %dma_start3A_232 = arith.constant 0 : i32
      %dma_start3A_233 = arith.constant 0 : i32
      %dma_start3A_234 = tpu.memref_slice %arg9[%add3A, %dma_start3A_232, %dma_start3A_233] : memref<32x1x16xf32, #tpu.memory_space<hbm>> -> memref<1x1x16xf32, #tpu.memory_space<hbm>>
      %dma_start3A_235 = tpu.memref_squeeze %dma_start3A_234 : memref<1x1x16xf32, #tpu.memory_space<hbm>> -> memref<1x16xf32, #tpu.memory_space<hbm>>
      tpu.enqueue_dma source(%arg22 : memref<1x16xf32, #tpu.memory_space<vmem>>) target(%dma_start3A_235 : memref<1x16xf32, #tpu.memory_space<hbm>>) target_semaphore(%run_scoped3A : memref<!tpu.dma_semaphore, #tpu.memory_space<semaphore_mem>>)
      %dma_wait3A = arith.constant 0 : i32
      %dma_wait3A_236 = arith.constant 0 : i32
      %dma_wait3A_237 = tpu.memref_slice %arg9[%add3A, %dma_wait3A, %dma_wait3A_236] : memref<32x1x16xf32, #tpu.memory_space<hbm>> -> memref<1x1x16xf32, #tpu.memory_space<hbm>>
      %dma_wait3A_238 = tpu.memref_squeeze %dma_wait3A_237 : memref<1x1x16xf32, #tpu.memory_space<hbm>> -> memref<1x16xf32, #tpu.memory_space<hbm>>
      %dma_wait3A_239 = arith.constant 0 : i32
      %dma_wait3A_240 = arith.constant 0 : i32
      %dma_wait3A_241 = tpu.memref_slice %arg9[%add3A, %dma_wait3A_239, %dma_wait3A_240] : memref<32x1x16xf32, #tpu.memory_space<hbm>> -> memref<1x1x16xf32, #tpu.memory_space<hbm>>
      %dma_wait3A_242 = tpu.memref_squeeze %dma_wait3A_241 : memref<1x1x16xf32, #tpu.memory_space<hbm>> -> memref<1x16xf32, #tpu.memory_space<hbm>>
      tpu.wait_dma2 semaphore(%run_scoped3A : memref<!tpu.dma_semaphore, #tpu.memory_space<semaphore_mem>>) src(%arg22 : memref<1x16xf32, #tpu.memory_space<vmem>>) dst(%dma_wait3A_242 : memref<1x16xf32, #tpu.memory_space<hbm>>)
      tpu.yield
    }) : () -> ()
    return
  }
}

module attributes {stable_mosaic.version = 14 : i64} {
  func.func @_mm_body(%arg0: i32, %arg1: memref<32x128xf32, #tpu.memory_space<vmem>>, %arg2: memref<32x1xf32, #tpu.memory_space<vmem>>, %arg3: memref<8192x128xf32, #tpu.memory_space<vmem>>, %arg4: memref<32x64x128xf32, #tpu.memory_space<vmem>>, %arg5: memref<32x1xf32, #tpu.memory_space<vmem>>, %arg6: memref<32x1xf32, #tpu.memory_space<vmem>>, %arg7: memref<32x128xf32, #tpu.memory_space<vmem>>, %arg8: memref<32x128xf32, #tpu.memory_space<vmem>>) attributes {dimension_semantics = [#tpu.dimension_semantics<arbitrary>], iteration_bounds = array<i64: 123>, scalar_prefetch = 0 : i64, scratch_operands = 2 : i64, tpu.core_type = #tpu.core_type<tc>, window_params = [{pipeline_mode = #tpu.pipeline_mode<synchronous>, transform_indices = @transform_0, window_bounds = array<i64: 32, 128>}, {pipeline_mode = #tpu.pipeline_mode<synchronous>, transform_indices = @transform_1, window_bounds = array<i64: 32, 1>}, {transform_indices = @transform_2, window_bounds = array<i64: 8192, 128>}, {transform_indices = @transform_3, window_bounds = array<i64: 32, 64, 128>}, {pipeline_mode = #tpu.pipeline_mode<synchronous>, transform_indices = @transform_4, window_bounds = array<i64: 32, 1>}, {pipeline_mode = #tpu.pipeline_mode<synchronous>, transform_indices = @transform_5, window_bounds = array<i64: 32, 1>}]} {
    %get3A = arith.constant 0 : index
    %get3A_0 = arith.constant 0 : index
    %get3A_1 = vector.load %arg1[%get3A, %get3A_0] : memref<32x128xf32, #tpu.memory_space<vmem>>, vector<32x128xf32>
    %get3A_2 = arith.constant 0 : index
    %get3A_3 = arith.constant 0 : index
    %get3A_4 = vector.load %arg3[%get3A_2, %get3A_3] : memref<8192x128xf32, #tpu.memory_space<vmem>>, vector<8192x128xf32>
    %dot_general3A = arith.constant dense<0.000000e+00> : vector<32x8192xf32>
    %dot_general3A_5 = tpu.matmul %get3A_1, %get3A_4, %dot_general3A {dimension_numbers = #tpu.dot_dimension_numbers<[1], [1], [0], [0], [0, 0, 1, 0], [], []>, transpose_lhs_hint = false} : vector<32x128xf32>, vector<8192x128xf32>, vector<32x8192xf32> -> vector<32x8192xf32>
    %get3A_6 = arith.constant 0 : index
    %get3A_7 = arith.constant 0 : index
    %get3A_8 = vector.load %arg2[%get3A_6, %get3A_7] : memref<32x1xf32, #tpu.memory_space<vmem>>, vector<32x1xf32>
    %div3A = vector.broadcast %get3A_8 : vector<32x1xf32> to vector<32x8192xf32>
    %div3A_9 = arith.divf %dot_general3A_5, %div3A : vector<32x8192xf32>
    %iota3A = tpu.iota {dimensions = array<i32: 1>} : vector<32x8192xi32>
    %mul3A = arith.constant 8192 : i32
    %mul3A_10 = arith.muli %arg0, %mul3A : i32
    %add3A = vector.broadcast %mul3A_10 : i32 to vector<32x8192xi32>
    %add3A_11 = arith.addi %iota3A, %add3A : vector<32x8192xi32>
    %lt3A = arith.constant 1000000 : i32
    %lt3A_12 = vector.broadcast %lt3A : i32 to vector<32x8192xi32>
    %lt3A_13 = arith.cmpi slt, %add3A_11, %lt3A_12 : vector<32x8192xi32>
    %jit3A = arith.constant 0xFF800000 : f32
    %broadcast_in_dim3A = vector.broadcast %jit3A : f32 to vector<32x8192xf32>
    %select_n3A = arith.select %lt3A_13, %div3A_9, %broadcast_in_dim3A : vector<32x8192xi1>, vector<32x8192xf32>
    %reshape3A = vector.shape_cast %select_n3A : vector<32x8192xf32> to vector<32x64x128xf32>
    %swap3A = arith.constant 0 : index
    %swap3A_14 = arith.constant 0 : index
    %swap3A_15 = arith.constant 0 : index
    %swap3A_16 = vector.load %arg4[%swap3A, %swap3A_14, %swap3A_15] : memref<32x64x128xf32, #tpu.memory_space<vmem>>, vector<32x64x128xf32>
    tpu.vector_store %arg4[%swap3A, %swap3A_14, %swap3A_15], %reshape3A {strides = array<i32>} : memref<32x64x128xf32, #tpu.memory_space<vmem>>, vector<32x64x128xf32>,
    %jit3A_17 = arith.constant 0x7F800000 : f32
    %broadcast_in_dim3A_18 = vector.broadcast %jit3A_17 : f32 to vector<32x8192xf32>
    %select_n3A_19 = arith.select %lt3A_13, %select_n3A, %broadcast_in_dim3A_18 : vector<32x8192xi1>, vector<32x8192xf32>
    %reduce_min3A = arith.constant dense<0x7F800000> : vector<32xf32>
    %reduce_min3A_20 = vector.multi_reduction <minimumf>, %select_n3A_19, %reduce_min3A [1] : vector<32x8192xf32> to vector<32xf32>
    %broadcast_in_dim3A_21 = vector.shape_cast %reduce_min3A_20 : vector<32xf32> to vector<32x1xf32>
    %reduce_max3A = arith.constant dense<0xFF800000> : vector<32xf32>
    %reduce_max3A_22 = vector.multi_reduction <maximumf>, %select_n3A, %reduce_max3A [1] : vector<32x8192xf32> to vector<32xf32>
    %broadcast_in_dim3A_23 = vector.shape_cast %reduce_max3A_22 : vector<32xf32> to vector<32x1xf32>
    %broadcast_in_dim3A_24 = vector.shape_cast %broadcast_in_dim3A_21 : vector<32x1xf32> to vector<32x1xf32>
    %broadcast_in_dim3A_25 = vector.broadcast %broadcast_in_dim3A_24 : vector<32x1xf32> to vector<32x128xf32>
    %broadcast_in_dim3A_26 = vector.shape_cast %broadcast_in_dim3A_23 : vector<32x1xf32> to vector<32x1xf32>
    %broadcast_in_dim3A_27 = vector.broadcast %broadcast_in_dim3A_26 : vector<32x1xf32> to vector<32x128xf32>
    %eq3A = arith.constant 0 : i32
    %eq3A_28 = arith.cmpi eq, %arg0, %eq3A : i32
    %convert_element_type3A = arith.extui %eq3A_28 : i1 to i32
    %cond3A = arith.constant 0 : i32
    %cond3A_29 = arith.cmpi ne, %convert_element_type3A, %cond3A : i32
    scf.if %cond3A_29 {
      %swap3A_39 = arith.constant 0 : index
      %swap3A_40 = arith.constant 0 : index
      %swap3A_41 = vector.load %arg7[%swap3A_39, %swap3A_40] : memref<32x128xf32, #tpu.memory_space<vmem>>, vector<32x128xf32>
      tpu.vector_store %arg7[%swap3A_39, %swap3A_40], %broadcast_in_dim3A_25 {strides = array<i32>} : memref<32x128xf32, #tpu.memory_space<vmem>>, vector<32x128xf32>,
      %swap3A_42 = arith.constant 0 : index
      %swap3A_43 = arith.constant 0 : index
      %swap3A_44 = vector.load %arg8[%swap3A_42, %swap3A_43] : memref<32x128xf32, #tpu.memory_space<vmem>>, vector<32x128xf32>
      tpu.vector_store %arg8[%swap3A_42, %swap3A_43], %broadcast_in_dim3A_27 {strides = array<i32>} : memref<32x128xf32, #tpu.memory_space<vmem>>, vector<32x128xf32>,
    } else {
    }
    %gt3A = arith.constant 0 : i32
    %gt3A_30 = arith.cmpi sgt, %arg0, %gt3A : i32
    %convert_element_type3A_31 = arith.extui %gt3A_30 : i1 to i32
    %cond3A_32 = arith.constant 0 : i32
    %cond3A_33 = arith.cmpi ne, %convert_element_type3A_31, %cond3A_32 : i32
    scf.if %cond3A_33 {
      %get3A_39 = arith.constant 0 : index
      %get3A_40 = arith.constant 0 : index
      %get3A_41 = vector.load %arg7[%get3A_39, %get3A_40] : memref<32x128xf32, #tpu.memory_space<vmem>>, vector<32x128xf32>
      %min3A = arith.minimumf %get3A_41, %broadcast_in_dim3A_25 : vector<32x128xf32>
      %swap3A_42 = arith.constant 0 : index
      %swap3A_43 = arith.constant 0 : index
      %swap3A_44 = vector.load %arg7[%swap3A_42, %swap3A_43] : memref<32x128xf32, #tpu.memory_space<vmem>>, vector<32x128xf32>
      tpu.vector_store %arg7[%swap3A_42, %swap3A_43], %min3A {strides = array<i32>} : memref<32x128xf32, #tpu.memory_space<vmem>>, vector<32x128xf32>,
      %get3A_45 = arith.constant 0 : index
      %get3A_46 = arith.constant 0 : index
      %get3A_47 = vector.load %arg8[%get3A_45, %get3A_46] : memref<32x128xf32, #tpu.memory_space<vmem>>, vector<32x128xf32>
      %max3A = arith.maximumf %get3A_47, %broadcast_in_dim3A_27 : vector<32x128xf32>
      %swap3A_48 = arith.constant 0 : index
      %swap3A_49 = arith.constant 0 : index
      %swap3A_50 = vector.load %arg8[%swap3A_48, %swap3A_49] : memref<32x128xf32, #tpu.memory_space<vmem>>, vector<32x128xf32>
      tpu.vector_store %arg8[%swap3A_48, %swap3A_49], %max3A {strides = array<i32>} : memref<32x128xf32, #tpu.memory_space<vmem>>, vector<32x128xf32>,
    } else {
    }
    %eq3A_34 = arith.constant 122 : i32
    %eq3A_35 = arith.cmpi eq, %arg0, %eq3A_34 : i32
    %convert_element_type3A_36 = arith.extui %eq3A_35 : i1 to i32
    %cond3A_37 = arith.constant 0 : i32
    %cond3A_38 = arith.cmpi ne, %convert_element_type3A_36, %cond3A_37 : i32
    scf.if %cond3A_38 {
      %get3A_39 = arith.constant 0 : index
      %get3A_40 = arith.constant 0 : index
      %get3A_41 = vector.load %arg7[%get3A_39, %get3A_40] : memref<32x128xf32, #tpu.memory_space<vmem>>, vector<32x128xf32>
      %reduce_min3A_42 = arith.constant dense<0x7F800000> : vector<32xf32>
      %reduce_min3A_43 = vector.multi_reduction <minimumf>, %get3A_41, %reduce_min3A_42 [1] : vector<32x128xf32> to vector<32xf32>
      %broadcast_in_dim3A_44 = vector.shape_cast %reduce_min3A_43 : vector<32xf32> to vector<32x1xf32>
      %swap3A_45 = arith.constant 0 : index
      %swap3A_46 = arith.constant 0 : index
      %swap3A_47 = vector.load %arg5[%swap3A_45, %swap3A_46] : memref<32x1xf32, #tpu.memory_space<vmem>>, vector<32x1xf32>
      tpu.vector_store %arg5[%swap3A_45, %swap3A_46], %broadcast_in_dim3A_44 {strides = array<i32>} : memref<32x1xf32, #tpu.memory_space<vmem>>, vector<32x1xf32>,
      %get3A_48 = arith.constant 0 : index
      %get3A_49 = arith.constant 0 : index
      %get3A_50 = vector.load %arg8[%get3A_48, %get3A_49] : memref<32x128xf32, #tpu.memory_space<vmem>>, vector<32x128xf32>
      %reduce_max3A_51 = arith.constant dense<0xFF800000> : vector<32xf32>
      %reduce_max3A_52 = vector.multi_reduction <maximumf>, %get3A_50, %reduce_max3A_51 [1] : vector<32x128xf32> to vector<32xf32>
      %broadcast_in_dim3A_53 = vector.shape_cast %reduce_max3A_52 : vector<32xf32> to vector<32x1xf32>
      %swap3A_54 = arith.constant 0 : index
      %swap3A_55 = arith.constant 0 : index
      %swap3A_56 = vector.load %arg6[%swap3A_54, %swap3A_55] : memref<32x1xf32, #tpu.memory_space<vmem>>, vector<32x1xf32>
      tpu.vector_store %arg6[%swap3A_54, %swap3A_55], %broadcast_in_dim3A_53 {strides = array<i32>} : memref<32x1xf32, #tpu.memory_space<vmem>>, vector<32x1xf32>,
    } else {
    }
    return
  }
  func.func @transform_0(%arg0: i32) -> (i32, i32) {
    %c0_i32 = arith.constant 0 : i32
    %c0_i32_0 = arith.constant 0 : i32
    %c0_i32_1 = arith.constant 0 : i32
    return %c0_i32, %c0_i32_0 : i32, i32
  }
  func.func @transform_1(%arg0: i32) -> (i32, i32) {
    %c0_i32 = arith.constant 0 : i32
    %c0_i32_0 = arith.constant 0 : i32
    %c0_i32_1 = arith.constant 0 : i32
    return %c0_i32, %c0_i32_0 : i32, i32
  }
  func.func @transform_2(%arg0: i32) -> (i32, i32) {
    %c0_i32 = arith.constant 0 : i32
    %c0_i32_0 = arith.constant 0 : i32
    return %arg0, %c0_i32 : i32, i32
  }
  func.func @transform_3(%arg0: i32) -> (i32, i32, i32) {
    %c0_i32 = arith.constant 0 : i32
    %c0_i32_0 = arith.constant 0 : i32
    %c0_i32_1 = arith.constant 0 : i32
    return %c0_i32, %arg0, %c0_i32_0 : i32, i32, i32
  }
  func.func @transform_4(%arg0: i32) -> (i32, i32) {
    %c0_i32 = arith.constant 0 : i32
    %c0_i32_0 = arith.constant 0 : i32
    %c0_i32_1 = arith.constant 0 : i32
    return %c0_i32, %c0_i32_0 : i32, i32
  }
  func.func @transform_5(%arg0: i32) -> (i32, i32) {
    %c0_i32 = arith.constant 0 : i32
    %c0_i32_0 = arith.constant 0 : i32
    %c0_i32_1 = arith.constant 0 : i32
    return %c0_i32, %c0_i32_0 : i32, i32
  }
}

module attributes {stable_mosaic.version = 14 : i64} {
  func.func @_gum_body(%arg0: i32, %arg1: memref<32x64x128xf32, #tpu.memory_space<vmem>>) attributes {dimension_semantics = [#tpu.dimension_semantics<arbitrary>], iteration_bounds = array<i64: 123>, scalar_prefetch = 0 : i64, scratch_operands = 0 : i64, tpu.core_type = #tpu.core_type<tc>, window_params = [{transform_indices = @transform_0, window_bounds = array<i64: 32, 64, 128>}]} {
    %iota3A = tpu.iota {dimensions = array<i32: 1>} : vector<32x8192xi32>
    %mul3A = arith.constant 8192 : i32
    %mul3A_0 = arith.muli %arg0, %mul3A : i32
    %add3A = vector.broadcast %mul3A_0 : i32 to vector<32x8192xi32>
    %add3A_1 = arith.addi %iota3A, %add3A : vector<32x8192xi32>
    %iota3A_2 = tpu.iota {dimensions = array<i32: 0>} : vector<32x8192xi32>
    %mul3A_3 = arith.constant 1000000 : i32
    %mul3A_4 = vector.broadcast %mul3A_3 : i32 to vector<32x8192xi32>
    %mul3A_5 = arith.muli %iota3A_2, %mul3A_4 : vector<32x8192xi32>
    %add3A_6 = arith.addi %mul3A_5, %add3A_1 : vector<32x8192xi32>
    %broadcast_in_dim3A = arith.constant 0 : i32
    %broadcast_in_dim3A_7 = vector.broadcast %broadcast_in_dim3A : i32 to vector<32x8192xi32>
    %add3A_8 = arith.constant 0 : i32
    %add3A_9 = vector.broadcast %add3A_8 : i32 to vector<32x8192xi32>
    %add3A_10 = arith.addi %broadcast_in_dim3A_7, %add3A_9 : vector<32x8192xi32>
    %add3A_11 = arith.constant 42 : i32
    %add3A_12 = vector.broadcast %add3A_11 : i32 to vector<32x8192xi32>
    %add3A_13 = arith.addi %add3A_6, %add3A_12 : vector<32x8192xi32>
    %add3A_14 = arith.addi %add3A_10, %add3A_13 : vector<32x8192xi32>
    %shift_left3A = arith.constant 13 : i32
    %shift_left3A_15 = vector.broadcast %shift_left3A : i32 to vector<32x8192xi32>
    %shift_left3A_16 = arith.shli %add3A_13, %shift_left3A_15 : vector<32x8192xi32>
    %shift_right_logical3A = arith.constant 19 : i32
    %shift_right_logical3A_17 = vector.broadcast %shift_right_logical3A : i32 to vector<32x8192xi32>
    %shift_right_logical3A_18 = arith.shrui %add3A_13, %shift_right_logical3A_17 : vector<32x8192xi32>
    %or3A = arith.ori %shift_left3A_16, %shift_right_logical3A_18 : vector<32x8192xi32>
    %xor3A = arith.xori %add3A_14, %or3A : vector<32x8192xi32>
    %add3A_19 = arith.addi %add3A_14, %xor3A : vector<32x8192xi32>
    %shift_left3A_20 = arith.constant 15 : i32
    %shift_left3A_21 = vector.broadcast %shift_left3A_20 : i32 to vector<32x8192xi32>
    %shift_left3A_22 = arith.shli %xor3A, %shift_left3A_21 : vector<32x8192xi32>
    %shift_right_logical3A_23 = arith.constant 17 : i32
    %shift_right_logical3A_24 = vector.broadcast %shift_right_logical3A_23 : i32 to vector<32x8192xi32>
    %shift_right_logical3A_25 = arith.shrui %xor3A, %shift_right_logical3A_24 : vector<32x8192xi32>
    %or3A_26 = arith.ori %shift_left3A_22, %shift_right_logical3A_25 : vector<32x8192xi32>
    %xor3A_27 = arith.xori %add3A_19, %or3A_26 : vector<32x8192xi32>
    %add3A_28 = arith.addi %add3A_19, %xor3A_27 : vector<32x8192xi32>
    %shift_left3A_29 = arith.constant 26 : i32
    %shift_left3A_30 = vector.broadcast %shift_left3A_29 : i32 to vector<32x8192xi32>
    %shift_left3A_31 = arith.shli %xor3A_27, %shift_left3A_30 : vector<32x8192xi32>
    %shift_right_logical3A_32 = arith.constant 6 : i32
    %shift_right_logical3A_33 = vector.broadcast %shift_right_logical3A_32 : i32 to vector<32x8192xi32>
    %shift_right_logical3A_34 = arith.shrui %xor3A_27, %shift_right_logical3A_33 : vector<32x8192xi32>
    %or3A_35 = arith.ori %shift_left3A_31, %shift_right_logical3A_34 : vector<32x8192xi32>
    %xor3A_36 = arith.xori %add3A_28, %or3A_35 : vector<32x8192xi32>
    %add3A_37 = arith.addi %add3A_28, %xor3A_36 : vector<32x8192xi32>
    %shift_left3A_38 = arith.constant 6 : i32
    %shift_left3A_39 = vector.broadcast %shift_left3A_38 : i32 to vector<32x8192xi32>
    %shift_left3A_40 = arith.shli %xor3A_36, %shift_left3A_39 : vector<32x8192xi32>
    %shift_right_logical3A_41 = arith.constant 26 : i32
    %shift_right_logical3A_42 = vector.broadcast %shift_right_logical3A_41 : i32 to vector<32x8192xi32>
    %shift_right_logical3A_43 = arith.shrui %xor3A_36, %shift_right_logical3A_42 : vector<32x8192xi32>
    %or3A_44 = arith.ori %shift_left3A_40, %shift_right_logical3A_43 : vector<32x8192xi32>
    %xor3A_45 = arith.xori %add3A_37, %or3A_44 : vector<32x8192xi32>
    %add3A_46 = arith.constant 42 : i32
    %add3A_47 = vector.broadcast %add3A_46 : i32 to vector<32x8192xi32>
    %add3A_48 = arith.addi %add3A_37, %add3A_47 : vector<32x8192xi32>
    %add3A_49 = arith.constant 466689008 : i32
    %add3A_50 = vector.broadcast %add3A_49 : i32 to vector<32x8192xi32>
    %add3A_51 = arith.addi %xor3A_45, %add3A_50 : vector<32x8192xi32>
    %add3A_52 = arith.constant 1 : i32
    %add3A_53 = vector.broadcast %add3A_52 : i32 to vector<32x8192xi32>
    %add3A_54 = arith.addi %add3A_51, %add3A_53 : vector<32x8192xi32>
    %add3A_55 = arith.addi %add3A_48, %add3A_54 : vector<32x8192xi32>
    %shift_left3A_56 = arith.constant 17 : i32
    %shift_left3A_57 = vector.broadcast %shift_left3A_56 : i32 to vector<32x8192xi32>
    %shift_left3A_58 = arith.shli %add3A_54, %shift_left3A_57 : vector<32x8192xi32>
    %shift_right_logical3A_59 = arith.constant 15 : i32
    %shift_right_logical3A_60 = vector.broadcast %shift_right_logical3A_59 : i32 to vector<32x8192xi32>
    %shift_right_logical3A_61 = arith.shrui %add3A_54, %shift_right_logical3A_60 : vector<32x8192xi32>
    %or3A_62 = arith.ori %shift_left3A_58, %shift_right_logical3A_61 : vector<32x8192xi32>
    %xor3A_63 = arith.xori %add3A_55, %or3A_62 : vector<32x8192xi32>
    %add3A_64 = arith.addi %add3A_55, %xor3A_63 : vector<32x8192xi32>
    %shift_left3A_65 = arith.constant 29 : i32
    %shift_left3A_66 = vector.broadcast %shift_left3A_65 : i32 to vector<32x8192xi32>
    %shift_left3A_67 = arith.shli %xor3A_63, %shift_left3A_66 : vector<32x8192xi32>
    %shift_right_logical3A_68 = arith.constant 3 : i32
    %shift_right_logical3A_69 = vector.broadcast %shift_right_logical3A_68 : i32 to vector<32x8192xi32>
    %shift_right_logical3A_70 = arith.shrui %xor3A_63, %shift_right_logical3A_69 : vector<32x8192xi32>
    %or3A_71 = arith.ori %shift_left3A_67, %shift_right_logical3A_70 : vector<32x8192xi32>
    %xor3A_72 = arith.xori %add3A_64, %or3A_71 : vector<32x8192xi32>
    %add3A_73 = arith.addi %add3A_64, %xor3A_72 : vector<32x8192xi32>
    %shift_left3A_74 = arith.constant 16 : i32
    %shift_left3A_75 = vector.broadcast %shift_left3A_74 : i32 to vector<32x8192xi32>
    %shift_left3A_76 = arith.shli %xor3A_72, %shift_left3A_75 : vector<32x8192xi32>
    %shift_right_logical3A_77 = arith.constant 16 : i32
    %shift_right_logical3A_78 = vector.broadcast %shift_right_logical3A_77 : i32 to vector<32x8192xi32>
    %shift_right_logical3A_79 = arith.shrui %xor3A_72, %shift_right_logical3A_78 : vector<32x8192xi32>
    %or3A_80 = arith.ori %shift_left3A_76, %shift_right_logical3A_79 : vector<32x8192xi32>
    %xor3A_81 = arith.xori %add3A_73, %or3A_80 : vector<32x8192xi32>
    %add3A_82 = arith.addi %add3A_73, %xor3A_81 : vector<32x8192xi32>
    %shift_left3A_83 = arith.constant 24 : i32
    %shift_left3A_84 = vector.broadcast %shift_left3A_83 : i32 to vector<32x8192xi32>
    %shift_left3A_85 = arith.shli %xor3A_81, %shift_left3A_84 : vector<32x8192xi32>
    %shift_right_logical3A_86 = arith.constant 8 : i32
    %shift_right_logical3A_87 = vector.broadcast %shift_right_logical3A_86 : i32 to vector<32x8192xi32>
    %shift_right_logical3A_88 = arith.shrui %xor3A_81, %shift_right_logical3A_87 : vector<32x8192xi32>
    %or3A_89 = arith.ori %shift_left3A_85, %shift_right_logical3A_88 : vector<32x8192xi32>
    %xor3A_90 = arith.xori %add3A_82, %or3A_89 : vector<32x8192xi32>
    %add3A_91 = arith.constant 466689008 : i32
    %add3A_92 = vector.broadcast %add3A_91 : i32 to vector<32x8192xi32>
    %add3A_93 = arith.addi %add3A_82, %add3A_92 : vector<32x8192xi32>
    %add3A_94 = arith.constant 0 : i32
    %add3A_95 = vector.broadcast %add3A_94 : i32 to vector<32x8192xi32>
    %add3A_96 = arith.addi %xor3A_90, %add3A_95 : vector<32x8192xi32>
    %add3A_97 = arith.constant 2 : i32
    %add3A_98 = vector.broadcast %add3A_97 : i32 to vector<32x8192xi32>
    %add3A_99 = arith.addi %add3A_96, %add3A_98 : vector<32x8192xi32>
    %add3A_100 = arith.addi %add3A_93, %add3A_99 : vector<32x8192xi32>
    %shift_left3A_101 = arith.constant 13 : i32
    %shift_left3A_102 = vector.broadcast %shift_left3A_101 : i32 to vector<32x8192xi32>
    %shift_left3A_103 = arith.shli %add3A_99, %shift_left3A_102 : vector<32x8192xi32>
    %shift_right_logical3A_104 = arith.constant 19 : i32
    %shift_right_logical3A_105 = vector.broadcast %shift_right_logical3A_104 : i32 to vector<32x8192xi32>
    %shift_right_logical3A_106 = arith.shrui %add3A_99, %shift_right_logical3A_105 : vector<32x8192xi32>
    %or3A_107 = arith.ori %shift_left3A_103, %shift_right_logical3A_106 : vector<32x8192xi32>
    %xor3A_108 = arith.xori %add3A_100, %or3A_107 : vector<32x8192xi32>
    %add3A_109 = arith.addi %add3A_100, %xor3A_108 : vector<32x8192xi32>
    %shift_left3A_110 = arith.constant 15 : i32
    %shift_left3A_111 = vector.broadcast %shift_left3A_110 : i32 to vector<32x8192xi32>
    %shift_left3A_112 = arith.shli %xor3A_108, %shift_left3A_111 : vector<32x8192xi32>
    %shift_right_logical3A_113 = arith.constant 17 : i32
    %shift_right_logical3A_114 = vector.broadcast %shift_right_logical3A_113 : i32 to vector<32x8192xi32>
    %shift_right_logical3A_115 = arith.shrui %xor3A_108, %shift_right_logical3A_114 : vector<32x8192xi32>
    %or3A_116 = arith.ori %shift_left3A_112, %shift_right_logical3A_115 : vector<32x8192xi32>
    %xor3A_117 = arith.xori %add3A_109, %or3A_116 : vector<32x8192xi32>
    %add3A_118 = arith.addi %add3A_109, %xor3A_117 : vector<32x8192xi32>
    %shift_left3A_119 = arith.constant 26 : i32
    %shift_left3A_120 = vector.broadcast %shift_left3A_119 : i32 to vector<32x8192xi32>
    %shift_left3A_121 = arith.shli %xor3A_117, %shift_left3A_120 : vector<32x8192xi32>
    %shift_right_logical3A_122 = arith.constant 6 : i32
    %shift_right_logical3A_123 = vector.broadcast %shift_right_logical3A_122 : i32 to vector<32x8192xi32>
    %shift_right_logical3A_124 = arith.shrui %xor3A_117, %shift_right_logical3A_123 : vector<32x8192xi32>
    %or3A_125 = arith.ori %shift_left3A_121, %shift_right_logical3A_124 : vector<32x8192xi32>
    %xor3A_126 = arith.xori %add3A_118, %or3A_125 : vector<32x8192xi32>
    %add3A_127 = arith.addi %add3A_118, %xor3A_126 : vector<32x8192xi32>
    %shift_left3A_128 = arith.constant 6 : i32
    %shift_left3A_129 = vector.broadcast %shift_left3A_128 : i32 to vector<32x8192xi32>
    %shift_left3A_130 = arith.shli %xor3A_126, %shift_left3A_129 : vector<32x8192xi32>
    %shift_right_logical3A_131 = arith.constant 26 : i32
    %shift_right_logical3A_132 = vector.broadcast %shift_right_logical3A_131 : i32 to vector<32x8192xi32>
    %shift_right_logical3A_133 = arith.shrui %xor3A_126, %shift_right_logical3A_132 : vector<32x8192xi32>
    %or3A_134 = arith.ori %shift_left3A_130, %shift_right_logical3A_133 : vector<32x8192xi32>
    %xor3A_135 = arith.xori %add3A_127, %or3A_134 : vector<32x8192xi32>
    %add3A_136 = arith.constant 0 : i32
    %add3A_137 = vector.broadcast %add3A_136 : i32 to vector<32x8192xi32>
    %add3A_138 = arith.addi %add3A_127, %add3A_137 : vector<32x8192xi32>
    %add3A_139 = arith.constant 42 : i32
    %add3A_140 = vector.broadcast %add3A_139 : i32 to vector<32x8192xi32>
    %add3A_141 = arith.addi %xor3A_135, %add3A_140 : vector<32x8192xi32>
    %add3A_142 = arith.constant 3 : i32
    %add3A_143 = vector.broadcast %add3A_142 : i32 to vector<32x8192xi32>
    %add3A_144 = arith.addi %add3A_141, %add3A_143 : vector<32x8192xi32>
    %add3A_145 = arith.addi %add3A_138, %add3A_144 : vector<32x8192xi32>
    %shift_left3A_146 = arith.constant 17 : i32
    %shift_left3A_147 = vector.broadcast %shift_left3A_146 : i32 to vector<32x8192xi32>
    %shift_left3A_148 = arith.shli %add3A_144, %shift_left3A_147 : vector<32x8192xi32>
    %shift_right_logical3A_149 = arith.constant 15 : i32
    %shift_right_logical3A_150 = vector.broadcast %shift_right_logical3A_149 : i32 to vector<32x8192xi32>
    %shift_right_logical3A_151 = arith.shrui %add3A_144, %shift_right_logical3A_150 : vector<32x8192xi32>
    %or3A_152 = arith.ori %shift_left3A_148, %shift_right_logical3A_151 : vector<32x8192xi32>
    %xor3A_153 = arith.xori %add3A_145, %or3A_152 : vector<32x8192xi32>
    %add3A_154 = arith.addi %add3A_145, %xor3A_153 : vector<32x8192xi32>
    %shift_left3A_155 = arith.constant 29 : i32
    %shift_left3A_156 = vector.broadcast %shift_left3A_155 : i32 to vector<32x8192xi32>
    %shift_left3A_157 = arith.shli %xor3A_153, %shift_left3A_156 : vector<32x8192xi32>
    %shift_right_logical3A_158 = arith.constant 3 : i32
    %shift_right_logical3A_159 = vector.broadcast %shift_right_logical3A_158 : i32 to vector<32x8192xi32>
    %shift_right_logical3A_160 = arith.shrui %xor3A_153, %shift_right_logical3A_159 : vector<32x8192xi32>
    %or3A_161 = arith.ori %shift_left3A_157, %shift_right_logical3A_160 : vector<32x8192xi32>
    %xor3A_162 = arith.xori %add3A_154, %or3A_161 : vector<32x8192xi32>
    %add3A_163 = arith.addi %add3A_154, %xor3A_162 : vector<32x8192xi32>
    %shift_left3A_164 = arith.constant 16 : i32
    %shift_left3A_165 = vector.broadcast %shift_left3A_164 : i32 to vector<32x8192xi32>
    %shift_left3A_166 = arith.shli %xor3A_162, %shift_left3A_165 : vector<32x8192xi32>
    %shift_right_logical3A_167 = arith.constant 16 : i32
    %shift_right_logical3A_168 = vector.broadcast %shift_right_logical3A_167 : i32 to vector<32x8192xi32>
    %shift_right_logical3A_169 = arith.shrui %xor3A_162, %shift_right_logical3A_168 : vector<32x8192xi32>
    %or3A_170 = arith.ori %shift_left3A_166, %shift_right_logical3A_169 : vector<32x8192xi32>
    %xor3A_171 = arith.xori %add3A_163, %or3A_170 : vector<32x8192xi32>
    %add3A_172 = arith.addi %add3A_163, %xor3A_171 : vector<32x8192xi32>
    %shift_left3A_173 = arith.constant 24 : i32
    %shift_left3A_174 = vector.broadcast %shift_left3A_173 : i32 to vector<32x8192xi32>
    %shift_left3A_175 = arith.shli %xor3A_171, %shift_left3A_174 : vector<32x8192xi32>
    %shift_right_logical3A_176 = arith.constant 8 : i32
    %shift_right_logical3A_177 = vector.broadcast %shift_right_logical3A_176 : i32 to vector<32x8192xi32>
    %shift_right_logical3A_178 = arith.shrui %xor3A_171, %shift_right_logical3A_177 : vector<32x8192xi32>
    %or3A_179 = arith.ori %shift_left3A_175, %shift_right_logical3A_178 : vector<32x8192xi32>
    %xor3A_180 = arith.xori %add3A_172, %or3A_179 : vector<32x8192xi32>
    %add3A_181 = arith.constant 42 : i32
    %add3A_182 = vector.broadcast %add3A_181 : i32 to vector<32x8192xi32>
    %add3A_183 = arith.addi %add3A_172, %add3A_182 : vector<32x8192xi32>
    %add3A_184 = arith.constant 466689008 : i32
    %add3A_185 = vector.broadcast %add3A_184 : i32 to vector<32x8192xi32>
    %add3A_186 = arith.addi %xor3A_180, %add3A_185 : vector<32x8192xi32>
    %add3A_187 = arith.constant 4 : i32
    %add3A_188 = vector.broadcast %add3A_187 : i32 to vector<32x8192xi32>
    %add3A_189 = arith.addi %add3A_186, %add3A_188 : vector<32x8192xi32>
    %add3A_190 = arith.addi %add3A_183, %add3A_189 : vector<32x8192xi32>
    %shift_left3A_191 = arith.constant 13 : i32
    %shift_left3A_192 = vector.broadcast %shift_left3A_191 : i32 to vector<32x8192xi32>
    %shift_left3A_193 = arith.shli %add3A_189, %shift_left3A_192 : vector<32x8192xi32>
    %shift_right_logical3A_194 = arith.constant 19 : i32
    %shift_right_logical3A_195 = vector.broadcast %shift_right_logical3A_194 : i32 to vector<32x8192xi32>
    %shift_right_logical3A_196 = arith.shrui %add3A_189, %shift_right_logical3A_195 : vector<32x8192xi32>
    %or3A_197 = arith.ori %shift_left3A_193, %shift_right_logical3A_196 : vector<32x8192xi32>
    %xor3A_198 = arith.xori %add3A_190, %or3A_197 : vector<32x8192xi32>
    %add3A_199 = arith.addi %add3A_190, %xor3A_198 : vector<32x8192xi32>
    %shift_left3A_200 = arith.constant 15 : i32
    %shift_left3A_201 = vector.broadcast %shift_left3A_200 : i32 to vector<32x8192xi32>
    %shift_left3A_202 = arith.shli %xor3A_198, %shift_left3A_201 : vector<32x8192xi32>
    %shift_right_logical3A_203 = arith.constant 17 : i32
    %shift_right_logical3A_204 = vector.broadcast %shift_right_logical3A_203 : i32 to vector<32x8192xi32>
    %shift_right_logical3A_205 = arith.shrui %xor3A_198, %shift_right_logical3A_204 : vector<32x8192xi32>
    %or3A_206 = arith.ori %shift_left3A_202, %shift_right_logical3A_205 : vector<32x8192xi32>
    %xor3A_207 = arith.xori %add3A_199, %or3A_206 : vector<32x8192xi32>
    %add3A_208 = arith.addi %add3A_199, %xor3A_207 : vector<32x8192xi32>
    %shift_left3A_209 = arith.constant 26 : i32
    %shift_left3A_210 = vector.broadcast %shift_left3A_209 : i32 to vector<32x8192xi32>
    %shift_left3A_211 = arith.shli %xor3A_207, %shift_left3A_210 : vector<32x8192xi32>
    %shift_right_logical3A_212 = arith.constant 6 : i32
    %shift_right_logical3A_213 = vector.broadcast %shift_right_logical3A_212 : i32 to vector<32x8192xi32>
    %shift_right_logical3A_214 = arith.shrui %xor3A_207, %shift_right_logical3A_213 : vector<32x8192xi32>
    %or3A_215 = arith.ori %shift_left3A_211, %shift_right_logical3A_214 : vector<32x8192xi32>
    %xor3A_216 = arith.xori %add3A_208, %or3A_215 : vector<32x8192xi32>
    %add3A_217 = arith.addi %add3A_208, %xor3A_216 : vector<32x8192xi32>
    %shift_left3A_218 = arith.constant 6 : i32
    %shift_left3A_219 = vector.broadcast %shift_left3A_218 : i32 to vector<32x8192xi32>
    %shift_left3A_220 = arith.shli %xor3A_216, %shift_left3A_219 : vector<32x8192xi32>
    %shift_right_logical3A_221 = arith.constant 26 : i32
    %shift_right_logical3A_222 = vector.broadcast %shift_right_logical3A_221 : i32 to vector<32x8192xi32>
    %shift_right_logical3A_223 = arith.shrui %xor3A_216, %shift_right_logical3A_222 : vector<32x8192xi32>
    %or3A_224 = arith.ori %shift_left3A_220, %shift_right_logical3A_223 : vector<32x8192xi32>
    %xor3A_225 = arith.xori %add3A_217, %or3A_224 : vector<32x8192xi32>
    %add3A_226 = arith.constant 466689008 : i32
    %add3A_227 = vector.broadcast %add3A_226 : i32 to vector<32x8192xi32>
    %add3A_228 = arith.addi %add3A_217, %add3A_227 : vector<32x8192xi32>
    %add3A_229 = arith.constant 0 : i32
    %add3A_230 = vector.broadcast %add3A_229 : i32 to vector<32x8192xi32>
    %add3A_231 = arith.addi %xor3A_225, %add3A_230 : vector<32x8192xi32>
    %add3A_232 = arith.constant 5 : i32
    %add3A_233 = vector.broadcast %add3A_232 : i32 to vector<32x8192xi32>
    %add3A_234 = arith.addi %add3A_231, %add3A_233 : vector<32x8192xi32>
    %xor3A_235 = arith.xori %add3A_228, %add3A_234 : vector<32x8192xi32>
    %shift_right_logical3A_236 = arith.constant 9 : i32
    %shift_right_logical3A_237 = vector.broadcast %shift_right_logical3A_236 : i32 to vector<32x8192xi32>
    %shift_right_logical3A_238 = arith.shrui %xor3A_235, %shift_right_logical3A_237 : vector<32x8192xi32>
    %or3A_239 = arith.constant 1065353216 : i32
    %or3A_240 = vector.broadcast %or3A_239 : i32 to vector<32x8192xi32>
    %or3A_241 = arith.ori %shift_right_logical3A_238, %or3A_240 : vector<32x8192xi32>
    %bitcast_convert_type3A = tpu.bitcast %or3A_241 : vector<32x8192xi32> -> vector<32x8192xf32>
    %sub3A = arith.constant 1.000000e+00 : f32
    %sub3A_242 = vector.broadcast %sub3A : f32 to vector<32x8192xf32>
    %sub3A_243 = arith.subf %bitcast_convert_type3A, %sub3A_242 : vector<32x8192xf32>
    %mul3A_244 = arith.constant 1.000000e+00 : f32
    %mul3A_245 = vector.broadcast %mul3A_244 : f32 to vector<32x8192xf32>
    %mul3A_246 = arith.mulf %sub3A_243, %mul3A_245 : vector<32x8192xf32>
    %add3A_247 = arith.constant 1.17549435E-38 : f32
    %add3A_248 = vector.broadcast %add3A_247 : f32 to vector<32x8192xf32>
    %add3A_249 = arith.addf %mul3A_246, %add3A_248 : vector<32x8192xf32>
    %max3A = arith.constant 1.17549435E-38 : f32
    %max3A_250 = vector.broadcast %max3A : f32 to vector<32x8192xf32>
    %max3A_251 = arith.maximumf %max3A_250, %add3A_249 : vector<32x8192xf32>
    %log3A = math.log %max3A_251 : vector<32x8192xf32>
    %neg3A = arith.constant 0.000000e+00 : f32
    %neg3A_252 = vector.broadcast %neg3A : f32 to vector<32x8192xf32>
    %neg3A_253 = arith.subf %neg3A_252, %log3A : vector<32x8192xf32>
    %log3A_254 = math.log %neg3A_253 : vector<32x8192xf32>
    %neg3A_255 = arith.constant 0.000000e+00 : f32
    %neg3A_256 = vector.broadcast %neg3A_255 : f32 to vector<32x8192xf32>
    %neg3A_257 = arith.subf %neg3A_256, %log3A_254 : vector<32x8192xf32>
    %reshape3A = vector.shape_cast %neg3A_257 : vector<32x8192xf32> to vector<32x64x128xf32>
    %swap3A = arith.constant 0 : index
    %swap3A_258 = arith.constant 0 : index
    %swap3A_259 = arith.constant 0 : index
    %swap3A_260 = vector.load %arg1[%swap3A, %swap3A_258, %swap3A_259] : memref<32x64x128xf32, #tpu.memory_space<vmem>>, vector<32x64x128xf32>
    tpu.vector_store %arg1[%swap3A, %swap3A_258, %swap3A_259], %reshape3A {strides = array<i32>} : memref<32x64x128xf32, #tpu.memory_space<vmem>>, vector<32x64x128xf32>,
    return
  }
  func.func @transform_0(%arg0: i32) -> (i32, i32, i32) {
    %c0_i32 = arith.constant 0 : i32
    %c0_i32_0 = arith.constant 0 : i32
    %c0_i32_1 = arith.constant 0 : i32
    return %c0_i32, %arg0, %c0_i32_0 : i32, i32, i32
  }
}

module attributes {stable_mosaic.version = 14 : i64} {
  func.func @_smp_body(%arg0: i32, %arg1: memref<32x64x128xf32, #tpu.memory_space<vmem>>, %arg2: memref<32x64x128xf32, #tpu.memory_space<vmem>>, %arg3: memref<32x1xf32, #tpu.memory_space<vmem>>, %arg4: memref<32x1xf32, #tpu.memory_space<vmem>>, %arg5: memref<32x1xf32, #tpu.memory_space<vmem>>, %arg6: memref<32x1xf32, #tpu.memory_space<vmem>>, %arg7: memref<32x1xf32, #tpu.memory_space<vmem>>, %arg8: memref<32x1xf32, #tpu.memory_space<vmem>>, %arg9: memref<32x1xf32, #tpu.memory_space<vmem>>, %arg10: memref<32x1xf32, #tpu.memory_space<vmem>>, %arg11: memref<32x1xi32, #tpu.memory_space<vmem>>, %arg12: memref<32x128xf32, #tpu.memory_space<vmem>>, %arg13: memref<32x128xi32, #tpu.memory_space<vmem>>) attributes {dimension_semantics = [#tpu.dimension_semantics<arbitrary>], iteration_bounds = array<i64: 123>, scalar_prefetch = 0 : i64, scratch_operands = 2 : i64, tpu.core_type = #tpu.core_type<tc>, window_params = [{transform_indices = @transform_0, window_bounds = array<i64: 32, 64, 128>}, {transform_indices = @transform_1, window_bounds = array<i64: 32, 64, 128>}, {pipeline_mode = #tpu.pipeline_mode<synchronous>, transform_indices = @transform_2, window_bounds = array<i64: 32, 1>}, {pipeline_mode = #tpu.pipeline_mode<synchronous>, transform_indices = @transform_3, window_bounds = array<i64: 32, 1>}, {pipeline_mode = #tpu.pipeline_mode<synchronous>, transform_indices = @transform_4, window_bounds = array<i64: 32, 1>}, {pipeline_mode = #tpu.pipeline_mode<synchronous>, transform_indices = @transform_5, window_bounds = array<i64: 32, 1>}, {pipeline_mode = #tpu.pipeline_mode<synchronous>, transform_indices = @transform_6, window_bounds = array<i64: 32, 1>}, {pipeline_mode = #tpu.pipeline_mode<synchronous>, transform_indices = @transform_7, window_bounds = array<i64: 32, 1>}, {pipeline_mode = #tpu.pipeline_mode<synchronous>, transform_indices = @transform_8, window_bounds = array<i64: 32, 1>}, {pipeline_mode = #tpu.pipeline_mode<synchronous>, transform_indices = @transform_9, window_bounds = array<i64: 32, 1>}, {pipeline_mode = #tpu.pipeline_mode<synchronous>, transform_indices = @transform_10, window_bounds = array<i64: 32, 1>}]} {
    %get3A = arith.constant 0 : index
    %get3A_0 = arith.constant 0 : index
    %get3A_1 = arith.constant 0 : index
    %get3A_2 = vector.load %arg1[%get3A, %get3A_0, %get3A_1] : memref<32x64x128xf32, #tpu.memory_space<vmem>>, vector<32x64x128xf32>
    %reshape3A = vector.shape_cast %get3A_2 : vector<32x64x128xf32> to vector<32x8192xf32>
    %get3A_3 = arith.constant 0 : index
    %get3A_4 = arith.constant 0 : index
    %get3A_5 = vector.load %arg3[%get3A_3, %get3A_4] : memref<32x1xf32, #tpu.memory_space<vmem>>, vector<32x1xf32>
    %get3A_6 = arith.constant 0 : index
    %get3A_7 = arith.constant 0 : index
    %get3A_8 = vector.load %arg4[%get3A_6, %get3A_7] : memref<32x1xf32, #tpu.memory_space<vmem>>, vector<32x1xf32>
    %sub3A = vector.broadcast %get3A_5 : vector<32x1xf32> to vector<32x8192xf32>
    %sub3A_9 = arith.subf %reshape3A, %sub3A : vector<32x8192xf32>
    %get3A_10 = arith.constant 0 : index
    %get3A_11 = arith.constant 0 : index
    %get3A_12 = vector.load %arg5[%get3A_10, %get3A_11] : memref<32x1xf32, #tpu.memory_space<vmem>>, vector<32x1xf32>
    %mul3A = vector.broadcast %get3A_12 : vector<32x1xf32> to vector<32x8192xf32>
    %mul3A_13 = arith.mulf %sub3A_9, %mul3A : vector<32x8192xf32>
    %convert_element_type3A = arith.fptosi %mul3A_13 : vector<32x8192xf32> to vector<32x8192xi32>
    %min3A = arith.constant 4095 : i32
    %min3A_14 = vector.broadcast %min3A : i32 to vector<32x8192xi32>
    %min3A_15 = arith.minsi %convert_element_type3A, %min3A_14 : vector<32x8192xi32>
    %get3A_16 = arith.constant 0 : index
    %get3A_17 = arith.constant 0 : index
    %get3A_18 = vector.load %arg8[%get3A_16, %get3A_17] : memref<32x1xf32, #tpu.memory_space<vmem>>, vector<32x1xf32>
    %convert_element_type3A_19 = arith.fptosi %get3A_18 : vector<32x1xf32> to vector<32x1xi32>
    %get3A_20 = arith.constant 0 : index
    %get3A_21 = arith.constant 0 : index
    %get3A_22 = vector.load %arg6[%get3A_20, %get3A_21] : memref<32x1xf32, #tpu.memory_space<vmem>>, vector<32x1xf32>
    %mul3A_23 = arith.mulf %get3A_18, %get3A_22 : vector<32x1xf32>
    %add3A = arith.addf %get3A_5, %mul3A_23 : vector<32x1xf32>
    %sub3A_24 = vector.broadcast %add3A : vector<32x1xf32> to vector<32x8192xf32>
    %sub3A_25 = arith.subf %reshape3A, %sub3A_24 : vector<32x8192xf32>
    %get3A_26 = arith.constant 0 : index
    %get3A_27 = arith.constant 0 : index
    %get3A_28 = vector.load %arg7[%get3A_26, %get3A_27] : memref<32x1xf32, #tpu.memory_space<vmem>>, vector<32x1xf32>
    %mul3A_29 = vector.broadcast %get3A_28 : vector<32x1xf32> to vector<32x8192xf32>
    %mul3A_30 = arith.mulf %sub3A_25, %mul3A_29 : vector<32x8192xf32>
    %convert_element_type3A_31 = arith.fptosi %mul3A_30 : vector<32x8192xf32> to vector<32x8192xi32>
    %jit3A = arith.constant 0 : i32
    %jit3A_32 = arith.constant 4095 : i32
    %max3A = vector.broadcast %jit3A : i32 to vector<32x8192xi32>
    %max3A_33 = arith.maxsi %max3A, %convert_element_type3A_31 : vector<32x8192xi32>
    %min3A_34 = vector.broadcast %jit3A_32 : i32 to vector<32x8192xi32>
    %min3A_35 = arith.minsi %min3A_34, %max3A_33 : vector<32x8192xi32>
    %get3A_36 = arith.constant 0 : index
    %get3A_37 = arith.constant 0 : index
    %get3A_38 = vector.load %arg9[%get3A_36, %get3A_37] : memref<32x1xf32, #tpu.memory_space<vmem>>, vector<32x1xf32>
    %convert_element_type3A_39 = arith.fptosi %get3A_38 : vector<32x1xf32> to vector<32x1xi32>
    %gt3A = vector.broadcast %convert_element_type3A_19 : vector<32x1xi32> to vector<32x8192xi32>
    %gt3A_40 = arith.cmpi sgt, %min3A_15, %gt3A : vector<32x8192xi32>
    %eq3A = vector.broadcast %convert_element_type3A_19 : vector<32x1xi32> to vector<32x8192xi32>
    %eq3A_41 = arith.cmpi eq, %min3A_15, %eq3A : vector<32x8192xi32>
    %ge3A = vector.broadcast %convert_element_type3A_39 : vector<32x1xi32> to vector<32x8192xi32>
    %ge3A_42 = arith.cmpi sge, %min3A_35, %ge3A : vector<32x8192xi32>
    %and3A = arith.andi %eq3A_41, %ge3A_42 : vector<32x8192xi1>
    %or3A = arith.ori %gt3A_40, %and3A : vector<32x8192xi1>
    %sub3A_43 = vector.broadcast %get3A_8 : vector<32x1xf32> to vector<32x8192xf32>
    %sub3A_44 = arith.subf %reshape3A, %sub3A_43 : vector<32x8192xf32>
    %exp3A = math.exp %sub3A_44 : vector<32x8192xf32>
    %get3A_45 = arith.constant 0 : index
    %get3A_46 = arith.constant 0 : index
    %get3A_47 = vector.load %arg10[%get3A_45, %get3A_46] : memref<32x1xf32, #tpu.memory_space<vmem>>, vector<32x1xf32>
    %div3A = vector.broadcast %get3A_47 : vector<32x1xf32> to vector<32x8192xf32>
    %div3A_48 = arith.divf %exp3A, %div3A : vector<32x8192xf32>
    %jit3A_49 = arith.constant 0.000000e+00 : f32
    %broadcast_in_dim3A = vector.broadcast %jit3A_49 : f32 to vector<32x8192xf32>
    %select_n3A = arith.select %or3A, %div3A_48, %broadcast_in_dim3A : vector<32x8192xi1>, vector<32x8192xf32>
    %add3A_50 = arith.constant 9.99999935E-39 : f32
    %add3A_51 = vector.broadcast %add3A_50 : f32 to vector<32x8192xf32>
    %add3A_52 = arith.addf %select_n3A, %add3A_51 : vector<32x8192xf32>
    %log3A = math.log %add3A_52 : vector<32x8192xf32>
    %iota3A = tpu.iota {dimensions = array<i32: 1>} : vector<32x8192xi32>
    %mul3A_53 = arith.constant 8192 : i32
    %mul3A_54 = arith.muli %arg0, %mul3A_53 : i32
    %add3A_55 = vector.broadcast %mul3A_54 : i32 to vector<32x8192xi32>
    %add3A_56 = arith.addi %iota3A, %add3A_55 : vector<32x8192xi32>
    %get3A_57 = arith.constant 0 : index
    %get3A_58 = arith.constant 0 : index
    %get3A_59 = arith.constant 0 : index
    %get3A_60 = vector.load %arg2[%get3A_57, %get3A_58, %get3A_59] : memref<32x64x128xf32, #tpu.memory_space<vmem>>, vector<32x64x128xf32>
    %reshape3A_61 = vector.shape_cast %get3A_60 : vector<32x64x128xf32> to vector<32x8192xf32>
    %lt3A = arith.constant 1000000 : i32
    %lt3A_62 = vector.broadcast %lt3A : i32 to vector<32x8192xi32>
    %lt3A_63 = arith.cmpi slt, %add3A_56, %lt3A_62 : vector<32x8192xi32>
    %add3A_64 = arith.addf %reshape3A_61, %log3A : vector<32x8192xf32>
    %jit3A_65 = arith.constant 0xFF800000 : f32
    %broadcast_in_dim3A_66 = vector.broadcast %jit3A_65 : f32 to vector<32x8192xf32>
    %select_n3A_67 = arith.select %lt3A_63, %add3A_64, %broadcast_in_dim3A_66 : vector<32x8192xi1>, vector<32x8192xf32>
    %reduce_max3A = arith.constant dense<0xFF800000> : vector<32xf32>
    %reduce_max3A_68 = vector.multi_reduction <maximumf>, %select_n3A_67, %reduce_max3A [1] : vector<32x8192xf32> to vector<32xf32>
    %broadcast_in_dim3A_69 = vector.shape_cast %reduce_max3A_68 : vector<32xf32> to vector<32x1xf32>
    %eq3A_70 = vector.broadcast %broadcast_in_dim3A_69 : vector<32x1xf32> to vector<32x8192xf32>
    %eq3A_71 = arith.cmpf oeq, %select_n3A_67, %eq3A_70 : vector<32x8192xf32>
    %jit3A_72 = arith.constant 2147483647 : i32
    %broadcast_in_dim3A_73 = vector.broadcast %jit3A_72 : i32 to vector<32x8192xi32>
    %select_n3A_74 = arith.select %eq3A_71, %add3A_56, %broadcast_in_dim3A_73 : vector<32x8192xi1>, vector<32x8192xi32>
    %reduce_min3A = arith.constant dense<2147483647> : vector<32xi32>
    %reduce_min3A_75 = vector.multi_reduction <minsi>, %select_n3A_74, %reduce_min3A [1] : vector<32x8192xi32> to vector<32xi32>
    %broadcast_in_dim3A_76 = vector.shape_cast %reduce_min3A_75 : vector<32xi32> to vector<32x1xi32>
    %broadcast_in_dim3A_77 = vector.shape_cast %broadcast_in_dim3A_69 : vector<32x1xf32> to vector<32x1xf32>
    %broadcast_in_dim3A_78 = vector.broadcast %broadcast_in_dim3A_77 : vector<32x1xf32> to vector<32x128xf32>
    %broadcast_in_dim3A_79 = vector.shape_cast %broadcast_in_dim3A_76 : vector<32x1xi32> to vector<32x1xi32>
    %broadcast_in_dim3A_80 = vector.broadcast %broadcast_in_dim3A_79 : vector<32x1xi32> to vector<32x128xi32>
    %eq3A_81 = arith.constant 0 : i32
    %eq3A_82 = arith.cmpi eq, %arg0, %eq3A_81 : i32
    %convert_element_type3A_83 = arith.extui %eq3A_82 : i1 to i32
    %cond3A = arith.constant 0 : i32
    %cond3A_84 = arith.cmpi ne, %convert_element_type3A_83, %cond3A : i32
    scf.if %cond3A_84 {
      %swap3A = arith.constant 0 : index
      %swap3A_95 = arith.constant 0 : index
      %swap3A_96 = vector.load %arg12[%swap3A, %swap3A_95] : memref<32x128xf32, #tpu.memory_space<vmem>>, vector<32x128xf32>
      tpu.vector_store %arg12[%swap3A, %swap3A_95], %broadcast_in_dim3A_78 {strides = array<i32>} : memref<32x128xf32, #tpu.memory_space<vmem>>, vector<32x128xf32>,
      %swap3A_97 = arith.constant 0 : index
      %swap3A_98 = arith.constant 0 : index
      %swap3A_99 = vector.load %arg13[%swap3A_97, %swap3A_98] : memref<32x128xi32, #tpu.memory_space<vmem>>, vector<32x128xi32>
      tpu.vector_store %arg13[%swap3A_97, %swap3A_98], %broadcast_in_dim3A_80 {strides = array<i32>} : memref<32x128xi32, #tpu.memory_space<vmem>>, vector<32x128xi32>,
    } else {
    }
    %gt3A_85 = arith.constant 0 : i32
    %gt3A_86 = arith.cmpi sgt, %arg0, %gt3A_85 : i32
    %convert_element_type3A_87 = arith.extui %gt3A_86 : i1 to i32
    %cond3A_88 = arith.constant 0 : i32
    %cond3A_89 = arith.cmpi ne, %convert_element_type3A_87, %cond3A_88 : i32
    scf.if %cond3A_89 {
      %get3A_95 = arith.constant 0 : index
      %get3A_96 = arith.constant 0 : index
      %get3A_97 = vector.load %arg12[%get3A_95, %get3A_96] : memref<32x128xf32, #tpu.memory_space<vmem>>, vector<32x128xf32>
      %gt3A_98 = arith.cmpf ogt, %broadcast_in_dim3A_78, %get3A_97 : vector<32x128xf32>
      %get3A_99 = arith.constant 0 : index
      %get3A_100 = arith.constant 0 : index
      %get3A_101 = vector.load %arg12[%get3A_99, %get3A_100] : memref<32x128xf32, #tpu.memory_space<vmem>>, vector<32x128xf32>
      %select_n3A_102 = arith.select %gt3A_98, %broadcast_in_dim3A_78, %get3A_101 : vector<32x128xi1>, vector<32x128xf32>
      %swap3A = arith.constant 0 : index
      %swap3A_103 = arith.constant 0 : index
      %swap3A_104 = vector.load %arg12[%swap3A, %swap3A_103] : memref<32x128xf32, #tpu.memory_space<vmem>>, vector<32x128xf32>
      tpu.vector_store %arg12[%swap3A, %swap3A_103], %select_n3A_102 {strides = array<i32>} : memref<32x128xf32, #tpu.memory_space<vmem>>, vector<32x128xf32>,
      %get3A_105 = arith.constant 0 : index
      %get3A_106 = arith.constant 0 : index
      %get3A_107 = vector.load %arg13[%get3A_105, %get3A_106] : memref<32x128xi32, #tpu.memory_space<vmem>>, vector<32x128xi32>
      %select_n3A_108 = arith.select %gt3A_98, %broadcast_in_dim3A_80, %get3A_107 : vector<32x128xi1>, vector<32x128xi32>
      %swap3A_109 = arith.constant 0 : index
      %swap3A_110 = arith.constant 0 : index
      %swap3A_111 = vector.load %arg13[%swap3A_109, %swap3A_110] : memref<32x128xi32, #tpu.memory_space<vmem>>, vector<32x128xi32>
      tpu.vector_store %arg13[%swap3A_109, %swap3A_110], %select_n3A_108 {strides = array<i32>} : memref<32x128xi32, #tpu.memory_space<vmem>>, vector<32x128xi32>,
    } else {
    }
    %eq3A_90 = arith.constant 122 : i32
    %eq3A_91 = arith.cmpi eq, %arg0, %eq3A_90 : i32
    %convert_element_type3A_92 = arith.extui %eq3A_91 : i1 to i32
    %cond3A_93 = arith.constant 0 : i32
    %cond3A_94 = arith.cmpi ne, %convert_element_type3A_92, %cond3A_93 : i32
    scf.if %cond3A_94 {
      %get3A_95 = arith.constant 0 : index
      %get3A_96 = arith.constant 0 : index
      %get3A_97 = vector.load %arg13[%get3A_95, %get3A_96] : memref<32x128xi32, #tpu.memory_space<vmem>>, vector<32x128xi32>
      %reduce_min3A_98 = arith.constant dense<2147483647> : vector<32xi32>
      %reduce_min3A_99 = vector.multi_reduction <minsi>, %get3A_97, %reduce_min3A_98 [1] : vector<32x128xi32> to vector<32xi32>
      %broadcast_in_dim3A_100 = vector.shape_cast %reduce_min3A_99 : vector<32xi32> to vector<32x1xi32>
      %swap3A = arith.constant 0 : index
      %swap3A_101 = arith.constant 0 : index
      %swap3A_102 = vector.load %arg11[%swap3A, %swap3A_101] : memref<32x1xi32, #tpu.memory_space<vmem>>, vector<32x1xi32>
      tpu.vector_store %arg11[%swap3A, %swap3A_101], %broadcast_in_dim3A_100 {strides = array<i32>} : memref<32x1xi32, #tpu.memory_space<vmem>>, vector<32x1xi32>,
    } else {
    }
    return
  }
  func.func @transform_0(%arg0: i32) -> (i32, i32, i32) {
    %c0_i32 = arith.constant 0 : i32
    %c0_i32_0 = arith.constant 0 : i32
    %c0_i32_1 = arith.constant 0 : i32
    return %c0_i32, %arg0, %c0_i32_0 : i32, i32, i32
  }
  func.func @transform_1(%arg0: i32) -> (i32, i32, i32) {
    %c0_i32 = arith.constant 0 : i32
    %c0_i32_0 = arith.constant 0 : i32
    %c0_i32_1 = arith.constant 0 : i32
    return %c0_i32, %arg0, %c0_i32_0 : i32, i32, i32
  }
  func.func @transform_2(%arg0: i32) -> (i32, i32) {
    %c0_i32 = arith.constant 0 : i32
    %c0_i32_0 = arith.constant 0 : i32
    %c0_i32_1 = arith.constant 0 : i32
    return %c0_i32, %c0_i32_0 : i32, i32
  }
  func.func @transform_3(%arg0: i32) -> (i32, i32) {
    %c0_i32 = arith.constant 0 : i32
    %c0_i32_0 = arith.constant 0 : i32
    %c0_i32_1 = arith.constant 0 : i32
    return %c0_i32, %c0_i32_0 : i32, i32
  }
  func.func @transform_4(%arg0: i32) -> (i32, i32) {
    %c0_i32 = arith.constant 0 : i32
    %c0_i32_0 = arith.constant 0 : i32
    %c0_i32_1 = arith.constant 0 : i32
    return %c0_i32, %c0_i32_0 : i32, i32
  }
  func.func @transform_5(%arg0: i32) -> (i32, i32) {
    %c0_i32 = arith.constant 0 : i32
    %c0_i32_0 = arith.constant 0 : i32
    %c0_i32_1 = arith.constant 0 : i32
    return %c0_i32, %c0_i32_0 : i32, i32
  }
  func.func @transform_6(%arg0: i32) -> (i32, i32) {
    %c0_i32 = arith.constant 0 : i32
    %c0_i32_0 = arith.constant 0 : i32
    %c0_i32_1 = arith.constant 0 : i32
    return %c0_i32, %c0_i32_0 : i32, i32
  }
  func.func @transform_7(%arg0: i32) -> (i32, i32) {
    %c0_i32 = arith.constant 0 : i32
    %c0_i32_0 = arith.constant 0 : i32
    %c0_i32_1 = arith.constant 0 : i32
    return %c0_i32, %c0_i32_0 : i32, i32
  }
  func.func @transform_8(%arg0: i32) -> (i32, i32) {
    %c0_i32 = arith.constant 0 : i32
    %c0_i32_0 = arith.constant 0 : i32
    %c0_i32_1 = arith.constant 0 : i32
    return %c0_i32, %c0_i32_0 : i32, i32
  }
  func.func @transform_9(%arg0: i32) -> (i32, i32) {
    %c0_i32 = arith.constant 0 : i32
    %c0_i32_0 = arith.constant 0 : i32
    %c0_i32_1 = arith.constant 0 : i32
    return %c0_i32, %c0_i32_0 : i32, i32
  }
  func.func @transform_10(%arg0: i32) -> (i32, i32) {
    %c0_i32 = arith.constant 0 : i32
    %c0_i32_0 = arith.constant 0 : i32
    %c0_i32_1 = arith.constant 0 : i32
    return %c0_i32, %c0_i32_0 : i32, i32
  }
}

</mosaic_0001>

<sc_bundles>
// kernel: kernel.6.cloned.1.call-start
scs
__scs_entry_jumppad:
0x0: {  	(pc) =	sbr.rel $0x88, $3  }
0x1: {  	(tag) =	ssettag $0x0;
	lr =	simm.s32 $0x1  }
0x2: {  	[smem:$0x3F9D] =	sst lr;
	_ =	strace $0xD0000000  }
0x3: {  	_ = 	snop  }
0x4: {  	_ = 	snop  }
0x5: {  	_ = 	snop  }
0x6: {  	_ = 	snop  }
0x7: {  	_ = 	snop  }
__scs_overlays_trampoline_lowered:
0x8: {  	[smem:$0x3FAC] =	sst s0  }
0x9: {  	[smem:$0x3FAD] =	sst s1  }
0xa: {  	[smem:$0x3FAE] =	sst s2  }
0xb: {  	[smem:$0x3FAF] =	sst s3  }
0xc: {  	[smem:$0x3FB0] =	sst s4  }
0xd: {  	[smem:$0x3FB1] =	sst s5  }
0xe: {  	[smem:$0x3FB2] =	sst s6  }
0xf: {  	[smem:$0x3FB3] =	sst s7  }
0x10: {  	[smem:$0x3FB4] =	sst s8  }
0x11: {  	[smem:$0x3FB5] =	sst s9;
	s0 =	simm.s32 @!p0 $0x0  }
0x12: {  	s1 =	sld [smem:$0x3F9B];
	s0 =	simm.s32 @p0 $0x1  }
0x13: {  	[smem:$0x3FB6] =	sst s0;
	s0 =	simm.s32 @!p1 $0x0  }
0x14: {  	s2 =	sld [smem:$0x3F9A];
	s0 =	simm.s32 @p1 $0x1  }
0x15: {  	[smem:$0x3FB7] =	sst s0;
	s0 =	simm.s32 @!p2 $0x0  }
0x16: {  	s3 =	sld [smem:$0x3FDB];
	s0 =	simm.s32 @p2 $0x1  }
0x17: {  	s4 =	simm.s32 $0x1BF5;
	[smem:$0x3FB9] =	sst s0  }
0x18: {  	s0 =	sld [smem:$0x3F9C];
	_ =	swait.ge [sflag:s4], $0x0  }
0x19: {  	s7 =	sld [smem:$0x3F9D]  }
0x1a: {  	s8 =	sadd.s32 $0xFFFFE003, lr  }
0x1b: {  	s9 =	sadd.s32 $0xFFFFFEF7, lr;
	s5 =	simm.s32 $0xFFFFFFFF;
	p2 =	slt.u32 s8, $0xFFFFF086  }
0x1c: {  	p1 =	slt.u32 s9, $0xF7A;
	s5 =	simm.s32 @!p2 $0x0  }
0x1d: {  	s5 =	simm.s32 @p1 $0x1;
	p0 =	seq.s32 s7, s2  }
0x1e: {  	s7 =	smul.u32 @!p0 $0xF7A, s2;
	p2 =	seq.s32 @!p0 s5, $0x0  }
0x1f: {  	s9 =	smul.u32 $0xF7A, s1;
	s8 =	simm.s32 @!p0 $0x1BF5;
	p2 =	por !p2, p0  }
0x20: {  	[sflag:s8] =	ssyncset.s32 @!p0 $0xFFFFF086;
	s6 =	sadd.s32 @!p0 s3, s7;
	s7 =	simm.s32 @!p0 $0x108  }
0x21: {  	s3 =	sadd.s32 s3, s9;
	s6 =	sadd.s32 @!p0 $0x88, s6;
	s7 =	simm.s32 @p2 $0x1082  }
0x22: {  	[simem:s7], [sflag:s8] =	dma.local @!p0 [hbm:s6], $0xF7A  }
0x23: {  	s9 =	sor.u32 $0xD0000000, s2;
	s6 =	simm.s32 $0x108;
	_ =	swait.ge @!p0 [sflag:s8], $0x0  }
0x24: {  	s3 =	sadd.s32 $0x88, s3;
	s6 =	simm.s32 @!p1 $0x1082;
	[sflag:s4] =	ssyncset.s32 $0xFFFFF086  }
0x25: {  	[simem:s6], [sflag:s4] =	dma.local [hbm:s3], $0xF7A  }
0x26: {  	[smem:$0x3F9D] =	sst s1;
	(tag) =	ssettag s2;
	_ =	strace s9  }
0x27: {  	s1 =	sld [smem:$0x3FAD]  }
0x28: {  	s2 =	sld [smem:$0x3FAE]  }
0x29: {  	s4 =	sld [smem:$0x3FB0]  }
0x2a: {  	p0 =	seq.s32 s5, $0x0;
	s5 =	sld [smem:$0x3FB1]  }
0x2b: {  	s6 =	sld [smem:$0x3FB2]  }
0x2c: {  	s7 =	sld [smem:$0x3FB3]  }
0x2d: {  	s3 =	simm.s32 $0x108;
	s8 =	sld [smem:$0x3FB4]  }
0x2e: {  	s3 =	simm.s32 @!p0 $0x1082;
	s9 =	sld [smem:$0x3FB5]  }
0x2f: {  	lr =	sadd.s32 s0, s3;
	s0 =	sld [smem:$0x3FAC]  }
0x30: {  	s3 =	sld [smem:$0x3FAF]  }
0x31: {  	[smem:$0x3FB8] =	sst s10  }
0x32: {  	s10 =	sld [smem:$0x3FB6];
	_ =	sdelay $0x3  }
0x33: {  	p0 =	seq.s32 s10, $0x1;
	s10 =	sld [smem:$0x3FB8];
	_ =	sdelay $0x3  }
0x34: {  	[smem:$0x3FB8] =	sst s10  }
0x35: {  	s10 =	sld [smem:$0x3FB7];
	_ =	sdelay $0x3  }
0x36: {  	p1 =	seq.s32 s10, $0x1;
	s10 =	sld [smem:$0x3FB8];
	_ =	sdelay $0x3  }
0x37: {  	[smem:$0x3FB8] =	sst s10  }
0x38: {  	s10 =	sld [smem:$0x3FB9]  }
0x39: {  	_ = 	snop;
	(pc) =	sbr.ind lr, $3  }
0x3a: {  	_ = 	snop  }
0x3b: {  	_ = 	snop  }
0x3c: {  	p2 =	seq.s32 s10, $0x1;
	s10 =	sld [smem:$0x3FB8]  }
0x3d: {  	_ =	shalt  }
0x3e: {  	_ =	shalt  }
0x3f: {  	_ =	shalt  }
0x40: {  	_ =	shalt  }
0x41: {  	_ =	shalt  }
0x42: {  	_ =	shalt  }
0x43: {  	_ =	shalt  }
0x44: {  	_ =	shalt  }
0x45: {  	_ =	shalt  }
0x46: {  	_ =	shalt  }
0x47: {  	_ =	shalt  }
0x48: {  	_ =	shalt  }
0x49: {  	_ =	shalt  }
0x4a: {  	_ =	shalt  }
0x4b: {  	_ =	shalt  }
0x4c: {  	_ =	shalt  }
0x4d: {  	_ =	shalt  }
0x4e: {  	_ =	shalt  }
0x4f: {  	_ =	shalt  }
0x50: {  	_ =	shalt  }
0x51: {  	_ =	shalt  }
0x52: {  	_ =	shalt  }
0x53: {  	_ =	shalt  }
0x54: {  	_ =	shalt  }
0x55: {  	_ =	shalt  }
0x56: {  	_ =	shalt  }
0x57: {  	_ =	shalt  }
0x58: {  	_ =	shalt  }
0x59: {  	_ =	shalt  }
0x5a: {  	_ =	shalt  }
0x5b: {  	_ =	shalt  }
0x5c: {  	_ =	shalt  }
0x5d: {  	_ =	shalt  }
0x5e: {  	_ =	shalt  }
0x5f: {  	_ =	shalt  }
0x60: {  	_ =	shalt  }
0x61: {  	_ =	shalt  }
0x62: {  	_ =	shalt  }
0x63: {  	_ =	shalt  }
0x64: {  	_ =	shalt  }
0x65: {  	_ =	shalt  }
0x66: {  	_ =	shalt  }
0x67: {  	_ =	shalt  }
0x68: {  	_ =	shalt  }
0x69: {  	_ =	shalt  }
0x6a: {  	_ =	shalt  }
0x6b: {  	_ =	shalt  }
0x6c: {  	_ =	shalt  }
0x6d: {  	_ =	shalt  }
0x6e: {  	_ =	shalt  }
0x6f: {  	_ =	shalt  }
0x70: {  	_ =	shalt  }
0x71: {  	_ =	shalt  }
0x72: {  	_ =	shalt  }
0x73: {  	_ =	shalt  }
0x74: {  	_ =	shalt  }
0x75: {  	_ =	shalt  }
0x76: {  	_ =	shalt  }
0x77: {  	_ =	shalt  }
0x78: {  	_ =	shalt  }
0x79: {  	_ =	shalt  }
0x7a: {  	_ =	shalt  }
0x7b: {  	_ =	shalt  }
0x7c: {  	_ =	shalt  }
0x7d: {  	_ =	shalt  }
0x7e: {  	_ =	shalt  }
0x7f: {  	_ =	shalt  }
0x80: {  	_ =	shalt  }
0x81: {  	_ =	shalt  }
0x82: {  	_ =	shalt  }
0x83: {  	_ =	shalt  }
0x84: {  	_ =	shalt  }
0x85: {  	_ =	shalt  }
0x86: {  	_ =	shalt  }
0x87: {  	_ =	shalt  }
.Lfunc_end0:
.L_simem_size_0:
called_computation_lowered:
.L_overlay_start_0:
0x88: {  	s2 =	sld [smem:$0x3FD9]  }
0x89: {  	s3 =	sld [smem:$0x3FFE];
	_ =	sdelay $0x1  }
0x8a: {  	s1 =	srdreg.scid  }
0x8b: {  	s0 =	sand.u32 $0x1, s1  }
0x8c: {  	s17 =	sshll.u32 s0, $0xA;
	s2 =	sadd.s32 s3, s2  }
0x8d: {  	s2 =	sadd.s32 s2, s17  }
0x8e: {  	[smem:$0x3FC4] =	sst s2  }
0x8f: {  	_ = 	snop  }
0x90: {  	s2 =	sld [smem:$0x3FC7]  }
0x91: {  	s18 =	sld [smem:$0x3FD0];
	(tm) =	ssettm $0x1  }
0x92: {  	s4 =	sld [smem:$0x3FFB];
	_ =	sdelay $0x3  }
0x93: {  	_ =	strace s4  }
0x94: {  	s4 =	sld [smem:$0x3FFC];
	_ =	sdelay $0x3  }
0x95: {  	_ =	strace s4  }
0x96: {  	s4 =	sld [smem:$0x3FFD];
	_ =	sdelay $0x3  }
0x97: {  	_ =	strace s4  }
0x98: {  	_ =	strace $0x8FFFFFFF  }
0x99: {  	s19 =	sld [smem:$0x3FDB];
	_ =	sdelay $0x1  }
0x9a: {  	s5 =	simm.s32 $_scs_section_size  }
0x9b: {  	s6 =	simm.s32 $_size__tile_overlayer_lowered;
	s7 =	simm.s32 $_tile_overlayer_lowered  }
0x9c: {  	s22 =	simm.s32 $0x1BFF;
	s21 =	sshll.u32 s7, $0x1;
	s4 =	sadd.s32 s5, s19  }
0x9d: {  	s8 =	simm.s32 $0x0;
	s20 =	sshll.u32 s6, $0x1;
	s6 =	sadd.s32 s21, s4  }
0x9e: {  	[timem:s8], [sflag:s22] =	dma.local [hbm:s6], s20  }
0x9f: {  	_ =	swait.ge [sflag:s22], s20  }
0xa0: {  	s5 =	ssub.s32 $0x0, s20;
	[sflag:s22] =	ssyncset.done $0x0  }
0xa1: {  	[sflag:s22] =	ssyncadd.s32 s5;
	_ =	sdelay $0x1  }
0xa2: {  	s23 =	simm.s32 $0x1B8B  }
0xa3: {  	_ =	swait.ge [sflag:s23], $0x1  }
0xa4: {  	[sflag:s23] =	ssyncset.done $0x0  }
0xa5: {  	s25 =	simm.s32 $0x1B8E;
	s24 =	sld [smem:$0x3FFE];
	[sflag:s23] =	ssyncadd.s32 $0xFFFFFFFF  }
0xa6: {  	s26 =	simm.s32 $execute0_lowered;
	[smem:$0x3FD2] =	sst s25  }
0xa7: {  	s6 =	sshll.u32 s26, $0x1;
	_ =	strace $0x80000046;
	[dreg:$0x1] =	wrdreg $0xFFFFFFFF  }
0xa8: {  	s28 =	simm.s32 $_size_execute0_lowered;
	s4 =	sadd.s32 s4, s6;
	[dreg:$0x0] =	wrdreg $0x0  }
0xa9: {  	s6 =	sshll.u32 s28, $0x1;
	[dreg:$0x2] =	wrdreg s4  }
0xaa: {  	[dreg:$0x3] =	wrdreg s6  }
0xab: {  	[dreg:$0x4] =	wrdreg $0xC0  }
0xac: {  	_ =	task [dreg:s8], $0x5FFFF  }
0xad: {  	[dreg:$0x1] =	wrdreg $0xFFFFFFFF  }
0xae: {  	[dreg:$0x0] =	wrdreg $0x60  }
0xaf: {  	[dreg:$0x2] =	wrdreg s24  }
0xb0: {  	[dreg:$0x3] =	wrdreg s2  }
0xb1: {  	[dreg:$0x4] =	wrdreg s18  }
0xb2: {  	[dreg:$0x5] =	wrdreg $0x9  }
0xb3: {  	_ =	task.clear_ibuf [dreg:s8], $0x6FFFF;
	_ =	strace $0x90000046  }
0xb4: {  	s29 =	simm.s32 $0x9;
	_ =	strace $0x80000048  }
0xb5: {  	_ =	swait.ge [sflag:s29], $0x1  }
0xb6: {  	[sflag:s29] =	ssyncadd.s32 $0xFFFFFFFF  }
0xb7: {  	_ =	strace $0x90000048  }
0xb8: {  	_ =	sfence  }
0xb9: {  	s30 =	sld [smem:$0x0];
	_ =	sdelay $0x2  }
0xba: {  	s31 =	sshll.u32 s1, $0xD;
	s1 =	sshrl.u32 s1, $0x2  }
0xbb: {  	s3 =	sand.u32 $0x4000, s31;
	s1 =	sadd.s32 s1, s30  }
0xbc: {  	s0 =	sor.u32 s3, s0;
	s1 =	sshll.u32 s1, $0x11  }
0xbd: {  	s0 =	sor.u32 s1, s0  }
0xbe: {  	s0 =	sadd.s32 $0x8F2B, s0  }
0xbf: {  	[sflag:s0] =	ssyncadd.remote.s32 $0x1  }
0xc0: {  	_ =	sfence.sel $0xFFFF  }
0xc1: {  	[dreg:$0x0] =	wrdreg $0xFFFFFFFF;
	(pc) =	sbr.abs _section_cstart, $3  }
0xc2: {  	[dreg:$0x1] =	wrdreg $0xFFFFFFFF  }
0xc3: {  	_ =	task.clear_ibuf [dreg:s8], $0x2FFFF;
	_ =	strace $0x9FFFFFFF  }
0xc4: {  	(tm) =	ssettm $0x7FFFFFFF  }
0xc5: {  	_ =	shalt  }
tec
execute0_lowered:
.L_overlay_start_1:
0x0: {  	(tag) =	ssettag $0x1  }
0x1: {  	s6 =	rddreg [dreg:$0x0];
	s7 =	simm.s32 $0x0;
	s0 =	srdreg.scid  }
0x2: {  	s1 =	stileid.u32;
	s9 =	simm.s32 $0x1;
	[smem:$0x7FF] =	sst s7  }
0x3: {  	s0 =	sand.u32 $0x1, s0;
	s1 =	sshll.u32 s1, $0x1;
	s2 =	sadd.s32 $0x3D8600, s6  }
0x4: {  	s23 =	sadd.s32 $0x3D8400, s6;
	_ =	strace $0x80000047;
	[dreg:$0x4] =	wrdreg s2  }
0x5: {  	s3 =	sadd.s32 $0x3D8000, s6;
	s4 =	sadd.s32 $0x3D8200, s6;
	[dreg:$0x5] =	wrdreg s23  }
0x6: {  	s24 =	sor.u32 s0, s1;
	[dreg:$0x6] =	wrdreg s3;
	s0 =	ssub.s32 $0x2, s0  }
0x7: {  	[dreg:$0x7] =	wrdreg s4;
	s1 =	sand.u32 $0x10, s1;
	s26 =	sshll.u32 s24, $0x4  }
0x8: {  	s25 =	smul.u32 $0xF6000, s24;
	s5 =	sshrl.u32 s0, $0x1;
	s4 =	sadd.s32 s26, s6  }
0x9: {  	[dreg:$0x8] =	wrdreg s1;
	s0 =	ssub.s32 s0, s5;
	s31 =	sadd.s32 $0x3D8800, s4  }
0xa: {  	s28 =	simm.s32 $0x2;
	s0 =	smax.u32 s0, $0x1;
	[dreg:$0xd] =	wrdreg s31  }
0xb: {  	s3 =	simm.s32 $0x3;
	s5 =	sadd.s32 $0x6000, s25;
	[dreg:$0xe] =	wrdreg s0  }
0xc: {  	s29 =	sshrl.u32 s25, $0x3;
	s8 =	sadd.s32 $0x9000, s25;
	[dreg:$0xb] =	wrdreg s5  }
0xd: {  	v0 =	vimm.f32 $0.0e+00;
	s2 =	sand.u32 $0xF, s24;
	s30 =	sadd.s32 s6, s29;
	[dreg:$0xc] =	wrdreg s8  }
0xe: {  	v1 =	vlaneseq.u32;
	v3 =	vimm.s32 $0x0;
	v2 =	vmov s2;
	s26 =	simm.s32 $0x6000;
	[dreg:$0x9] =	wrdreg s30;
	s1 =	sadd.s32 $0x600, s30  }
0xf: {  	vm3 =	vcmask $0xB08;
	vm0 =	veq.s32 v2, v1;
	s4 =	simm.s32 $0x3000;
	v2 =	vmul.u32 $0x1000, v1;
	[dreg:$0xa] =	wrdreg s1;
	s1 =	simm.s32 $0x0  }
.LBB2_1:
0x10: {  	[dreg:$0xf] =	wrdreg s1  }
0x11: {  	s0 =	rddreg [dreg:$0x4];
	s17 =	simm.s32 $0x17000  }
0x12: {  	[tilespmem:s17], [sflag:$0x3] =	stream.linear.gather [hbm4b:s0+s7], $0x80, $0x38;
	[tilespmem:$0x17380] =	vst v63  }
0x13: {  	_ =	swait.ge [sflag:s3], $0x80  }
0x14: {  	[sflag:s3] =	ssyncset.done $0x0  }
0x15: {  	s19 =	simm.s32 $0x17080;
	s18 =	rddreg [dreg:$0x5];
	[sflag:s3] =	ssyncadd.s32 $0xFFFFFF80  }
0x16: {  	[tilespmem:s19], [sflag:$0x3] =	stream.linear.gather [hbm4b:s18+s7], $0x80, $0x38;
	[tilespmem:$0x17380] =	vst v63  }
0x17: {  	_ =	swait.ge [sflag:s3], $0x80  }
0x18: {  	[sflag:s3] =	ssyncset.done $0x0  }
0x19: {  	[sflag:s3] =	ssyncadd.s32 $0xFFFFFF80  }
0x1a: {  	s21 =	simm.s32 $0x17100;
	s20 =	rddreg [dreg:$0x1]  }
0x1b: {  	[tilespmem:s21], [sflag:$0x3] =	stream.linear.gather [hbm4b:s20+s7], $0x80, $0x38;
	[tilespmem:$0x17380] =	vst v63  }
0x1c: {  	_ =	swait.ge [sflag:s3], $0x80  }
0x1d: {  	[sflag:s3] =	ssyncset.done $0x0  }
0x1e: {  	s23 =	simm.s32 $0x17180;
	s22 =	rddreg [dreg:$0x6];
	[sflag:s3] =	ssyncadd.s32 $0xFFFFFF80  }
0x1f: {  	[tilespmem:s23], [sflag:$0x3] =	stream.linear.gather [hbm4b:s22+s7], $0x80, $0x38;
	[tilespmem:$0x17380] =	vst v63  }
0x20: {  	_ =	swait.ge [sflag:s3], $0x80  }
0x21: {  	[sflag:s3] =	ssyncset.done $0x0  }
0x22: {  	s25 =	simm.s32 $0x17200;
	s24 =	rddreg [dreg:$0x7];
	[sflag:s3] =	ssyncadd.s32 $0xFFFFFF80  }
0x23: {  	[tilespmem:s25], [sflag:$0x3] =	stream.linear.gather [hbm4b:s24+s7], $0x80, $0x38;
	[tilespmem:$0x17380] =	vst v63  }
0x24: {  	_ =	swait.ge [sflag:s3], $0x80  }
0x25: {  	[sflag:s3] =	ssyncset.done $0x0  }
0x26: {  	[sflag:s3] =	ssyncadd.s32 $0xFFFFFF80  }
0x27: {  	s30 =	simm.s32 $0x17280;
	s29 =	rddreg [dreg:$0x2]  }
0x28: {  	[tilespmem:s30], [sflag:$0x3] =	stream.linear.gather [hbm4b:s29+s7], $0x80, $0x38;
	[tilespmem:$0x17380] =	vst v63  }
0x29: {  	_ =	swait.ge [sflag:s3], $0x80  }
0x2a: {  	[sflag:s3] =	ssyncset.done $0x0  }
0x2b: {  	s31 =	rddreg [dreg:$0x8];
	[sflag:s3] =	ssyncadd.s32 $0xFFFFFF80  }
0x2c: {  	v6 =	vld [tilespmem:s31+$0x17000]  }
0x2d: {  	v4 =	vld [tilespmem:s31+$0x17080]  }
0x2e: {  	v7 =	vld [tilespmem:s31+$0x17100]  }
0x2f: {  	v5 =	vld [tilespmem:s31+$0x17180]  }
0x30: {  	v9 =	vld [tilespmem:s31+$0x17200]  }
0x31: {  	s1 =	simm.s32 $0x0;
	s0 =	simm.s32 $0x40;
	v8 =	vld [tilespmem:s31+$0x17280]  }
.LBB2_2:
0x32: {  	p0 =	sne.s32 s0, $0x3FFC0;
	[tilespmem:s1+$0x6000] =	vst v0;
	s1 =	smov.u32 s0;
	s0 =	sadd.s32 $0x40, s0  }
.Ltmp0:
0x33: {  	(pc) =	sbr.rel @p0 .LBB2_2-.Ltmp0, $2  }
0x34: {  	_ =	sdelay $0x2  }
0x35: {  	s1 =	sshra.s32 s1, $0x2  }
0x36: {  	v6 =	vnsel vm0, $0xFF800000, v6  }
0x37: {  	v4 =	vnsel vm0, $0xFF800000, v4;
	(xrf0) =	vmax.scan.msk.f32 $0xffff, v6  }
0x38: {  	(xrf0) =	vmax.scan.msk.f32 $0xffff, v4;
	v4 =	vnsel vm0, $0xFF800000, v5  }
0x39: {  	(xrf0) =	vmax.scan.msk.f32 $0xffff, v4;
	_ =	sdelay $0x3  }
0x3a: {  	[tilespmem:s1+$0x6000] =	vst v0;
	s0 =	simm.s32 $0x0;
	s30 =	rddreg [dreg:$0x9];
	v10, _, _ =	vpop (xrf0)  }
0x3b: {  	[tilespmem:s0], [sflag:$0x1] =	stream.linear.gather [hbm4b:s30+s0], $0x3000, $0x38;
	v5, _, _ =	vpop (xrf0);
	[tilespmem:$0x17380] =	vst v63  }
0x3c: {  	s31 =	rddreg [dreg:$0xa];
	v4 =	vbroadcast v10, $0xF;
	v6, _, _ =	vpop (xrf0)  }
0x3d: {  	[tilespmem:s4], [sflag:$0x2] =	stream.linear.gather [hbm4b:s31+s0], $0x3000, $0x38;
	v5 =	vbroadcast v5, $0xF;
	v6 =	vbroadcast v6, $0xF;
	[tilespmem:$0x17380] =	vst v63  }
.LBB2_4:
0x3e: {  	_ =	swait.ge [sflag:s9], $0x3000  }
0x3f: {  	[sflag:s9] =	ssyncset.done $0x0  }
0x40: {  	s1 =	simm.s32 $0x40;
	[sflag:s9] =	ssyncadd.s32 $0xFFFFD000  }
0x41: {  	v11 =	vld [tilespmem:s1+$0x30]  }
0x42: {  	v12 =	vld [tilespmem:s1+$0xFFFFFFD0]  }
0x43: {  	v13 =	vld [tilespmem:s1+$0xFFFFFFE0]  }
0x44: {  	v14 =	vld [tilespmem:s1+$0xFFFFFFF0]  }
0x45: {  	v15 =	vld [tilespmem:s1+$0x0]  }
0x46: {  	v17 =	vld [tilespmem:s1+$0xFFFFFFC0]  }
0x47: {  	v18 =	vld [tilespmem:s1+$0x10];
	v16 =	vsub.f32 v11, v4;
	v19 =	vsub.f32 v12, v5  }
0x48: {  	v11 =	vsub.f32 v11, v5;
	v12 =	vsub.f32 v12, v4  }
0x49: {  	s31 =	simm.s32 $0xC0;
	v21 =	vsub.f32 v13, v5;
	v13 =	vsub.f32 v13, v4  }
0x4a: {  	v57 =	vld [tilespmem:s31+$0x10];
	v22 =	vsub.f32 v14, v5;
	v14 =	vsub.f32 v14, v4  }
0x4b: {  	v27 =	vld [tilespmem:s31+$0x20];
	v23 =	vsub.f32 v15, v5;
	v24 =	vsub.f32 v17, v5  }
0x4c: {  	v25 =	vsub.f32 v18, v5;
	v17 =	vsub.f32 v17, v4;
	v16 =	vmul.f32 v16, v6  }
0x4d: {  	v15 =	vsub.f32 v15, v4;
	v11 =	vmul.f32 $1.442695020e+00, v11;
	v24 =	vmul.f32 $1.442695020e+00, v24  }
0x4e: {  	v18 =	vsub.f32 v18, v4;
	v21 =	vmul.f32 $1.442695020e+00, v21;
	v22 =	vmul.f32 $1.442695020e+00, v22  }
0x4f: {  	v32 =	vsub.f32 v57, v5;
	v23 =	vmul.f32 $1.442695020e+00, v23;
	v25 =	vmul.f32 $1.442695020e+00, v25  }
0x50: {  	v59 =	vsub.f32 v27, v5;
	v17 =	vmul.f32 v17, v6;
	v12 =	vmul.f32 v12, v6  }
0x51: {  	v20 =	vld [tilespmem:s1+$0x20];
	v27 =	vsub.f32 v27, v4;
	v13 =	vmul.f32 v13, v6;
	v14 =	vmul.f32 v14, v6  }
0x52: {  	v15 =	vmul.f32 v15, v6;
	v18 =	vmul.f32 v18, v6  }
0x53: {  	v32 =	vmul.f32 $1.442695020e+00, v32;
	v27 =	vmul.f32 v27, v6  }
0x54: {  	v16 =	vtrunc.f32 v16;
	(erf) = vpow2.f32 v11  }
0x55: {  	v11 =	vmul.f32 $1.442695020e+00, v19;
	v17 =	vtrunc.f32 v17  }
0x56: {  	v19 =	vsub.f32 v20, v5;
	v15 =	vtrunc.f32 v15;
	v16 =	vcvt.f32.s32 v16  }
0x57: {  	v20 =	vsub.f32 v20, v4;
	(erf) = vpow2.f32 v24;
	v17 =	vcvt.f32.s32 v17  }
0x58: {  	v15 =	vcvt.f32.s32 v15;
	v19 =	vmul.f32 $1.442695020e+00, v19  }
0x59: {  	v20 =	vmul.f32 v20, v6;
	(erf) = vpow2.f32 v11  }
0x5a: {  	v11 =	vtrunc.f32 v12;
	v12 =	vtrunc.f32 v13  }
0x5b: {  	v24 =	vsub.f32 v57, v4;
	v13 =	vtrunc.f32 v14;
	(erf) = vpow2.f32 v21  }
0x5c: {  	vm4 =	vgt.s32 v16, $0x0;
	v11 =	vcvt.f32.s32 v11;
	v12 =	vcvt.f32.s32 v12  }
0x5d: {  	v13 =	vcvt.f32.s32 v13;
	vm8 =	vgt.s32 v15, $0x0;
	v24 =	vmul.f32 v24, v6  }
0x5e: {  	(erf) = vpow2.f32 v22;
	v14 =	vnsel vm4, $0x0, v16;
	v16 =	vtrunc.f32 v18  }
0x5f: {  	v18 =	vtrunc.f32 v20;
	vm4 =	vgt.s32 v17, $0x0;
	v15 =	vnsel vm8, $0x0, v15  }
0x60: {  	(erf) = vpow2.f32 v23;
	v14 =	vmin.u32 v14, $0xFFF;
	vm5 =	vgt.s32 v11, $0x0  }
0x61: {  	v21 =	vld [tilespmem:s31+$0xFFFFFFE0];
	v16 =	vcvt.f32.s32 v16;
	v18 =	vcvt.f32.s32 v18;
	vm6 =	vgt.s32 v12, $0x0  }
0x62: {  	v20 =	vld [tilespmem:s31+$0xFFFFFFD0];
	vm7 =	vgt.s32 v13, $0x0;
	v17 =	vnsel vm4, $0x0, v17;
	v15 =	vmin.u32 v15, $0xFFF  }
0x63: {  	v22 =	vld [tilespmem:s31+$0xFFFFFFF0];
	(erf) = vpow2.f32 v25;
	v14 =	vor.u32 v2, v14;
	v11 =	vnsel vm5, $0x0, v11  }
0x64: {  	v23 =	vld [tilespmem:s31+$0x0];
	v12 =	vnsel vm6, $0x0, v12;
	v13 =	vnsel vm7, $0x0, v13;
	v17 =	vmin.u32 v17, $0xFFF  }
0x65: {  	v63 =	vor.u32 v2, v15;
	(erf) = vpow2.f32 v19;
	v19 =	vld [tilespmem:s31+$0x30];
	vm4 =	vgt.s32 v16, $0x0  }
0x66: {  	v11 =	vmin.u32 v11, $0xFFF;
	v28 =	vmin.u32 v12, $0xFFF;
	v29 =	vsub.f32 v21, v5  }
0x67: {  	v13 =	vmin.u32 v13, $0xFFF;
	v21 =	vsub.f32 v21, v4;
	v26 =	vsub.f32 v20, v5  }
0x68: {  	v17 =	vor.u32 v2, v17;
	v20 =	vsub.f32 v20, v4;
	v30 =	vsub.f32 v22, v5  }
0x69: {  	v12 =	vld [tilespmem:s31+$0xFFFFFFC0];
	v22 =	vsub.f32 v22, v4;
	v31 =	vsub.f32 v23, v5;
	v29 =	vmul.f32 $1.442695020e+00, v29  }
0x6a: {  	v21 =	vmul.f32 v21, v6;
	v30 =	vmul.f32 $1.442695020e+00, v30;
	v58 =	vsub.f32 v19, v4  }
0x6b: {  	v20 =	vmul.f32 v20, v6;
	v22 =	vmul.f32 v22, v6;
	v19 =	vsub.f32 v19, v5  }
0x6c: {  	v16 =	vnsel vm4, $0x0, v16;
	v31 =	vmul.f32 $1.442695020e+00, v31;
	v25 =	vmul.f32 v58, v6  }
0x6d: {  	v28 =	vor.u32 v2, v28;
	v61 =	vtrunc.f32 v21;
	v19 =	vmul.f32 $1.442695020e+00, v19  }
0x6e: {  	v34 =	vpop (erf);
	v33 =	vsub.f32 v12, v5;
	v21 =	vtrunc.f32 v24;
	v25 =	vtrunc.f32 v25  }
0x6f: {  	v13 =	vor.u32 v2, v13;
	v35 =	vpop (erf);
	(erf) = vpow2.f32 v19;
	v25 =	vcvt.f32.s32 v25  }
0x70: {  	v36 =	vpop (erf);
	v12 =	vsub.f32 v12, v4;
	v20 =	vtrunc.f32 v20;
	v33 =	vmul.f32 $1.442695020e+00, v33  }
0x71: {  	v38 =	vpop (erf);
	v19 =	vsub.f32 v23, v4;
	v23 =	vmul.f32 $1.442695020e+00, v26;
	vm4 =	vgt.s32 v25, $0x0  }
0x72: {  	v39 =	vpop (erf);
	v62 =	vtrunc.f32 v22;
	(erf) = vpow2.f32 v33;
	v25 =	vnsel vm4, $0x0, v25  }
0x73: {  	v22 =	vtrunc.f32 v27;
	v40 =	vpop (erf);
	(erf) = vpow2.f32 v23;
	v25 =	vmin.u32 v25, $0xFFF  }
0x74: {  	v37 =	vmul.f32 v12, v6;
	v12 =	vpop (erf);
	(erf) = vpow2.f32 v29;
	v25 =	vor.u32 v2, v25  }
0x75: {  	[tilespmem:v17+s26+$0x0] =	vst.idx.add.f32.msk $0xffff, v35;
	v17 =	vcvt.f32.s32 v61;
	v23 =	vor.u32 v2, v11;
	v11 =	vpop (erf);
	(erf) = vpow2.f32 v30  }
0x76: {  	vm9 =	vgt.s32 v18, $0x0;
	[tilespmem:v14+s26+$0x0] =	vst.idx.add.f32.msk $0xffff, v34;
	v26 =	vmul.f32 $1.442695020e+00, v59;
	(erf) = vpow2.f32 v31  }
0x77: {  	v18 =	vnsel vm9, $0x0, v18;
	[tilespmem:v28+s26+$0x0] =	vst.idx.add.f32.msk $0xffff, v38;
	v19 =	vmul.f32 v19, v6;
	(erf) = vpow2.f32 v32  }
0x78: {  	v15 =	vmin.u32 v18, $0xFFF;
	[tilespmem:v13+s26+$0x0] =	vst.idx.add.f32.msk $0xffff, v39;
	v60 =	vtrunc.f32 v37;
	(erf) = vpow2.f32 v26;
	v14 =	vpop (erf)  }
0x79: {  	[tilespmem:v25+s26+$0x0] =	vst.idx.add.f32.msk $0xffff, v14;
	v14 =	vmin.u32 v16, $0xFFF;
	v16 =	vtrunc.f32 v19;
	v19 =	vcvt.f32.s32 v60  }
0x7a: {  	v15 =	vor.u32 v2, v15;
	v18 =	vcvt.f32.s32 v20;
	v20 =	vcvt.f32.s32 v62;
	[tilespmem:v63+s26+$0x0] =	vst.idx.add.f32.msk $0xffff, v40  }
0x7b: {  	s2 =	simm.s32 $0x8;
	s3 =	simm.s32 $0x140;
	[tilespmem:v23+s26+$0x0] =	vst.idx.add.f32.msk $0xffff, v36;
	v13 =	vpop (erf);
	v14 =	vor.u32 v2, v14;
	v16 =	vcvt.f32.s32 v16;
	vm4 =	vgt.s32 v19, $0x0  }
.LBB2_5:
0x7c: {  	v23 =	vld [tilespmem:s3+$0x30];
	s2 =	sadd.s32 $0x8, s2;
	vm5 =	vgt.s32 v18, $0x0;
	v21 =	vcvt.f32.s32 v21;
	v22 =	vcvt.f32.s32 v22;
	v24 =	vpop (erf)  }
0x7d: {  	vm6 =	vgt.s32 v17, $0x0;
	v25 =	vld [tilespmem:s3+$0xFFFFFFD0];
	p0 =	slt.u32 s2, $0x2F8;
	vm7 =	vgt.s32 v20, $0x0;
	vm8 =	vgt.s32 v16, $0x0;
	v26 =	vpop (erf)  }
0x7e: {  	v19 =	vnsel vm4, $0x0, v19;
	v27 =	vld [tilespmem:s3+$0xFFFFFFE0];
	vm4 =	vgt.s32 v21, $0x0;
	vm9 =	vgt.s32 v22, $0x0;
	v28 =	vpop (erf)  }
0x7f: {  	v18 =	vnsel vm5, $0x0, v18;
	v17 =	vnsel vm6, $0x0, v17;
	v20 =	vnsel vm7, $0x0, v20;
	v29 =	vld [tilespmem:s3+$0xFFFFFFF0];
	v30 =	vpop (erf)  }
0x80: {  	v16 =	vnsel vm8, $0x0, v16;
	v21 =	vnsel vm4, $0x0, v21;
	v22 =	vnsel vm9, $0x0, v22;
	v31 =	vld [tilespmem:s3+$0x0];
	v32 =	vpop (erf)  }
0x81: {  	v19 =	vmin.u32 v19, $0xFFF;
	v18 =	vmin.u32 v18, $0xFFF;
	v33 =	vld [tilespmem:s3+$0x10];
	v34 =	vsub.f32 v23, v4;
	v35 =	vpop (erf)  }
0x82: {  	v17 =	vmin.u32 v17, $0xFFF;
	v23 =	vsub.f32 v23, v5;
	v36 =	vsub.f32 v25, v5;
	v37 =	vld [tilespmem:s3+$0x20]  }
0x83: {  	v25 =	vsub.f32 v25, v4;
	v38 =	vld [tilespmem:s3+$0xFFFFFFC0];
	v39 =	vsub.f32 v27, v5;
	v34 =	vmul.f32 v34, v6  }
0x84: {  	v27 =	vsub.f32 v27, v4;
	v23 =	vmul.f32 $1.442695020e+00, v23;
	v40 =	vsub.f32 v29, v5;
	[tilespmem:v14+s26+$0x0] =	vst.idx.add.f32.msk $0xffff, v12  }
0x85: {  	v14 =	vsub.f32 v29, v4;
	v29 =	vsub.f32 v31, v5;
	v41 =	vtrunc.f32 v34;
	[tilespmem:v15+s26+$0x0] =	vst.idx.add.f32.msk $0xffff, v11  }
0x86: {  	v12 =	vmovc v32;
	v11 =	vmovc v35;
	v15 =	vsub.f32 v33, v5;
	v34 =	vcvt.f32.s32 v41;
	(erf) = vpow2.f32 v23  }
0x87: {  	v31 =	vsub.f32 v31, v4;
	v23 =	vmul.f32 $1.442695020e+00, v36;
	v32 =	vsub.f32 v37, v5  }
0x88: {  	v35 =	vsub.f32 v38, v5;
	v36 =	vsub.f32 v38, v4;
	vm4 =	vgt.s32 v34, $0x0  }
0x89: {  	v33 =	vsub.f32 v33, v4;
	v37 =	vsub.f32 v37, v4;
	v34 =	vnsel vm4, $0x0, v34  }
0x8a: {  	v38 =	vmul.f32 $1.442695020e+00, v39;
	v35 =	vmul.f32 $1.442695020e+00, v35;
	v34 =	vmin.u32 v34, $0xFFF  }
0x8b: {  	v29 =	vmul.f32 $1.442695020e+00, v29;
	v39 =	vmul.f32 $1.442695020e+00, v40;
	v34 =	vor.u32 v2, v34  }
0x8c: {  	v20 =	vmin.u32 v20, $0xFFF;
	v15 =	vmul.f32 $1.442695020e+00, v15;
	v32 =	vmul.f32 $1.442695020e+00, v32  }
0x8d: {  	v16 =	vmin.u32 v16, $0xFFF;
	v25 =	vmul.f32 v25, v6;
	v36 =	vmul.f32 v36, v6  }
0x8e: {  	v21 =	vmin.u32 v21, $0xFFF;
	v27 =	vmul.f32 v27, v6;
	v14 =	vmul.f32 v14, v6  }
0x8f: {  	v22 =	vmin.u32 v22, $0xFFF;
	v31 =	vmul.f32 v31, v6;
	v33 =	vmul.f32 v33, v6;
	v40 =	vpop (erf)  }
0x90: {  	v19 =	vor.u32 v2, v19;
	v37 =	vmul.f32 v37, v6;
	[tilespmem:v34+s26+$0x0] =	vst.idx.add.f32.msk $0xffff, v40;
	(erf) = vpow2.f32 v35  }
0x91: {  	v18 =	vor.u32 v2, v18;
	v34 =	vtrunc.f32 v36;
	(erf) = vpow2.f32 v23  }
0x92: {  	v17 =	vor.u32 v2, v17;
	v23 =	vtrunc.f32 v25;
	(erf) = vpow2.f32 v38  }
0x93: {  	v20 =	vor.u32 v2, v20;
	v25 =	vtrunc.f32 v27;
	(erf) = vpow2.f32 v39  }
0x94: {  	v27 =	vtrunc.f32 v14;
	(erf) = vpow2.f32 v29;
	v29 =	vor.u32 v2, v16  }
.Ltmp1:
0x95: {  	v14 =	vor.u32 v2, v21;
	v16 =	vtrunc.f32 v31;
	(erf) = vpow2.f32 v15;
	[tilespmem:v19+s26+$0x0] =	vst.idx.add.f32.msk $0xffff, v13;
	(pc) =	sbr.rel @p0 .LBB2_5-.Ltmp1, $4  }
0x96: {  	v21 =	vtrunc.f32 v33;
	v15 =	vor.u32 v2, v22;
	(erf) = vpow2.f32 v32;
	[tilespmem:v18+s26+$0x0] =	vst.idx.add.f32.msk $0xffff, v24  }
0x97: {  	v19 =	vcvt.f32.s32 v34;
	v22 =	vtrunc.f32 v37;
	[tilespmem:v17+s26+$0x0] =	vst.idx.add.f32.msk $0xffff, v26  }
0x98: {  	v18 =	vcvt.f32.s32 v23;
	v17 =	vcvt.f32.s32 v25;
	[tilespmem:v20+s26+$0x0] =	vst.idx.add.f32.msk $0xffff, v28  }
0x99: {  	s3 =	sadd.s32 $0x80, s3;
	v16 =	vcvt.f32.s32 v16;
	vm4 =	vgt.s32 v19, $0x0;
	v20 =	vcvt.f32.s32 v27;
	v13 =	vpop (erf);
	[tilespmem:v29+s26+$0x0] =	vst.idx.add.f32.msk $0xffff, v30  }
0x9a: {  	vm5 =	vgt.s32 v18, $0x0;
	v21 =	vcvt.f32.s32 v21;
	v22 =	vcvt.f32.s32 v22  }
0x9b: {  	vm6 =	vgt.s32 v17, $0x0;
	v19 =	vnsel vm4, $0x0, v19;
	vm7 =	vgt.s32 v20, $0x0  }
0x9c: {  	vm8 =	vgt.s32 v16, $0x0;
	v18 =	vnsel vm5, $0x0, v18;
	v19 =	vmin.u32 v19, $0xFFF  }
0x9d: {  	v17 =	vnsel vm6, $0x0, v17;
	vm4 =	vgt.s32 v21, $0x0;
	vm9 =	vgt.s32 v22, $0x0  }
0x9e: {  	v18 =	vmin.u32 v18, $0xFFF;
	v19 =	vor.u32 v2, v19;
	v20 =	vnsel vm7, $0x0, v20  }
0x9f: {  	v17 =	vmin.u32 v17, $0xFFF;
	v16 =	vnsel vm8, $0x0, v16;
	v18 =	vor.u32 v2, v18  }
0xa0: {  	v20 =	vmin.u32 v20, $0xFFF;
	v17 =	vor.u32 v2, v17;
	v21 =	vnsel vm4, $0x0, v21  }
0xa1: {  	[tilespmem:v14+s26+$0x0] =	vst.idx.add.f32.msk $0xffff, v12;
	v12 =	vmin.u32 v16, $0xFFF;
	v16 =	vnsel vm9, $0x0, v22;
	v14 =	vor.u32 v2, v20  }
0xa2: {  	[tilespmem:v15+s26+$0x0] =	vst.idx.add.f32.msk $0xffff, v11;
	v11 =	vmin.u32 v21, $0xFFF;
	v12 =	vor.u32 v2, v12;
	v16 =	vmin.u32 v16, $0xFFF  }
0xa3: {  	v15 =	vpop (erf);
	v11 =	vor.u32 v2, v11;
	[tilespmem:v19+s26+$0x0] =	vst.idx.add.f32.msk $0xffff, v13  }
0xa4: {  	p0 =	seq.s32 s0, $0x28;
	v13 =	vpop (erf);
	[tilespmem:v18+s26+$0x0] =	vst.idx.add.f32.msk $0xffff, v15;
	v15 =	vor.u32 v2, v16  }
0xa5: {  	s1 =	smul.u32 @!p0 $0x6000, s0;
	v16 =	vpop (erf);
	[tilespmem:v17+s26+$0x0] =	vst.idx.add.f32.msk $0xffff, v13  }
0xa6: {  	v13 =	vpop (erf);
	[tilespmem:v14+s26+$0x0] =	vst.idx.add.f32.msk $0xffff, v16  }
0xa7: {  	s1 =	sadd.s32 @!p0 s1, s5;
	v14 =	vpop (erf);
	[tilespmem:v12+s26+$0x0] =	vst.idx.add.f32.msk $0xffff, v13  }
0xa8: {  	s1 =	sshrl.u32 @!p0 s1, $0x3;
	v12 =	vpop (erf);
	[tilespmem:v11+s26+$0x0] =	vst.idx.add.f32.msk $0xffff, v14  }
0xa9: {  	s2 =	simm.s32 @!p0 $0x0;
	s1 =	sadd.s32 @!p0 s6, s1;
	[tilespmem:v15+s26+$0x0] =	vst.idx.add.f32.msk $0xffff, v12  }
0xaa: {  	[tilespmem:s2], [sflag:$0x1] =	stream.linear.gather @!p0 [hbm4b:s1+s2], $0x3000, $0x38;
	[tilespmem:$0x17380] =	vst v63  }
0xab: {  	_ =	swait.ge [sflag:s28], $0x3000  }
0xac: {  	[sflag:s28] =	ssyncset.done $0x0  }
0xad: {  	s30 =	simm.s32 $0x3040;
	[sflag:s28] =	ssyncadd.s32 $0xFFFFD000  }
0xae: {  	v11 =	vld [tilespmem:s30+$0x30]  }
0xaf: {  	v12 =	vld [tilespmem:s30+$0xFFFFFFD0]  }
0xb0: {  	v13 =	vld [tilespmem:s30+$0xFFFFFFE0]  }
0xb1: {  	v14 =	vld [tilespmem:s30+$0xFFFFFFF0]  }
0xb2: {  	v15 =	vld [tilespmem:s30+$0x0]  }
0xb3: {  	v17 =	vld [tilespmem:s30+$0xFFFFFFC0]  }
0xb4: {  	v18 =	vld [tilespmem:s30+$0x10];
	v16 =	vsub.f32 v11, v4;
	v19 =	vsub.f32 v12, v5  }
0xb5: {  	v11 =	vsub.f32 v11, v5;
	v12 =	vsub.f32 v12, v4  }
0xb6: {  	s31 =	simm.s32 $0x30C0;
	v21 =	vsub.f32 v13, v5;
	v13 =	vsub.f32 v13, v4  }
0xb7: {  	v57 =	vld [tilespmem:s31+$0x10];
	v22 =	vsub.f32 v14, v5;
	v14 =	vsub.f32 v14, v4  }
0xb8: {  	v27 =	vld [tilespmem:s31+$0x20];
	v23 =	vsub.f32 v15, v5;
	v24 =	vsub.f32 v17, v5  }
0xb9: {  	v25 =	vsub.f32 v18, v5;
	v17 =	vsub.f32 v17, v4;
	v16 =	vmul.f32 v16, v6  }
0xba: {  	v15 =	vsub.f32 v15, v4;
	v11 =	vmul.f32 $1.442695020e+00, v11;
	v24 =	vmul.f32 $1.442695020e+00, v24  }
0xbb: {  	v18 =	vsub.f32 v18, v4;
	v21 =	vmul.f32 $1.442695020e+00, v21;
	v22 =	vmul.f32 $1.442695020e+00, v22  }
0xbc: {  	v32 =	vsub.f32 v57, v5;
	v23 =	vmul.f32 $1.442695020e+00, v23;
	v25 =	vmul.f32 $1.442695020e+00, v25  }
0xbd: {  	v59 =	vsub.f32 v27, v5;
	v17 =	vmul.f32 v17, v6;
	v12 =	vmul.f32 v12, v6  }
0xbe: {  	v20 =	vld [tilespmem:s30+$0x20];
	v27 =	vsub.f32 v27, v4;
	v13 =	vmul.f32 v13, v6;
	v14 =	vmul.f32 v14, v6  }
0xbf: {  	v15 =	vmul.f32 v15, v6;
	v18 =	vmul.f32 v18, v6  }
0xc0: {  	v32 =	vmul.f32 $1.442695020e+00, v32;
	v27 =	vmul.f32 v27, v6  }
0xc1: {  	v16 =	vtrunc.f32 v16;
	(erf) = vpow2.f32 v11  }
0xc2: {  	v11 =	vmul.f32 $1.442695020e+00, v19;
	v17 =	vtrunc.f32 v17  }
0xc3: {  	v19 =	vsub.f32 v20, v5;
	v15 =	vtrunc.f32 v15;
	v16 =	vcvt.f32.s32 v16  }
0xc4: {  	v20 =	vsub.f32 v20, v4;
	(erf) = vpow2.f32 v24;
	v17 =	vcvt.f32.s32 v17  }
0xc5: {  	v15 =	vcvt.f32.s32 v15;
	v19 =	vmul.f32 $1.442695020e+00, v19  }
0xc6: {  	v20 =	vmul.f32 v20, v6;
	(erf) = vpow2.f32 v11  }
0xc7: {  	v11 =	vtrunc.f32 v12;
	v12 =	vtrunc.f32 v13  }
0xc8: {  	v24 =	vsub.f32 v57, v4;
	v13 =	vtrunc.f32 v14;
	(erf) = vpow2.f32 v21  }
0xc9: {  	vm4 =	vgt.s32 v16, $0x0;
	v11 =	vcvt.f32.s32 v11;
	v12 =	vcvt.f32.s32 v12  }
0xca: {  	v13 =	vcvt.f32.s32 v13;
	vm14 =	vgt.s32 v15, $0x0;
	v24 =	vmul.f32 v24, v6  }
0xcb: {  	(erf) = vpow2.f32 v22;
	v14 =	vnsel vm4, $0x0, v16;
	v16 =	vtrunc.f32 v18  }
0xcc: {  	v18 =	vtrunc.f32 v20;
	vm4 =	vgt.s32 v17, $0x0;
	v15 =	vnsel vm14, $0x0, v15  }
0xcd: {  	(erf) = vpow2.f32 v23;
	v14 =	vmin.u32 v14, $0xFFF;
	vm5 =	vgt.s32 v11, $0x0  }
0xce: {  	v21 =	vld [tilespmem:s31+$0xFFFFFFE0];
	v16 =	vcvt.f32.s32 v16;
	v18 =	vcvt.f32.s32 v18;
	vm6 =	vgt.s32 v12, $0x0  }
0xcf: {  	v20 =	vld [tilespmem:s31+$0xFFFFFFD0];
	vm7 =	vgt.s32 v13, $0x0;
	v17 =	vnsel vm4, $0x0, v17;
	v15 =	vmin.u32 v15, $0xFFF  }
0xd0: {  	v22 =	vld [tilespmem:s31+$0xFFFFFFF0];
	(erf) = vpow2.f32 v25;
	v14 =	vor.u32 v2, v14;
	v11 =	vnsel vm5, $0x0, v11  }
0xd1: {  	v23 =	vld [tilespmem:s31+$0x0];
	v12 =	vnsel vm6, $0x0, v12;
	v13 =	vnsel vm7, $0x0, v13;
	v17 =	vmin.u32 v17, $0xFFF  }
0xd2: {  	v63 =	vor.u32 v2, v15;
	(erf) = vpow2.f32 v19;
	v19 =	vld [tilespmem:s31+$0x30];
	vm4 =	vgt.s32 v16, $0x0  }
0xd3: {  	v11 =	vmin.u32 v11, $0xFFF;
	v28 =	vmin.u32 v12, $0xFFF;
	v29 =	vsub.f32 v21, v5  }
0xd4: {  	v13 =	vmin.u32 v13, $0xFFF;
	v21 =	vsub.f32 v21, v4;
	v26 =	vsub.f32 v20, v5  }
0xd5: {  	v17 =	vor.u32 v2, v17;
	v20 =	vsub.f32 v20, v4;
	v30 =	vsub.f32 v22, v5  }
0xd6: {  	v12 =	vld [tilespmem:s31+$0xFFFFFFC0];
	v22 =	vsub.f32 v22, v4;
	v31 =	vsub.f32 v23, v5;
	v29 =	vmul.f32 $1.442695020e+00, v29  }
0xd7: {  	v21 =	vmul.f32 v21, v6;
	v30 =	vmul.f32 $1.442695020e+00, v30;
	v58 =	vsub.f32 v19, v4  }
0xd8: {  	v20 =	vmul.f32 v20, v6;
	v22 =	vmul.f32 v22, v6;
	v19 =	vsub.f32 v19, v5  }
0xd9: {  	v16 =	vnsel vm4, $0x0, v16;
	v31 =	vmul.f32 $1.442695020e+00, v31;
	v25 =	vmul.f32 v58, v6  }
0xda: {  	v28 =	vor.u32 v2, v28;
	v61 =	vtrunc.f32 v21;
	v19 =	vmul.f32 $1.442695020e+00, v19  }
0xdb: {  	v33 =	vsub.f32 v12, v5;
	v21 =	vtrunc.f32 v24;
	v25 =	vtrunc.f32 v25  }
0xdc: {  	v13 =	vor.u32 v2, v13;
	v34 =	vpop (erf);
	(erf) = vpow2.f32 v19;
	v25 =	vcvt.f32.s32 v25  }
0xdd: {  	v35 =	vpop (erf);
	v12 =	vsub.f32 v12, v4;
	v20 =	vtrunc.f32 v20;
	v33 =	vmul.f32 $1.442695020e+00, v33  }
0xde: {  	v36 =	vpop (erf);
	v19 =	vsub.f32 v23, v4;
	v23 =	vmul.f32 $1.442695020e+00, v26;
	vm4 =	vgt.s32 v25, $0x0  }
0xdf: {  	v38 =	vpop (erf);
	v62 =	vtrunc.f32 v22;
	(erf) = vpow2.f32 v33;
	v25 =	vnsel vm4, $0x0, v25  }
0xe0: {  	v39 =	vpop (erf);
	v22 =	vtrunc.f32 v27;
	(erf) = vpow2.f32 v23;
	v25 =	vmin.u32 v25, $0xFFF  }
0xe1: {  	[tilespmem:v17+s26+$0x0] =	vst.idx.add.f32.msk $0xffff, v35;
	v17 =	vcvt.f32.s32 v61;
	v40 =	vpop (erf);
	(erf) = vpow2.f32 v29;
	v25 =	vor.u32 v2, v25  }
0xe2: {  	vm15 =	vgt.s32 v18, $0x0;
	v37 =	vmul.f32 v12, v6;
	v12 =	vpop (erf);
	(erf) = vpow2.f32 v30  }
0xe3: {  	[tilespmem:v14+s26+$0x0] =	vst.idx.add.f32.msk $0xffff, v34;
	v26 =	vmul.f32 $1.442695020e+00, v59;
	v23 =	vor.u32 v2, v11;
	(erf) = vpow2.f32 v31  }
0xe4: {  	v18 =	vnsel vm15, $0x0, v18;
	[tilespmem:v28+s26+$0x0] =	vst.idx.add.f32.msk $0xffff, v38;
	v19 =	vmul.f32 v19, v6;
	v11 =	vpop (erf);
	(erf) = vpow2.f32 v32  }
0xe5: {  	v15 =	vmin.u32 v18, $0xFFF;
	[tilespmem:v13+s26+$0x0] =	vst.idx.add.f32.msk $0xffff, v39;
	v60 =	vtrunc.f32 v37;
	(erf) = vpow2.f32 v26;
	v14 =	vpop (erf)  }
0xe6: {  	[tilespmem:v25+s26+$0x0] =	vst.idx.add.f32.msk $0xffff, v14;
	v14 =	vmin.u32 v16, $0xFFF;
	v16 =	vtrunc.f32 v19;
	v19 =	vcvt.f32.s32 v60  }
0xe7: {  	v15 =	vor.u32 v2, v15;
	v18 =	vcvt.f32.s32 v20;
	v20 =	vcvt.f32.s32 v62;
	[tilespmem:v63+s26+$0x0] =	vst.idx.add.f32.msk $0xffff, v40  }
0xe8: {  	s3 =	simm.s32 $0x3140;
	s2 =	simm.s32 $0x8;
	[tilespmem:v23+s26+$0x0] =	vst.idx.add.f32.msk $0xffff, v36;
	v13 =	vpop (erf);
	v14 =	vor.u32 v2, v14;
	v16 =	vcvt.f32.s32 v16;
	vm4 =	vgt.s32 v19, $0x0  }
.LBB2_7:
0xe9: {  	v23 =	vld [tilespmem:s3+$0x30];
	s2 =	sadd.s32 $0x8, s2;
	vm5 =	vgt.s32 v18, $0x0;
	v21 =	vcvt.f32.s32 v21;
	v22 =	vcvt.f32.s32 v22;
	v24 =	vpop (erf)  }
0xea: {  	vm6 =	vgt.s32 v17, $0x0;
	v25 =	vld [tilespmem:s3+$0xFFFFFFD0];
	p1 =	slt.u32 s2, $0x2F8;
	vm7 =	vgt.s32 v20, $0x0;
	vm8 =	vgt.s32 v16, $0x0;
	v26 =	vpop (erf)  }
0xeb: {  	v19 =	vnsel vm4, $0x0, v19;
	v27 =	vld [tilespmem:s3+$0xFFFFFFE0];
	vm4 =	vgt.s32 v21, $0x0;
	vm9 =	vgt.s32 v22, $0x0;
	v28 =	vpop (erf)  }
0xec: {  	v18 =	vnsel vm5, $0x0, v18;
	v17 =	vnsel vm6, $0x0, v17;
	v20 =	vnsel vm7, $0x0, v20;
	v29 =	vld [tilespmem:s3+$0xFFFFFFF0];
	v30 =	vpop (erf)  }
0xed: {  	v16 =	vnsel vm8, $0x0, v16;
	v21 =	vnsel vm4, $0x0, v21;
	v22 =	vnsel vm9, $0x0, v22;
	v31 =	vld [tilespmem:s3+$0x0];
	v32 =	vpop (erf)  }
0xee: {  	v19 =	vmin.u32 v19, $0xFFF;
	v18 =	vmin.u32 v18, $0xFFF;
	v33 =	vld [tilespmem:s3+$0x10];
	v34 =	vsub.f32 v23, v4;
	v35 =	vpop (erf)  }
0xef: {  	v17 =	vmin.u32 v17, $0xFFF;
	v23 =	vsub.f32 v23, v5;
	v36 =	vsub.f32 v25, v5;
	v37 =	vld [tilespmem:s3+$0x20]  }
0xf0: {  	v25 =	vsub.f32 v25, v4;
	v38 =	vld [tilespmem:s3+$0xFFFFFFC0];
	v39 =	vsub.f32 v27, v5;
	v34 =	vmul.f32 v34, v6  }
0xf1: {  	v27 =	vsub.f32 v27, v4;
	v23 =	vmul.f32 $1.442695020e+00, v23;
	v40 =	vsub.f32 v29, v5;
	[tilespmem:v14+s26+$0x0] =	vst.idx.add.f32.msk $0xffff, v12  }
0xf2: {  	v14 =	vsub.f32 v29, v4;
	v29 =	vsub.f32 v31, v5;
	v41 =	vtrunc.f32 v34;
	[tilespmem:v15+s26+$0x0] =	vst.idx.add.f32.msk $0xffff, v11  }
0xf3: {  	v12 =	vmovc v32;
	v11 =	vmovc v35;
	v15 =	vsub.f32 v33, v5;
	v34 =	vcvt.f32.s32 v41;
	(erf) = vpow2.f32 v23  }
0xf4: {  	v31 =	vsub.f32 v31, v4;
	v23 =	vmul.f32 $1.442695020e+00, v36;
	v32 =	vsub.f32 v37, v5  }
0xf5: {  	v35 =	vsub.f32 v38, v5;
	v36 =	vsub.f32 v38, v4;
	vm4 =	vgt.s32 v34, $0x0  }
0xf6: {  	v33 =	vsub.f32 v33, v4;
	v37 =	vsub.f32 v37, v4;
	v34 =	vnsel vm4, $0x0, v34  }
0xf7: {  	v38 =	vmul.f32 $1.442695020e+00, v39;
	v35 =	vmul.f32 $1.442695020e+00, v35;
	v34 =	vmin.u32 v34, $0xFFF  }
0xf8: {  	v29 =	vmul.f32 $1.442695020e+00, v29;
	v39 =	vmul.f32 $1.442695020e+00, v40;
	v34 =	vor.u32 v2, v34  }
0xf9: {  	v20 =	vmin.u32 v20, $0xFFF;
	v15 =	vmul.f32 $1.442695020e+00, v15;
	v32 =	vmul.f32 $1.442695020e+00, v32  }
0xfa: {  	v16 =	vmin.u32 v16, $0xFFF;
	v25 =	vmul.f32 v25, v6;
	v36 =	vmul.f32 v36, v6  }
0xfb: {  	v21 =	vmin.u32 v21, $0xFFF;
	v27 =	vmul.f32 v27, v6;
	v14 =	vmul.f32 v14, v6  }
0xfc: {  	v22 =	vmin.u32 v22, $0xFFF;
	v31 =	vmul.f32 v31, v6;
	v33 =	vmul.f32 v33, v6;
	v40 =	vpop (erf)  }
0xfd: {  	v19 =	vor.u32 v2, v19;
	v37 =	vmul.f32 v37, v6;
	[tilespmem:v34+s26+$0x0] =	vst.idx.add.f32.msk $0xffff, v40;
	(erf) = vpow2.f32 v35  }
0xfe: {  	v18 =	vor.u32 v2, v18;
	v34 =	vtrunc.f32 v36;
	(erf) = vpow2.f32 v23  }
0xff: {  	v17 =	vor.u32 v2, v17;
	v23 =	vtrunc.f32 v25;
	(erf) = vpow2.f32 v38  }
0x100: {  	v20 =	vor.u32 v2, v20;
	v25 =	vtrunc.f32 v27;
	(erf) = vpow2.f32 v39  }
0x101: {  	v27 =	vtrunc.f32 v14;
	(erf) = vpow2.f32 v29;
	v29 =	vor.u32 v2, v16  }
.Ltmp2:
0x102: {  	v14 =	vor.u32 v2, v21;
	v16 =	vtrunc.f32 v31;
	(erf) = vpow2.f32 v15;
	[tilespmem:v19+s26+$0x0] =	vst.idx.add.f32.msk $0xffff, v13;
	(pc) =	sbr.rel @p1 .LBB2_7-.Ltmp2, $4  }
0x103: {  	v21 =	vtrunc.f32 v33;
	v15 =	vor.u32 v2, v22;
	(erf) = vpow2.f32 v32;
	[tilespmem:v18+s26+$0x0] =	vst.idx.add.f32.msk $0xffff, v24  }
0x104: {  	v19 =	vcvt.f32.s32 v34;
	v22 =	vtrunc.f32 v37;
	[tilespmem:v17+s26+$0x0] =	vst.idx.add.f32.msk $0xffff, v26  }
0x105: {  	v18 =	vcvt.f32.s32 v23;
	v17 =	vcvt.f32.s32 v25;
	[tilespmem:v20+s26+$0x0] =	vst.idx.add.f32.msk $0xffff, v28  }
0x106: {  	s3 =	sadd.s32 $0x80, s3;
	v16 =	vcvt.f32.s32 v16;
	vm4 =	vgt.s32 v19, $0x0;
	v20 =	vcvt.f32.s32 v27;
	v13 =	vpop (erf);
	[tilespmem:v29+s26+$0x0] =	vst.idx.add.f32.msk $0xffff, v30  }
0x107: {  	vm5 =	vgt.s32 v18, $0x0;
	v21 =	vcvt.f32.s32 v21  }
0x108: {  	v22 =	vcvt.f32.s32 v22;
	vm6 =	vgt.s32 v17, $0x0;
	v19 =	vnsel vm4, $0x0, v19  }
0x109: {  	vm7 =	vgt.s32 v20, $0x0;
	vm8 =	vgt.s32 v16, $0x0;
	v18 =	vnsel vm5, $0x0, v18  }
0x10a: {  	v19 =	vmin.u32 v19, $0xFFF;
	v17 =	vnsel vm6, $0x0, v17;
	vm4 =	vgt.s32 v21, $0x0  }
0x10b: {  	vm9 =	vgt.s32 v22, $0x0;
	v18 =	vmin.u32 v18, $0xFFF;
	v19 =	vor.u32 v2, v19  }
0x10c: {  	v20 =	vnsel vm7, $0x0, v20;
	v17 =	vmin.u32 v17, $0xFFF;
	v18 =	vor.u32 v2, v18  }
0x10d: {  	v16 =	vnsel vm8, $0x0, v16;
	v20 =	vmin.u32 v20, $0xFFF;
	v17 =	vor.u32 v2, v17  }
0x10e: {  	[tilespmem:v14+s26+$0x0] =	vst.idx.add.f32.msk $0xffff, v12;
	v21 =	vnsel vm4, $0x0, v21;
	v54 =	vmin.u32 v16, $0xFFF;
	v55 =	vor.u32 v2, v20  }
0x10f: {  	[tilespmem:v15+s26+$0x0] =	vst.idx.add.f32.msk $0xffff, v11;
	v56 =	vnsel vm9, $0x0, v22;
	v11 =	vmin.u32 v21, $0xFFF;
	v12 =	vor.u32 v2, v54  }
0x110: {  	v57 =	vpop (erf);
	v16 =	vmin.u32 v56, $0xFFF;
	v11 =	vor.u32 v2, v11;
	[tilespmem:v19+s26+$0x0] =	vst.idx.add.f32.msk $0xffff, v13  }
0x111: {  	v58 =	vpop (erf);
	v59 =	vor.u32 v2, v16;
	[tilespmem:v18+s26+$0x0] =	vst.idx.add.f32.msk $0xffff, v57  }
.Ltmp3:
0x112: {  	v60 =	vpop (erf);
	[tilespmem:v17+s26+$0x0] =	vst.idx.add.f32.msk $0xffff, v58;
	(pc) =	sbr.rel @p0 .LBB2_9-.Ltmp3, $4  }
0x113: {  	v61 =	vpop (erf);
	[tilespmem:v55+s26+$0x0] =	vst.idx.add.f32.msk $0xffff, v60  }
0x114: {  	v62 =	vpop (erf);
	[tilespmem:v12+s26+$0x0] =	vst.idx.add.f32.msk $0xffff, v61  }
0x115: {  	v63 =	vpop (erf);
	[tilespmem:v11+s26+$0x0] =	vst.idx.add.f32.msk $0xffff, v62  }
0x116: {  	[tilespmem:v59+s26+$0x0] =	vst.idx.add.f32.msk $0xffff, v63  }
0x117: {  	s1 =	smul.u32 $0x6000, s0  }
.Ltmp4:
0x118: {  	_ = 	snop;
	(pc) =	sbr.rel .LBB2_4-.Ltmp4, $4  }
0x119: {  	s1 =	sadd.s32 s1, s8  }
0x11a: {  	s1 =	sshrl.u32 s1, $0x3  }
0x11b: {  	s0 =	sadd.s32 $0x1, s0;
	s1 =	sadd.s32 s6, s1  }
0x11c: {  	[tilespmem:s4], [sflag:$0x2] =	stream.linear.gather [hbm4b:s1+s7], $0x3000, $0x38;
	[tilespmem:$0x17380] =	vst v63  }
.LBB2_9:
0x11d: {  	s3 =	simm.s32 $0x6000  }
0x11e: {  	s1 =	simm.s32 $0x0;
	v11 =	vld [tilespmem:s3+$0x0]  }
0x11f: {  	s1 =	sand.u32 $0xFF0, s1  }
0x120: {  	v12 =	vld [tilespmem:s1+$0x7000];
	_ =	sdelay $0x1  }
0x121: {  	v13 =	vld [tilespmem:s1+$0x8000]  }
0x122: {  	v11 =	vadd.f32 $0.0e+00, v11  }
0x123: {  	v14 =	vld [tilespmem:s1+$0x9000]  }
0x124: {  	v11 =	vadd.f32 v12, v11  }
0x125: {  	v12 =	vld [tilespmem:s1+$0xA000]  }
0x126: {  	v11 =	vadd.f32 v13, v11  }
0x127: {  	v13 =	vld [tilespmem:s1+$0xB000]  }
0x128: {  	v11 =	vadd.f32 v14, v11  }
0x129: {  	v14 =	vld [tilespmem:s1+$0xC000]  }
0x12a: {  	v11 =	vadd.f32 v12, v11  }
0x12b: {  	v12 =	vld [tilespmem:s1+$0xD000]  }
0x12c: {  	v11 =	vadd.f32 v13, v11  }
0x12d: {  	v13 =	vld [tilespmem:s1+$0xE000]  }
0x12e: {  	v11 =	vadd.f32 v14, v11  }
0x12f: {  	v14 =	vld [tilespmem:s1+$0xF000]  }
0x130: {  	v11 =	vadd.f32 v12, v11  }
0x131: {  	v12 =	vld [tilespmem:s1+$0x10000]  }
0x132: {  	v11 =	vadd.f32 v13, v11  }
0x133: {  	v13 =	vld [tilespmem:s1+$0x11000]  }
0x134: {  	v11 =	vadd.f32 v14, v11  }
0x135: {  	v14 =	vld [tilespmem:s1+$0x12000]  }
0x136: {  	v11 =	vadd.f32 v12, v11  }
0x137: {  	v12 =	vld [tilespmem:s1+$0x13000]  }
0x138: {  	v11 =	vadd.f32 v13, v11  }
0x139: {  	v13 =	vld [tilespmem:s1+$0x14000]  }
0x13a: {  	v11 =	vadd.f32 v14, v11  }
0x13b: {  	v14 =	vld [tilespmem:s1+$0x15000]  }
0x13c: {  	v11 =	vadd.f32 v12, v11;
	_ =	sdelay $0x1  }
0x13d: {  	v11 =	vadd.f32 v13, v11;
	_ =	sdelay $0x1  }
0x13e: {  	v11 =	vadd.f32 v14, v11  }
0x13f: {  	s2 =	simm.s32 $0x16000  }
0x140: {  	s3 =	simm.s32 $0x6010;
	[tilespmem:s2+$0x0] =	vst v11  }
0x141: {  	s31 =	simm.s32 $0x10;
	(xrf2) =	vadd.scan.msk.f32 $0xffff, v11;
	v11 =	vld [tilespmem:s3+$0x0]  }
0x142: {  	s5 =	sand.u32 $0xFF0, s31  }
0x143: {  	v12 =	vld [tilespmem:s5+$0x7000];
	_ =	sdelay $0x1  }
0x144: {  	v13 =	vld [tilespmem:s5+$0x8000]  }
0x145: {  	v11 =	vadd.f32 $0.0e+00, v11;
	_ =	sdelay $0x1  }
0x146: {  	v14 =	vld [tilespmem:s5+$0x9000];
	v11 =	vadd.f32 v12, v11;
	_ =	sdelay $0x1  }
0x147: {  	v13 =	vadd.f32 v13, v11;
	v11 =	vld [tilespmem:s5+$0xA000]  }
0x148: {  	v15, _, _ =	vpop (xrf2)  }
0x149: {  	v12 =	vld [tilespmem:s5+$0xB000];
	(v2sf) =	vpush v15, $0xF  }
0x14a: {  	s0 =	simm.f32 $0.0e+00;
	s4 =	simm.s32 $0x20;
	s1 =	simm.s32 $0x30;
	v13 =	vadd.f32 v14, v13  }
.LBB2_10:
0x14b: {  	p0 =	sne.s32 s1, $0xFF0;
	v14 =	vld [tilespmem:s5+$0xC000]  }
0x14c: {  	v11 =	vadd.f32 v11, v13  }
0x14d: {  	v13 =	vld [tilespmem:s5+$0xD000]  }
0x14e: {  	v11 =	vadd.f32 v12, v11  }
0x14f: {  	v12 =	vld [tilespmem:s5+$0xE000]  }
0x150: {  	v11 =	vadd.f32 v14, v11  }
0x151: {  	v14 =	vld [tilespmem:s5+$0xF000]  }
0x152: {  	v11 =	vadd.f32 v13, v11  }
0x153: {  	v13 =	vld [tilespmem:s5+$0x10000]  }
0x154: {  	v11 =	vadd.f32 v12, v11  }
0x155: {  	v12 =	vld [tilespmem:s5+$0x11000]  }
0x156: {  	v11 =	vadd.f32 v14, v11  }
0x157: {  	v14 =	vld [tilespmem:s5+$0x12000]  }
0x158: {  	v11 =	vadd.f32 v13, v11;
	s6 =	spop (v2sf)  }
0x159: {  	v13 =	vld [tilespmem:s5+$0x13000];
	s0 =	sadd.f32 s6, s0  }
0x15a: {  	v11 =	vadd.f32 v12, v11  }
0x15b: {  	v12 =	vld [tilespmem:s5+$0x14000]  }
0x15c: {  	v11 =	vadd.f32 v14, v11  }
0x15d: {  	v14 =	vld [tilespmem:s5+$0x15000]  }
0x15e: {  	v11 =	vadd.f32 v13, v11;
	_ =	sdelay $0x1  }
0x15f: {  	v11 =	vadd.f32 v12, v11;
	_ =	sdelay $0x1  }
0x160: {  	v11 =	vadd.f32 v14, v11  }
0x161: {  	s2 =	sadd.s32 $0x10, s2  }
0x162: {  	s3 =	sadd.s32 $0x10, s3;
	[tilespmem:s2+$0x0] =	vst v11;
	(xrf2) =	vadd.scan.msk.f32 $0xffff, v11  }
0x163: {  	v11 =	vld [tilespmem:s3+$0x0]  }
0x164: {  	s5 =	sand.u32 $0xFF0, s4;
	s4 =	smov.u32 s1  }
0x165: {  	v12 =	vld [tilespmem:s5+$0x7000];
	_ =	sdelay $0x1  }
0x166: {  	v13 =	vld [tilespmem:s5+$0x8000]  }
0x167: {  	v11 =	vadd.f32 $0.0e+00, v11  }
0x168: {  	v14 =	vld [tilespmem:s5+$0x9000]  }
.Ltmp5:
0x169: {  	v12 =	vadd.f32 v12, v11;
	(pc) =	sbr.rel @p0 .LBB2_10-.Ltmp5, $4  }
0x16a: {  	v11 =	vld [tilespmem:s5+$0xA000]  }
0x16b: {  	v13 =	vadd.f32 v13, v12;
	v15, _, _ =	vpop (xrf2)  }
0x16c: {  	v12 =	vld [tilespmem:s5+$0xB000];
	(v2sf) =	vpush v15, $0xF  }
0x16d: {  	s1 =	sadd.s32 $0x10, s1;
	v13 =	vadd.f32 v14, v13  }
0x16e: {  	v14 =	vld [tilespmem:s5+$0xC000]  }
0x16f: {  	v11 =	vadd.f32 v11, v13  }
0x170: {  	v13 =	vld [tilespmem:s5+$0xD000]  }
0x171: {  	v11 =	vadd.f32 v12, v11  }
0x172: {  	v12 =	vld [tilespmem:s5+$0xE000]  }
0x173: {  	v11 =	vadd.f32 v14, v11  }
0x174: {  	v14 =	vld [tilespmem:s5+$0xF000]  }
0x175: {  	v11 =	vadd.f32 v13, v11  }
0x176: {  	v13 =	vld [tilespmem:s5+$0x10000]  }
0x177: {  	v11 =	vadd.f32 v12, v11  }
0x178: {  	v12 =	vld [tilespmem:s5+$0x11000]  }
0x179: {  	v11 =	vadd.f32 v14, v11  }
0x17a: {  	v14 =	vld [tilespmem:s5+$0x12000]  }
0x17b: {  	v11 =	vadd.f32 v13, v11  }
0x17c: {  	v13 =	vld [tilespmem:s5+$0x13000]  }
0x17d: {  	v11 =	vadd.f32 v12, v11  }
0x17e: {  	v12 =	vld [tilespmem:s5+$0x14000]  }
0x17f: {  	v11 =	vadd.f32 v14, v11  }
0x180: {  	v14 =	vld [tilespmem:s5+$0x15000]  }
0x181: {  	v11 =	vadd.f32 v13, v11;
	_ =	sdelay $0x1  }
0x182: {  	v11 =	vadd.f32 v12, v11;
	_ =	sdelay $0x1  }
0x183: {  	v11 =	vadd.f32 v14, v11  }
0x184: {  	s1 =	sadd.s32 $0x10, s2  }
0x185: {  	s11 =	sadd.s32 $0x10, s3;
	[tilespmem:s1+$0x0] =	vst v11  }
0x186: {  	v12 =	vld [tilespmem:s11+$0x0]  }
0x187: {  	s12 =	sand.u32 $0xFF0, s4  }
0x188: {  	v13 =	vld [tilespmem:s12+$0x7000];
	_ =	sdelay $0x1  }
0x189: {  	v14 =	vld [tilespmem:s12+$0x8000]  }
0x18a: {  	v12 =	vadd.f32 $0.0e+00, v12  }
0x18b: {  	v15 =	vld [tilespmem:s12+$0x9000]  }
0x18c: {  	v12 =	vadd.f32 v13, v12  }
0x18d: {  	v13 =	vld [tilespmem:s12+$0xA000]  }
0x18e: {  	v12 =	vadd.f32 v14, v12  }
0x18f: {  	v14 =	vld [tilespmem:s12+$0xB000]  }
0x190: {  	v12 =	vadd.f32 v15, v12  }
0x191: {  	v15 =	vld [tilespmem:s12+$0xC000]  }
0x192: {  	v12 =	vadd.f32 v13, v12  }
0x193: {  	v13 =	vld [tilespmem:s12+$0xD000]  }
0x194: {  	v12 =	vadd.f32 v14, v12  }
0x195: {  	v14 =	vld [tilespmem:s12+$0xE000]  }
0x196: {  	v12 =	vadd.f32 v15, v12  }
0x197: {  	v15 =	vld [tilespmem:s12+$0xF000]  }
0x198: {  	v12 =	vadd.f32 v13, v12  }
0x199: {  	v13 =	vld [tilespmem:s12+$0x10000]  }
0x19a: {  	v12 =	vadd.f32 v14, v12  }
0x19b: {  	v14 =	vld [tilespmem:s12+$0x11000]  }
0x19c: {  	v12 =	vadd.f32 v15, v12  }
0x19d: {  	v15 =	vld [tilespmem:s12+$0x12000]  }
0x19e: {  	v12 =	vadd.f32 v13, v12  }
0x19f: {  	v13 =	vld [tilespmem:s12+$0x13000]  }
0x1a0: {  	v12 =	vadd.f32 v14, v12  }
0x1a1: {  	v14 =	vld [tilespmem:s12+$0x14000]  }
0x1a2: {  	v12 =	vadd.f32 v15, v12  }
0x1a3: {  	v15 =	vld [tilespmem:s12+$0x15000]  }
0x1a4: {  	v12 =	vadd.f32 v13, v12;
	_ =	sdelay $0x1  }
0x1a5: {  	v12 =	vadd.f32 v14, v12;
	_ =	sdelay $0x1  }
0x1a6: {  	(xrf2) =	vadd.scan.msk.f32 $0xffff, v11;
	v11 =	vadd.f32 v15, v12;
	_ =	sdelay $0x1  }
0x1a7: {  	(xrf2) =	vadd.scan.msk.f32 $0xffff, v11;
	_ =	sdelay $0x4  }
0x1a8: {  	v7 =	vnsel vm0, $0xFF800000, v7  }
0x1a9: {  	(xrf0) =	vmax.scan.msk.f32 $0xffff, v7;
	s1 =	sadd.s32 $0x10, s1  }
0x1aa: {  	s13 =	simm.s32 $0x16FF0;
	[tilespmem:s1+$0x0] =	vst v11  }
0x1ab: {  	v7, _, _ =	vpop (xrf2);
	v11 =	vld [tilespmem:s13+$0x0]  }
0x1ac: {  	(v2sf) =	vpush v7, $0xF  }
0x1ad: {  	v7, _, _ =	vpop (xrf2)  }
0x1ae: {  	(v2sf) =	vpush v7, $0xF  }
0x1af: {  	v7, _, _ =	vpop (xrf0)  }
0x1b0: {  	(xrf2) =	vadd.scan.msk.f32 $0xffff, v11;
	(v2sf) =	vpush v7, $0xF;
	_ =	sdelay $0x1  }
0x1b1: {  	s14 =	simm.s32 $0x16FE0  }
0x1b2: {  	v12 =	vld [tilespmem:s14+$0x0];
	_ =	sdelay $0x4  }
0x1b3: {  	(xrf2) =	vadd.scan.msk.f32 $0xffff, v12  }
0x1b4: {  	s15 =	spop (v2sf)  }
0x1b5: {  	s0 =	sadd.f32 s15, s0;
	v13, _, _ =	vpop (xrf2)  }
0x1b6: {  	s16 =	spop (v2sf);
	v7 =	vbroadcast v13, $0xF  }
0x1b7: {  	s0 =	sadd.f32 s16, s0  }
0x1b8: {  	(v2sf) =	vpush v13, $0xF;
	v7 =	vsub.f32 v7, v13;
	s17 =	spop (v2sf)  }
0x1b9: {  	s31 =	simm.f32 $0.0e+00;
	s18 =	simm.s32 $0x16FD0;
	s0 =	sadd.f32 s17, s0  }
0x1ba: {  	v14 =	vld [tilespmem:s18+$0x0];
	v7 =	vadd.f32 s31, v7;
	s19 =	spop (v2sf)  }
0x1bb: {  	s0 =	smul.f32 s0, s19  }
0x1bc: {  	v11 =	vadd.f32 v7, v11  }
0x1bd: {  	v15, _, _ =	vpop (xrf2);
	v7 =	vmov s0  }
0x1be: {  	(v2sf) =	vpush v15, $0xF;
	vm4 =	vgt.f32 v11, v7  }
0x1bf: {  	(xrf2) =	vadd.scan.msk.f32 $0xffff, v14;
	v11 =	vsel vm4, $0x1, v3  }
0x1c0: {  	(xrf0) =	vadd.scan.msk.s32 $0xffff, v11;
	_ =	sdelay $0x5  }
0x1c1: {  	v16 =	vbroadcast v15, $0xF;
	v11, _, _ =	vpop (xrf0)  }
0x1c2: {  	s20 =	spop (v2sf);
	(v2sf) =	vpush v11, $0xF  }
0x1c3: {  	s21 =	simm.s32 $0x16FC0;
	s6 =	sadd.f32 s20, s31;
	v11 =	vsub.f32 v16, v15  }
0x1c4: {  	v16 =	vld [tilespmem:s21+$0x0]  }
0x1c5: {  	v17, _, _ =	vpop (xrf2);
	v11 =	vadd.f32 s6, v11  }
0x1c6: {  	(v2sf) =	vpush v17, $0xF  }
0x1c7: {  	v11 =	vadd.f32 v11, v12;
	v12 =	vbroadcast v17, $0xF  }
0x1c8: {  	s8 =	spop (v2sf)  }
0x1c9: {  	s0 =	sadd.f32 s8, s6;
	(xrf2) =	vadd.scan.msk.f32 $0xffff, v16;
	vm4 =	vgt.f32 v11, v7;
	v11 =	vsub.f32 v12, v17;
	_ =	sdelay $0x1  }
0x1ca: {  	v12 =	vsel vm4, $0x1, v3;
	v11 =	vadd.f32 s0, v11  }
0x1cb: {  	(xrf0) =	vadd.scan.msk.s32 $0xffff, v12  }
0x1cc: {  	v11 =	vadd.f32 v11, v14;
	_ =	sdelay $0x1  }
0x1cd: {  	vm4 =	vgt.f32 v11, v7  }
0x1ce: {  	v11 =	vsel vm4, $0x1, v3  }
0x1cf: {  	s11 =	spop (v2sf)  }
0x1d0: {  	v12, _, _ =	vpop (xrf0);
	s23 =	sadd.s32 $0xFFFFFFFF, s11  }
0x1d1: {  	s22 =	simm.s32 $0x16FB0;
	(xrf0) =	vadd.scan.msk.s32 $0xffff, v11;
	(v2sf) =	vpush v12, $0xF;
	v11, _, _ =	vpop (xrf2);
	v12 =	vmov s23  }
0x1d2: {  	v18 =	vld [tilespmem:s22+$0x0];
	vm4 =	veq.s32 v12, v1;
	v12 =	vbroadcast v11, $0xF  }
0x1d3: {  	s7 =	spop (v2sf);
	v13 =	vnsel vm4, $0xFF800000, v13  }
0x1d4: {  	(v2sf) =	vpush v11, $0xF;
	s3 =	sadd.f32 s7, s0;
	(xrf0) =	vmax.scan.msk.f32 $0xffff, v13;
	v12 =	vsub.f32 v12, v11;
	_ =	sdelay $0x1  }
0x1d5: {  	v12 =	vadd.f32 s3, v12  }
0x1d6: {  	(xrf2) =	vadd.scan.msk.f32 $0xffff, v18  }
0x1d7: {  	v13, _, _ =	vpop (xrf0);
	v12 =	vadd.f32 v12, v16  }
0x1d8: {  	(v2sf) =	vpush v13, $0xF  }
0x1d9: {  	v13, _, _ =	vpop (xrf0);
	vm4 =	vgt.f32 v12, v7  }
0x1da: {  	(v2sf) =	vpush v13, $0xF;
	v13 =	vsel vm4, $0x1, v3  }
0x1db: {  	(xrf0) =	vadd.scan.msk.s32 $0xffff, v13  }
0x1dc: {  	s24 =	simm.s32 $0x16FA0  }
0x1dd: {  	v19 =	vld [tilespmem:s24+$0x0];
	_ =	sdelay $0x2  }
0x1de: {  	v12, _, _ =	vpop (xrf2);
	s23 =	spop (v2sf)  }
0x1df: {  	(v2sf) =	vpush v12, $0xF;
	v13 =	vbroadcast v12, $0xF;
	s29 =	sadd.s32 $0xFFFFFFFF, s23;
	v16, _, _ =	vpop (xrf0)  }
0x1e0: {  	(xrf2) =	vadd.scan.msk.f32 $0xffff, v19;
	s12 =	spop (v2sf);
	(v2sf) =	vpush v16, $0xF;
	v16 =	vmov s29  }
0x1e1: {  	v13 =	vsub.f32 v13, v12;
	s4 =	sadd.f32 s12, s3;
	vm4 =	veq.s32 v16, v1  }
0x1e2: {  	v15 =	vnsel vm4, $0xFF800000, v15  }
0x1e3: {  	v13 =	vadd.f32 s4, v13;
	(xrf0) =	vmax.scan.msk.f32 $0xffff, v15;
	_ =	sdelay $0x1  }
0x1e4: {  	s25 =	simm.s32 $0x16F90;
	v13 =	vadd.f32 v13, v18;
	s10 =	spop (v2sf)  }
0x1e5: {  	v14 =	vld [tilespmem:s25+$0x0];
	s30 =	sadd.s32 $0xFFFFFFFF, s10  }
0x1e6: {  	vm4 =	vgt.f32 v13, v7;
	v15 =	vmov s30  }
0x1e7: {  	v16 =	vsel vm4, $0x1, v3;
	vm4 =	veq.s32 v15, v1  }
0x1e8: {  	(xrf0) =	vadd.scan.msk.s32 $0xffff, v16;
	v16 =	vnsel vm4, $0xFF800000, v17;
	v17, _, _ =	vpop (xrf0)  }
0x1e9: {  	v13, _, _ =	vpop (xrf2);
	(v2sf) =	vpush v17, $0xF  }
0x1ea: {  	(xrf2) =	vadd.scan.msk.f32 $0xffff, v14;
	(v2sf) =	vpush v13, $0xF  }
0x1eb: {  	(xrf0) =	vmax.scan.msk.f32 $0xffff, v16  }
0x1ec: {  	s13 =	spop (v2sf);
	v15 =	vbroadcast v13, $0xF  }
0x1ed: {  	p0 =	por $0x0, $0x0;
	s2 =	simm.s32 $0x0;
	s16 =	spop (v2sf)  }
0x1ee: {  	s9 =	simm.s32 $0xF9F;
	s24 =	simm.s32 $0x16F80;
	v15 =	vsub.f32 v15, v13;
	s5 =	sadd.f32 s16, s4  }
0x1ef: {  	p2 =	por !p0, !p0;
	p1 =	sgt.s32 s11, $0x0;
	v16 =	vld [tilespmem:s24+$0x0];
	s1 =	ssub.f32 s20, s13  }
0x1f0: {  	s15 =	simm.s32 $0xF8F;
	s17 =	simm.s32 $0xFAF;
	p2 =	por !p1, !p2;
	v15 =	vadd.f32 s5, v15;
	v17, _, _ =	vpop (xrf0)  }
0x1f1: {  	s19 =	simm.s32 $0xFBF;
	p2 =	por !p2, !p2;
	s1 =	sadd.f32 s1, s31;
	(v2sf) =	vpush v17, $0xF;
	v17, _, _ =	vpop (xrf0)  }
0x1f2: {  	s22 =	sadd.s32 $0xFDF, s23;
	s21 =	sadd.s32 $0xFCF, s10;
	s13 =	sadd.s32 $0xFEF, s11;
	v18 =	vadd.f32 v15, v19;
	(v2sf) =	vpush v17, $0xF  }
0x1f3: {  	s11 =	simm.s32 $0xF7F;
	s2 =	smov.u32 @p2 s13;
	s31 =	smov.u32 @p2 s1  }
0x1f4: {  	s1 =	simm.s32 $0xF6F;
	s20 =	smov.u32 s5;
	(xrf2) =	vadd.scan.msk.f32 $0xffff, v16;
	s18 =	spop (v2sf);
	v15, _, _ =	vpop (xrf2);
	vm4 =	vgt.f32 v18, v7  }
.LBB2_12:
0x1f5: {  	p2 =	sne.s32 s1, $0xFFFFFFFF;
	s13 =	sadd.s32 $0xFFFFFFFF, s18;
	s14 =	sadd.s32 s19, s18  }
0x1f6: {  	(v2sf) =	vpush v15, $0xF;
	v17 =	vsel vm4, $0x1, v3;
	s19 =	smov.u32 s17;
	s17 =	smov.u32 s9;
	s9 =	smov.u32 s15  }
0x1f7: {  	s15 =	smov.u32 s11;
	s11 =	smov.u32 s1;
	(xrf0) =	vadd.scan.msk.s32 $0xffff, v17;
	v17 =	vmov s13;
	s13 =	smov.u32 s10  }
0x1f8: {  	s10 =	smov.u32 s18;
	vm4 =	veq.s32 v17, v1;
	s25 =	spop (v2sf)  }
0x1f9: {  	p0 =	por p0, p1;
	v17 =	vbroadcast v15, $0xF;
	s18 =	spop (v2sf);
	v18 =	vnsel vm4, $0xFF800000, v11;
	s8 =	ssub.f32 s8, s25;
	v11 =	vmovc v12;
	v12 =	vmovc v13;
	v13 =	vmov v15  }
0x1fa: {  	p1 =	sgt.s32 s23, $0x0;
	p3 =	por !p0, !p0;
	s5 =	sadd.f32 s18, s5;
	(xrf0) =	vmax.scan.msk.f32 $0xffff, v18  }
0x1fb: {  	s24 =	sadd.s32 $0xFFFFFFF0, s24;
	p3 =	por !p1, !p3;
	v19 =	vsub.f32 v17, v13;
	s6 =	sadd.f32 s8, s6  }
0x1fc: {  	p3 =	por !p3, !p3;
	s8 =	smov.u32 s7;
	s7 =	smov.u32 s12;
	v17 =	vld [tilespmem:s24+$0x0]  }
.Ltmp6:
0x1fd: {  	s2 =	smov.u32 @p3 s22;
	v18 =	vadd.f32 s5, v19;
	v15, _, _ =	vpop (xrf0);
	s31 =	smov.u32 @p3 s6;
	(pc) =	sbr.rel @p2 .LBB2_12-.Ltmp6, $4  }
0x1fe: {  	s22 =	smov.u32 s21;
	s21 =	smov.u32 s14;
	s12 =	smov.u32 s16;
	(v2sf) =	vpush v15, $0xF  }
0x1ff: {  	s16 =	smov.u32 s18;
	s6 =	smov.u32 s0;
	s0 =	smov.u32 s3;
	v18 =	vadd.f32 v18, v14;
	v14 =	vmov v16;
	v15, _, _ =	vpop (xrf2)  }
0x200: {  	s3 =	smov.u32 s4;
	s4 =	smov.u32 s20;
	s20 =	smov.u32 s5;
	v16, _, _ =	vpop (xrf0)  }
0x201: {  	s1 =	sadd.s32 $0xFFFFFFF0, s1;
	s23 =	smov.u32 s13;
	vm4 =	vgt.f32 v18, v7;
	(xrf2) =	vadd.scan.msk.f32 $0xffff, v17;
	s18 =	spop (v2sf);
	(v2sf) =	vpush v16, $0xF;
	v16 =	vmov v17  }
0x202: {  	(v2sf) =	vpush v15, $0xF;
	_ =	sdelay $0xa  }
0x203: {  	s1 =	spop (v2sf)  }
0x204: {  	s13 =	spop (v2sf)  }
0x205: {  	v17 =	vbroadcast v15, $0xF;
	v18, _, _ =	vpop (xrf2);
	s14 =	spop (v2sf)  }
0x206: {  	s29 =	sadd.f32 s13, s5;
	v19 =	vbroadcast v18, $0xF;
	s24 =	spop (v2sf)  }
0x207: {  	v17 =	vsub.f32 v17, v15;
	s25 =	spop (v2sf)  }
0x208: {  	s30 =	sadd.s32 $0xFFFFFFFF, s18;
	v19 =	vsub.f32 v19, v18;
	s5 =	sadd.f32 s25, s29  }
0x209: {  	v20 =	vsel vm4, $0x1, v3;
	v21 =	vmov s30;
	v17 =	vadd.f32 s29, v17  }
0x20a: {  	(xrf0) =	vadd.scan.msk.s32 $0xffff, v20;
	vm4 =	veq.s32 v21, v1;
	v59 =	vadd.f32 s5, v19  }
0x20b: {  	v11 =	vnsel vm4, $0xFF800000, v11;
	v14 =	vadd.f32 v17, v14  }
0x20c: {  	[dreg:$0x18] =	wrdreg s13;
	(xrf0) =	vmax.scan.msk.f32 $0xffff, v11;
	s13 =	sadd.s32 $0xFFFFFFFF, s14;
	v11 =	vadd.f32 v59, v16  }
0x20d: {  	vm4 =	vgt.f32 v14, v7;
	v60 =	vmov s13  }
0x20e: {  	v14 =	vsel vm4, $0x1, v3;
	vm4 =	veq.s32 v60, v1  }
0x20f: {  	(xrf0) =	vadd.scan.msk.s32 $0xffff, v14;
	v12 =	vnsel vm4, $0xFF800000, v12;
	vm4 =	vgt.f32 v11, v7  }
0x210: {  	v61 =	vsel vm4, $0x1, v3;
	v11, _, _ =	vpop (xrf0);
	(xrf0) =	vmax.scan.msk.f32 $0xffff, v12  }
0x211: {  	(xrf0) =	vadd.scan.msk.s32 $0xffff, v61  }
0x212: {  	(v2sf) =	vpush v11, $0xF  }
0x213: {  	v11, _, _ =	vpop (xrf0)  }
0x214: {  	(v2sf) =	vpush v11, $0xF  }
0x215: {  	v11, _, _ =	vpop (xrf0);
	(v2sf) =	vpush v18, $0xF  }
0x216: {  	(v2sf) =	vpush v11, $0xF;
	v11, _, _ =	vpop (xrf0)  }
0x217: {  	(v2sf) =	vpush v11, $0xF;
	v11, _, _ =	vpop (xrf0)  }
0x218: {  	(v2sf) =	vpush v11, $0xF;
	_ =	sdelay $0x8  }
0x219: {  	[dreg:$0x16] =	wrdreg s25;
	s25 =	spop (v2sf)  }
0x21a: {  	[dreg:$0x1e] =	wrdreg s24;
	s24 =	sadd.s32 $0xFFFFFFFF, s25  }
0x21b: {  	[dreg:$0x15] =	wrdreg s5;
	s5 =	spop (v2sf);
	v11 =	vmov s24  }
0x21c: {  	s30 =	spop (v2sf);
	vm4 =	veq.s32 v11, v1  }
0x21d: {  	[dreg:$0x1f] =	wrdreg s1;
	s1 =	spop (v2sf);
	v11 =	vnsel vm4, $0xFF800000, v13  }
0x21e: {  	s13 =	sadd.s32 $0xFFFFFFFF, s1;
	(xrf0) =	vmax.scan.msk.f32 $0xffff, v11;
	s24 =	spop (v2sf)  }
0x21f: {  	v11 =	vmov s13;
	s13 =	spop (v2sf)  }
0x220: {  	[dreg:$0x1c] =	wrdreg s30;
	s30 =	sadd.s32 $0xFFFFFFFF, s13  }
0x221: {  	vm4 =	veq.s32 v11, v1;
	v11 =	vmov s30  }
0x222: {  	v62 =	vnsel vm4, $0xFF800000, v15;
	vm4 =	veq.s32 v11, v1  }
0x223: {  	(xrf0) =	vmax.scan.msk.f32 $0xffff, v62;
	v63 =	vnsel vm4, $0xFF800000, v18  }
0x224: {  	v11, _, _ =	vpop (xrf0);
	(xrf0) =	vmax.scan.msk.f32 $0xffff, v63  }
0x225: {  	p2 =	sgt.s32 s23, $0x0  }
0x226: {  	p0 =	por p0, p1;
	p6 =	sgt.s32 s10, $0x0;
	s10 =	rddreg [dreg:$0x1e]  }
0x227: {  	p5 =	sgt.s32 s18, $0x0;
	p3 =	por !p0, !p0;
	s7 =	ssub.f32 s7, s10;
	(v2sf) =	vpush v11, $0xF  }
0x228: {  	p0 =	por p0, p2;
	p2 =	por !p2, !p3;
	s23 =	rddreg [dreg:$0x16]  }
0x229: {  	p4 =	por !p0, !p0;
	p0 =	por p0, p6;
	s0 =	sadd.f32 s7, s0;
	v11, _, _ =	vpop (xrf0)  }
0x22a: {  	p2 =	por !p2, !p2;
	p3 =	por !p6, !p4;
	s30 =	rddreg [dreg:$0x1f];
	(v2sf) =	vpush v11, $0xF;
	v11, _, _ =	vpop (xrf0)  }
0x22b: {  	p6 =	por !p0, !p0;
	p0 =	por p0, p5;
	s8 =	ssub.f32 s8, s30;
	(v2sf) =	vpush v11, $0xF  }
0x22c: {  	s2 =	smov.u32 @p2 s22;
	p4 =	por !p5, !p6;
	s5 =	ssub.f32 s12, s5  }
0x22d: {  	p6 =	por !p0, !p0;
	p5 =	sgt.s32 s14, $0x0;
	s6 =	sadd.f32 s8, s6  }
0x22e: {  	p0 =	por p0, p5;
	s7 =	sadd.s32 s17, s14;
	s30 =	rddreg [dreg:$0x15]  }
0x22f: {  	s31 =	smov.u32 @p2 s6;
	p2 =	por !p3, !p3;
	s6 =	sadd.s32 s19, s18  }
0x230: {  	s18 =	ssub.f32 s16, s24;
	s2 =	smov.u32 @p2 s21;
	s31 =	smov.u32 @p2 s0  }
0x231: {  	s0 =	sadd.f32 s5, s3;
	p2 =	por !p4, !p4;
	p4 =	por !p5, !p6  }
0x232: {  	s21 =	rddreg [dreg:$0x18];
	p5 =	sgt.s32 s25, $0x0;
	p6 =	por !p0, !p0  }
0x233: {  	s5 =	sadd.s32 s11, s13;
	s2 =	smov.u32 @p2 s6;
	p3 =	por !p5, !p6  }
0x234: {  	p0 =	por p0, p5;
	p6 =	sgt.s32 s13, $0x0;
	s31 =	smov.u32 @p2 s0  }
0x235: {  	s0 =	sadd.f32 s18, s4;
	p2 =	por !p4, !p4;
	p4 =	sgt.s32 s1, $0x0  }
0x236: {  	p5 =	por !p0, !p0;
	s2 =	smov.u32 @p2 s7;
	s19 =	spop (v2sf)  }
0x237: {  	p0 =	por p0, p4;
	s31 =	smov.u32 @p2 s0;
	s3 =	ssub.f32 s21, s19  }
0x238: {  	s0 =	sadd.s32 s9, s25;
	p2 =	por !p3, !p3;
	s25 =	rddreg [dreg:$0x1c]  }
0x239: {  	p0 =	por !p0, !p0;
	s22 =	spop (v2sf);
	s3 =	sadd.f32 s3, s20  }
0x23a: {  	s2 =	smov.u32 @p2 s0;
	s0 =	ssub.f32 s23, s22;
	s24 =	spop (v2sf)  }
0x23b: {  	s4 =	sadd.s32 s15, s1;
	p0 =	por !p6, !p0;
	s1 =	ssub.f32 s25, s24  }
0x23c: {  	s31 =	smov.u32 @p2 s3;
	p2 =	por !p4, !p5;
	s0 =	sadd.f32 s0, s29  }
0x23d: {  	p0 =	por !p0, !p0;
	p2 =	por !p2, !p2;
	s1 =	sadd.f32 s1, s30  }
0x23e: {  	s2 =	smov.u32 @p2 s4;
	s31 =	smov.u32 @p2 s0;
	s0 =	simm.s32 $0x0  }
0x23f: {  	s2 =	smov.u32 @p0 s5;
	s31 =	smov.u32 @p0 s1;
	s1 =	simm.s32 $0x40  }
.LBB2_14:
0x240: {  	p0 =	sne.s32 s1, $0x3FFC0;
	[tilespmem:s0+$0x6000] =	vst v0;
	s0 =	smov.u32 s1;
	s1 =	sadd.s32 $0x40, s1  }
.Ltmp7:
0x241: {  	(pc) =	sbr.rel @p0 .LBB2_14-.Ltmp7, $2  }
0x242: {  	_ =	sdelay $0x2  }
0x243: {  	s0 =	sshra.s32 s0, $0x2  }
0x244: {  	v9 =	vnsel vm0, $0xFF800000, v9  }
0x245: {  	(xrf0) =	vmax.scan.msk.f32 $0xffff, v9;
	_ =	sdelay $0x5  }
0x246: {  	(v2sf) =	vpush v10, $0xF;
	v9, _, _ =	vpop (xrf0)  }
0x247: {  	(v2sf) =	vpush v9, $0xF;
	_ =	sdelay $0xb  }
0x248: {  	v8 =	vnsel vm0, $0xFF800000, v8;
	s29 =	rddreg [dreg:$0x9]  }
0x249: {  	s4 =	scvt.s32.f32 s2;
	s30 =	rddreg [dreg:$0xa];
	(xrf0) =	vmax.scan.msk.f32 $0xffff, v8  }
0x24a: {  	s5 =	rddreg [dreg:$0x0];
	s1 =	spop (v2sf)  }
0x24b: {  	s7 =	rddreg [dreg:$0xb];
	s3 =	spop (v2sf)  }
0x24c: {  	[tilespmem:s0+$0x6000] =	vst v0;
	[dreg:$0x10] =	wrdreg s4;
	s25 =	smul.f32 s4, s3;
	s4 =	simm.s32 $0x0  }
0x24d: {  	[tilespmem:s4], [sflag:$0x1] =	stream.linear.gather [hbm4b:s29+s4], $0x3000, $0x38;
	[tilespmem:$0x17380] =	vst v63  }
0x24e: {  	s9 =	simm.s32 $0x3000;
	s0 =	sadd.f32 s25, s1  }
0x24f: {  	s6 =	simm.s32 $0x0;
	s8 =	rddreg [dreg:$0xc];
	s10 =	simm.s32 $0x1;
	v9, _, _ =	vpop (xrf0)  }
0x250: {  	v10 =	vmov s2;
	v9 =	vbroadcast v9, $0xF;
	[tilespmem:s9], [sflag:$0x2] =	stream.linear.gather [hbm4b:s30+s4], $0x3000, $0x38;
	v8 =	vmov s0;
	[tilespmem:$0x17380] =	vst v63  }
.LBB2_16:
0x251: {  	_ =	swait.ge [sflag:s10], $0x3000  }
0x252: {  	[sflag:s10] =	ssyncset.done $0x0  }
0x253: {  	s0 =	simm.s32 $0x40;
	[sflag:s10] =	ssyncadd.s32 $0xFFFFD000  }
0x254: {  	v11 =	vld [tilespmem:s0+$0x30]  }
0x255: {  	v12 =	vld [tilespmem:s0+$0xFFFFFFD0]  }
0x256: {  	v13 =	vld [tilespmem:s0+$0xFFFFFFE0]  }
0x257: {  	v14 =	vld [tilespmem:s0+$0xFFFFFFF0]  }
0x258: {  	v15 =	vld [tilespmem:s0+$0x0]  }
0x259: {  	v16 =	vld [tilespmem:s0+$0x10]  }
0x25a: {  	v19 =	vld [tilespmem:s0+$0x20]  }
0x25b: {  	v21 =	vld [tilespmem:s0+$0xFFFFFFC0];
	v17 =	vsub.f32 v11, v4  }
0x25c: {  	v18 =	vsub.f32 v12, v5;
	v20 =	vsub.f32 v11, v8  }
0x25d: {  	v22 =	vsub.f32 v13, v5;
	v11 =	vsub.f32 v11, v5  }
0x25e: {  	v23 =	vsub.f32 v12, v4;
	v24 =	vsub.f32 v14, v5  }
0x25f: {  	v25 =	vsub.f32 v15, v5;
	v26 =	vsub.f32 v16, v5  }
0x260: {  	v27 =	vsub.f32 v19, v5;
	v28 =	vsub.f32 v21, v5  }
0x261: {  	v29 =	vsub.f32 v21, v4;
	v30 =	vsub.f32 v14, v4  }
0x262: {  	v31 =	vsub.f32 v15, v4;
	v17 =	vmul.f32 v17, v6;
	v20 =	vmul.f32 v20, v9  }
0x263: {  	v32 =	vsub.f32 v16, v4;
	v11 =	vmul.f32 $1.442695020e+00, v11;
	v28 =	vmul.f32 $1.442695020e+00, v28  }
0x264: {  	v33 =	vsub.f32 v19, v4;
	v18 =	vmul.f32 $1.442695020e+00, v18;
	v22 =	vmul.f32 $1.442695020e+00, v22  }
0x265: {  	v21 =	vsub.f32 v21, v8;
	v24 =	vmul.f32 $1.442695020e+00, v24;
	v25 =	vmul.f32 $1.442695020e+00, v25  }
0x266: {  	v12 =	vsub.f32 v12, v8;
	v26 =	vmul.f32 $1.442695020e+00, v26;
	v27 =	vmul.f32 $1.442695020e+00, v27  }
0x267: {  	v14 =	vsub.f32 v14, v8;
	v29 =	vmul.f32 v29, v6;
	v23 =	vmul.f32 v23, v6  }
0x268: {  	v15 =	vsub.f32 v15, v8;
	v30 =	vmul.f32 v30, v6;
	v31 =	vmul.f32 v31, v6  }
0x269: {  	v16 =	vsub.f32 v16, v8;
	v32 =	vmul.f32 v32, v6;
	v21 =	vmul.f32 v21, v9  }
0x26a: {  	v19 =	vsub.f32 v19, v8;
	v33 =	vmul.f32 v33, v6;
	v12 =	vmul.f32 v12, v9  }
0x26b: {  	v14 =	vmul.f32 v14, v9;
	v15 =	vmul.f32 v15, v9  }
0x26c: {  	v16 =	vmul.f32 v16, v9;
	v19 =	vmul.f32 v19, v9  }
0x26d: {  	v17 =	vtrunc.f32 v17;
	v20 =	vtrunc.f32 v20  }
0x26e: {  	(erf) = vpow2.f32 v11;
	v29 =	vtrunc.f32 v29  }
0x26f: {  	v23 =	vtrunc.f32 v23;
	v21 =	vtrunc.f32 v21  }
0x270: {  	v12 =	vtrunc.f32 v12;
	v14 =	vtrunc.f32 v14  }
0x271: {  	v15 =	vtrunc.f32 v15;
	v16 =	vtrunc.f32 v16  }
0x272: {  	v11 =	vsub.f32 v13, v4;
	v17 =	vcvt.f32.s32 v17;
	v20 =	vcvt.f32.s32 v20  }
0x273: {  	v13 =	vsub.f32 v13, v8;
	(erf) = vpow2.f32 v28;
	v28 =	vcvt.f32.s32 v23  }
0x274: {  	v23 =	vcvt.f32.s32 v14;
	v11 =	vmul.f32 v11, v6  }
0x275: {  	v13 =	vmul.f32 v13, v9;
	(erf) = vpow2.f32 v18  }
0x276: {  	v18 =	vtrunc.f32 v30;
	(erf) = vpow2.f32 v22;
	vm4 =	vgt.s32 v17, $0x0  }
0x277: {  	v22 =	vtrunc.f32 v31;
	v62 =	vcvt.f32.s32 v18;
	vm11 =	vgt.s32 v28, $0x0  }
0x278: {  	vm9 =	vgt.s32 v23, $0x0;
	v11 =	vtrunc.f32 v11;
	(erf) = vpow2.f32 v24  }
0x279: {  	v17 =	vnsel vm4, $0x0, v17;
	v24 =	vtrunc.f32 v32;
	v13 =	vtrunc.f32 v13  }
0x27a: {  	vm4 =	vgt.s32 v20, $0x0;
	v63 =	vcvt.f32.s32 v22;
	v22 =	vcvt.f32.s32 v21  }
0x27b: {  	v28 =	vnsel vm11, $0x0, v28;
	(erf) = vpow2.f32 v25;
	v25 =	vtrunc.f32 v33  }
0x27c: {  	v17 =	vmin.u32 v17, $0xFFF;
	v30 =	vcvt.f32.s32 v11;
	(erf) = vpow2.f32 v26  }
0x27d: {  	v20 =	vnsel vm4, $0x0, v20;
	v18 =	vcvt.f32.s32 v24;
	(erf) = vpow2.f32 v27  }
0x27e: {  	v21 =	vcvt.f32.s32 v13;
	vm15 =	vgt.s32 v62, $0x0;
	v24 =	vcvt.f32.s32 v15  }
0x27f: {  	v20 =	vmin.u32 v20, $0xFFF;
	vm13 =	veq.s32 v17, v10;
	v17 =	vcvt.f32.s32 v29;
	v31 =	vpop (erf)  }
0x280: {  	v26 =	vtrunc.f32 v19;
	v19 =	vcvt.f32.s32 v25;
	vm1 =	vgt.s32 v63, $0x0;
	v11 =	vpop (erf)  }
0x281: {  	v25 =	vcvt.f32.s32 v16;
	v29 =	vor.u32 v2, v20;
	v20 =	vcvt.f32.s32 v12;
	v12 =	vpop (erf)  }
0x282: {  	vm12 =	vgt.s32 v22, $0x0;
	vm14 =	vgt.s32 v30, $0x0;
	vm4 =	vgt.s32 v18, $0x0;
	v13 =	vpop (erf)  }
0x283: {  	v26 =	vcvt.f32.s32 v26;
	vm7 =	vgt.s32 v21, $0x0;
	vm8 =	vgt.s32 v24, $0x0;
	v14 =	vpop (erf)  }
0x284: {  	vm10 =	vgt.s32 v17, $0x0;
	vm5 =	vgt.s32 v19, $0x0;
	vm6 =	vgt.s32 v20, $0x0;
	v15 =	vpop (erf)  }
0x285: {  	v27 =	vnsel vm10, $0x0, v17;
	vm10 =	vgt.s32 v25, $0x0;
	vm11 =	vgt.s32 v26, $0x0;
	v16 =	vpop (erf)  }
0x286: {  	s2 =	simm.s32 $0x0;
	s3 =	simm.s32 $0xC0;
	[tilespmem:v29+s26+$0x0] =	vst.idx.add.f32.msk vm13, v31;
	v31 =	vnsel vm14, $0x0, v30;
	v29 =	vnsel vm15, $0x0, v62;
	v30 =	vnsel vm1, $0x0, v63;
	v17 =	vpop (erf)  }
.LBB2_17:
0x287: {  	v32 =	vld [tilespmem:s3+$0x30];
	s2 =	sadd.s32 $0x8, s2;
	v22 =	vnsel vm12, $0x0, v22;
	v18 =	vnsel vm4, $0x0, v18;
	v19 =	vnsel vm5, $0x0, v19  }
0x288: {  	v20 =	vnsel vm6, $0x0, v20;
	v21 =	vnsel vm7, $0x0, v21;
	v23 =	vnsel vm9, $0x0, v23;
	v33 =	vld [tilespmem:s3+$0xFFFFFFD0];
	p0 =	slt.u32 s2, $0x2F8  }
0x289: {  	v24 =	vnsel vm8, $0x0, v24;
	v25 =	vnsel vm10, $0x0, v25;
	v26 =	vnsel vm11, $0x0, v26;
	v34 =	vld [tilespmem:s3+$0xFFFFFFE0]  }
0x28a: {  	v27 =	vmin.u32 v27, $0xFFF;
	v28 =	vmin.u32 v28, $0xFFF;
	v31 =	vmin.u32 v31, $0xFFF;
	v35 =	vld [tilespmem:s3+$0xFFFFFFF0]  }
0x28b: {  	v29 =	vmin.u32 v29, $0xFFF;
	v30 =	vmin.u32 v30, $0xFFF;
	v18 =	vmin.u32 v18, $0xFFF;
	v36 =	vld [tilespmem:s3+$0x0]  }
0x28c: {  	v22 =	vmin.u32 v22, $0xFFF;
	v19 =	vmin.u32 v19, $0xFFF;
	v37 =	vld [tilespmem:s3+$0x10];
	v38 =	vsub.f32 v32, v4  }
0x28d: {  	v20 =	vmin.u32 v20, $0xFFF;
	v41 =	vsub.f32 v32, v8;
	v39 =	vsub.f32 v33, v5;
	v40 =	vld [tilespmem:s3+$0x20]  }
0x28e: {  	v32 =	vsub.f32 v32, v5;
	v42 =	vld [tilespmem:s3+$0xFFFFFFC0];
	v43 =	vsub.f32 v34, v5;
	v38 =	vmul.f32 v38, v6  }
0x28f: {  	v44 =	vsub.f32 v33, v4;
	v41 =	vmul.f32 v41, v9;
	v45 =	vsub.f32 v35, v5  }
0x290: {  	v32 =	vmul.f32 $1.442695020e+00, v32;
	v46 =	vsub.f32 v36, v5;
	v38 =	vtrunc.f32 v38  }
0x291: {  	v41 =	vtrunc.f32 v41;
	v47 =	vsub.f32 v37, v5;
	v38 =	vcvt.f32.s32 v38  }
0x292: {  	v41 =	vcvt.f32.s32 v41;
	v48 =	vsub.f32 v40, v5;
	(erf) = vpow2.f32 v32  }
0x293: {  	v32 =	vsub.f32 v42, v5;
	v49 =	vsub.f32 v42, v4;
	vm1 =	vgt.s32 v38, $0x0  }
0x294: {  	v50 =	vsub.f32 v34, v4;
	v38 =	vnsel vm1, $0x0, v38;
	vm1 =	vgt.s32 v41, $0x0  }
0x295: {  	v51 =	vsub.f32 v35, v4;
	v38 =	vmin.u32 v38, $0xFFF;
	v41 =	vnsel vm1, $0x0, v41  }
0x296: {  	v52 =	vsub.f32 v36, v4;
	v41 =	vmin.u32 v41, $0xFFF;
	vm1 =	veq.s32 v38, v10  }
0x297: {  	v53 =	vsub.f32 v40, v4;
	v38 =	vsub.f32 v37, v4;
	v41 =	vor.u32 v2, v41  }
0x298: {  	v33 =	vsub.f32 v33, v8;
	v42 =	vsub.f32 v42, v8;
	v32 =	vmul.f32 $1.442695020e+00, v32  }
0x299: {  	v34 =	vsub.f32 v34, v8;
	v39 =	vmul.f32 $1.442695020e+00, v39;
	v35 =	vsub.f32 v35, v8  }
0x29a: {  	v43 =	vmul.f32 $1.442695020e+00, v43;
	v36 =	vsub.f32 v36, v8;
	v37 =	vsub.f32 v37, v8  }
0x29b: {  	v45 =	vmul.f32 $1.442695020e+00, v45;
	v46 =	vmul.f32 $1.442695020e+00, v46;
	v40 =	vsub.f32 v40, v8;
	v54 =	vpop (erf)  }
0x29c: {  	v21 =	vmin.u32 v21, $0xFFF;
	v47 =	vmul.f32 $1.442695020e+00, v47;
	v48 =	vmul.f32 $1.442695020e+00, v48;
	[tilespmem:v41+s26+$0x0] =	vst.idx.add.f32.msk vm1, v54  }
0x29d: {  	v23 =	vmin.u32 v23, $0xFFF;
	v44 =	vmul.f32 v44, v6;
	v41 =	vmul.f32 v49, v6  }
0x29e: {  	v24 =	vmin.u32 v24, $0xFFF;
	v49 =	vmul.f32 v50, v6;
	v50 =	vmul.f32 v51, v6  }
0x29f: {  	v25 =	vmin.u32 v25, $0xFFF;
	v38 =	vmul.f32 v38, v6;
	v51 =	vmul.f32 v52, v6  }
0x2a0: {  	v26 =	vmin.u32 v26, $0xFFF;
	v42 =	vmul.f32 v42, v9;
	v52 =	vmul.f32 v53, v6  }
0x2a1: {  	vm10 =	veq.s32 v27, v10;
	v33 =	vmul.f32 v33, v9;
	v34 =	vmul.f32 v34, v9  }
0x2a2: {  	vm9 =	veq.s32 v28, v10;
	v27 =	vmul.f32 v35, v9;
	v35 =	vmul.f32 v36, v9  }
0x2a3: {  	vm8 =	veq.s32 v31, v10;
	v36 =	vmul.f32 v40, v9;
	v28 =	vmul.f32 v37, v9  }
0x2a4: {  	vm7 =	veq.s32 v29, v10;
	v31 =	vtrunc.f32 v41;
	(erf) = vpow2.f32 v32  }
0x2a5: {  	vm6 =	veq.s32 v30, v10;
	v29 =	vtrunc.f32 v44;
	(erf) = vpow2.f32 v39  }
0x2a6: {  	vm5 =	veq.s32 v18, v10;
	v30 =	vtrunc.f32 v49;
	(erf) = vpow2.f32 v43  }
0x2a7: {  	vm4 =	veq.s32 v19, v10;
	v18 =	vtrunc.f32 v50;
	(erf) = vpow2.f32 v45  }
0x2a8: {  	v22 =	vor.u32 v2, v22;
	v19 =	vtrunc.f32 v51;
	(erf) = vpow2.f32 v46  }
0x2a9: {  	v20 =	vor.u32 v2, v20;
	v32 =	vtrunc.f32 v38;
	(erf) = vpow2.f32 v47  }
0x2aa: {  	v21 =	vor.u32 v2, v21;
	v37 =	vtrunc.f32 v52;
	(erf) = vpow2.f32 v48  }
0x2ab: {  	v23 =	vor.u32 v2, v23;
	v33 =	vtrunc.f32 v33;
	v38 =	vtrunc.f32 v42  }
0x2ac: {  	v24 =	vor.u32 v2, v24;
	v34 =	vtrunc.f32 v34;
	v27 =	vtrunc.f32 v27  }
0x2ad: {  	v25 =	vor.u32 v2, v25;
	v35 =	vtrunc.f32 v35;
	v28 =	vtrunc.f32 v28;
	[tilespmem:v22+s26+$0x0] =	vst.idx.add.f32.msk vm10, v11;
	v11 =	vpop (erf)  }
0x2ae: {  	v26 =	vor.u32 v2, v26;
	v36 =	vtrunc.f32 v36;
	v31 =	vcvt.f32.s32 v31;
	[tilespmem:v20+s26+$0x0] =	vst.idx.add.f32.msk vm9, v12;
	v12 =	vpop (erf)  }
0x2af: {  	v29 =	vcvt.f32.s32 v29;
	v30 =	vcvt.f32.s32 v30;
	[tilespmem:v21+s26+$0x0] =	vst.idx.add.f32.msk vm8, v13;
	v13 =	vpop (erf)  }
0x2b0: {  	v40 =	vcvt.f32.s32 v19;
	vm11 =	vgt.s32 v31, $0x0;
	v39 =	vcvt.f32.s32 v18;
	[tilespmem:v23+s26+$0x0] =	vst.idx.add.f32.msk vm7, v14;
	v14 =	vpop (erf)  }
0x2b1: {  	vm13 =	vgt.s32 v29, $0x0;
	v19 =	vcvt.f32.s32 v37;
	v18 =	vcvt.f32.s32 v32;
	[tilespmem:v24+s26+$0x0] =	vst.idx.add.f32.msk vm6, v15;
	v15 =	vpop (erf)  }
0x2b2: {  	vm1 =	vgt.s32 v30, $0x0;
	v22 =	vcvt.f32.s32 v38;
	v20 =	vcvt.f32.s32 v33;
	[tilespmem:v25+s26+$0x0] =	vst.idx.add.f32.msk vm5, v16;
	v16 =	vpop (erf)  }
0x2b3: {  	vm14 =	vgt.s32 v39, $0x0;
	v21 =	vcvt.f32.s32 v34;
	v23 =	vcvt.f32.s32 v27;
	[tilespmem:v26+s26+$0x0] =	vst.idx.add.f32.msk vm4, v17;
	v17 =	vpop (erf)  }
0x2b4: {  	vm15 =	vgt.s32 v40, $0x0;
	v24 =	vcvt.f32.s32 v35;
	v25 =	vcvt.f32.s32 v28  }
.Ltmp8:
0x2b5: {  	vm5 =	vgt.s32 v19, $0x0;
	vm4 =	vgt.s32 v18, $0x0;
	v26 =	vcvt.f32.s32 v36;
	(pc) =	sbr.rel @p0 .LBB2_17-.Ltmp8, $4  }
0x2b6: {  	vm12 =	vgt.s32 v22, $0x0;
	vm6 =	vgt.s32 v20, $0x0;
	vm7 =	vgt.s32 v21, $0x0  }
0x2b7: {  	vm9 =	vgt.s32 v23, $0x0;
	vm8 =	vgt.s32 v24, $0x0;
	vm10 =	vgt.s32 v25, $0x0  }
0x2b8: {  	v27 =	vnsel vm11, $0x0, v31;
	v28 =	vnsel vm13, $0x0, v29;
	vm11 =	vgt.s32 v26, $0x0  }
0x2b9: {  	s3 =	sadd.s32 $0x80, s3;
	v31 =	vnsel vm1, $0x0, v30;
	v30 =	vnsel vm15, $0x0, v40;
	v29 =	vnsel vm14, $0x0, v39  }
0x2ba: {  	v22 =	vnsel vm12, $0x0, v22;
	v18 =	vnsel vm4, $0x0, v18;
	v19 =	vnsel vm5, $0x0, v19  }
0x2bb: {  	v20 =	vnsel vm6, $0x0, v20;
	v21 =	vnsel vm7, $0x0, v21;
	v23 =	vnsel vm9, $0x0, v23  }
0x2bc: {  	v24 =	vnsel vm8, $0x0, v24;
	v25 =	vnsel vm10, $0x0, v25;
	v26 =	vnsel vm11, $0x0, v26  }
0x2bd: {  	v27 =	vmin.u32 v27, $0xFFF;
	v28 =	vmin.u32 v28, $0xFFF;
	v31 =	vmin.u32 v31, $0xFFF  }
0x2be: {  	v29 =	vmin.u32 v29, $0xFFF;
	v30 =	vmin.u32 v30, $0xFFF;
	v18 =	vmin.u32 v18, $0xFFF  }
0x2bf: {  	v22 =	vmin.u32 v22, $0xFFF;
	v19 =	vmin.u32 v19, $0xFFF;
	vm1 =	veq.s32 v27, v10  }
0x2c0: {  	v20 =	vmin.u32 v20, $0xFFF;
	vm4 =	veq.s32 v28, v10;
	v22 =	vor.u32 v2, v22  }
0x2c1: {  	v21 =	vmin.u32 v21, $0xFFF;
	vm5 =	veq.s32 v31, v10;
	v20 =	vor.u32 v2, v20  }
0x2c2: {  	v23 =	vmin.u32 v23, $0xFFF;
	vm6 =	veq.s32 v29, v10;
	v21 =	vor.u32 v2, v21  }
0x2c3: {  	v24 =	vmin.u32 v24, $0xFFF;
	vm7 =	veq.s32 v30, v10;
	v23 =	vor.u32 v2, v23  }
0x2c4: {  	v25 =	vmin.u32 v25, $0xFFF;
	vm8 =	veq.s32 v18, v10;
	v18 =	vor.u32 v2, v24  }
0x2c5: {  	v24 =	vmin.u32 v26, $0xFFF;
	vm9 =	veq.s32 v19, v10;
	[tilespmem:v22+s26+$0x0] =	vst.idx.add.f32.msk vm1, v11;
	v11 =	vor.u32 v2, v25  }
0x2c6: {  	p0 =	seq.s32 s4, $0x28;
	[tilespmem:v20+s26+$0x0] =	vst.idx.add.f32.msk vm4, v12;
	v12 =	vor.u32 v2, v24  }
0x2c7: {  	s0 =	smul.u32 @!p0 $0x6000, s4;
	[tilespmem:v21+s26+$0x0] =	vst.idx.add.f32.msk vm5, v13  }
0x2c8: {  	[tilespmem:v23+s26+$0x0] =	vst.idx.add.f32.msk vm6, v14  }
0x2c9: {  	s0 =	sadd.s32 @!p0 s0, s7;
	[tilespmem:v18+s26+$0x0] =	vst.idx.add.f32.msk vm7, v15  }
0x2ca: {  	s0 =	sshrl.u32 @!p0 s0, $0x3;
	[tilespmem:v11+s26+$0x0] =	vst.idx.add.f32.msk vm8, v16  }
0x2cb: {  	s1 =	simm.s32 @!p0 $0x0;
	s0 =	sadd.s32 @!p0 s5, s0;
	[tilespmem:v12+s26+$0x0] =	vst.idx.add.f32.msk vm9, v17  }
0x2cc: {  	[tilespmem:s1], [sflag:$0x1] =	stream.linear.gather @!p0 [hbm4b:s0+s1], $0x3000, $0x38;
	[tilespmem:$0x17380] =	vst v63  }
0x2cd: {  	_ =	swait.ge [sflag:s28], $0x3000  }
0x2ce: {  	[sflag:s28] =	ssyncset.done $0x0  }
0x2cf: {  	s30 =	simm.s32 $0x3040;
	[sflag:s28] =	ssyncadd.s32 $0xFFFFD000  }
0x2d0: {  	v11 =	vld [tilespmem:s30+$0x30]  }
0x2d1: {  	v12 =	vld [tilespmem:s30+$0xFFFFFFD0]  }
0x2d2: {  	v13 =	vld [tilespmem:s30+$0xFFFFFFE0]  }
0x2d3: {  	v14 =	vld [tilespmem:s30+$0xFFFFFFF0]  }
0x2d4: {  	v15 =	vld [tilespmem:s30+$0x0]  }
0x2d5: {  	v16 =	vld [tilespmem:s30+$0x10]  }
0x2d6: {  	v19 =	vld [tilespmem:s30+$0x20]  }
0x2d7: {  	v21 =	vld [tilespmem:s30+$0xFFFFFFC0];
	v17 =	vsub.f32 v11, v4  }
0x2d8: {  	v18 =	vsub.f32 v12, v5;
	v20 =	vsub.f32 v11, v8  }
0x2d9: {  	v22 =	vsub.f32 v13, v5;
	v11 =	vsub.f32 v11, v5  }
0x2da: {  	v23 =	vsub.f32 v12, v4;
	v24 =	vsub.f32 v14, v5  }
0x2db: {  	v25 =	vsub.f32 v15, v5;
	v26 =	vsub.f32 v16, v5  }
0x2dc: {  	v27 =	vsub.f32 v19, v5;
	v28 =	vsub.f32 v21, v5  }
0x2dd: {  	v29 =	vsub.f32 v21, v4;
	v30 =	vsub.f32 v14, v4  }
0x2de: {  	v31 =	vsub.f32 v15, v4;
	v17 =	vmul.f32 v17, v6;
	v20 =	vmul.f32 v20, v9  }
0x2df: {  	v32 =	vsub.f32 v16, v4;
	v11 =	vmul.f32 $1.442695020e+00, v11;
	v28 =	vmul.f32 $1.442695020e+00, v28  }
0x2e0: {  	v33 =	vsub.f32 v19, v4;
	v18 =	vmul.f32 $1.442695020e+00, v18;
	v22 =	vmul.f32 $1.442695020e+00, v22  }
0x2e1: {  	v21 =	vsub.f32 v21, v8;
	v24 =	vmul.f32 $1.442695020e+00, v24;
	v25 =	vmul.f32 $1.442695020e+00, v25  }
0x2e2: {  	v12 =	vsub.f32 v12, v8;
	v26 =	vmul.f32 $1.442695020e+00, v26;
	v27 =	vmul.f32 $1.442695020e+00, v27  }
0x2e3: {  	v14 =	vsub.f32 v14, v8;
	v29 =	vmul.f32 v29, v6;
	v23 =	vmul.f32 v23, v6  }
0x2e4: {  	v15 =	vsub.f32 v15, v8;
	v30 =	vmul.f32 v30, v6;
	v31 =	vmul.f32 v31, v6  }
0x2e5: {  	v16 =	vsub.f32 v16, v8;
	v32 =	vmul.f32 v32, v6;
	v21 =	vmul.f32 v21, v9  }
0x2e6: {  	v19 =	vsub.f32 v19, v8;
	v33 =	vmul.f32 v33, v6;
	v12 =	vmul.f32 v12, v9  }
0x2e7: {  	v14 =	vmul.f32 v14, v9;
	v15 =	vmul.f32 v15, v9  }
0x2e8: {  	v16 =	vmul.f32 v16, v9;
	v19 =	vmul.f32 v19, v9  }
0x2e9: {  	v17 =	vtrunc.f32 v17;
	v20 =	vtrunc.f32 v20  }
0x2ea: {  	(erf) = vpow2.f32 v11;
	v29 =	vtrunc.f32 v29  }
0x2eb: {  	v23 =	vtrunc.f32 v23;
	v21 =	vtrunc.f32 v21  }
0x2ec: {  	v12 =	vtrunc.f32 v12;
	v14 =	vtrunc.f32 v14  }
0x2ed: {  	v15 =	vtrunc.f32 v15;
	v16 =	vtrunc.f32 v16  }
0x2ee: {  	v11 =	vsub.f32 v13, v4;
	v17 =	vcvt.f32.s32 v17;
	v20 =	vcvt.f32.s32 v20  }
0x2ef: {  	v13 =	vsub.f32 v13, v8;
	(erf) = vpow2.f32 v28;
	v28 =	vcvt.f32.s32 v23  }
0x2f0: {  	v23 =	vcvt.f32.s32 v14;
	v11 =	vmul.f32 v11, v6  }
0x2f1: {  	v13 =	vmul.f32 v13, v9;
	(erf) = vpow2.f32 v18  }
0x2f2: {  	v18 =	vtrunc.f32 v30;
	(erf) = vpow2.f32 v22;
	vm1 =	vgt.s32 v17, $0x0  }
0x2f3: {  	v22 =	vtrunc.f32 v31;
	v62 =	vcvt.f32.s32 v18;
	vm11 =	vgt.s32 v28, $0x0  }
0x2f4: {  	vm9 =	vgt.s32 v23, $0x0;
	v11 =	vtrunc.f32 v11;
	(erf) = vpow2.f32 v24  }
0x2f5: {  	v17 =	vnsel vm1, $0x0, v17;
	v24 =	vtrunc.f32 v32;
	v13 =	vtrunc.f32 v13  }
0x2f6: {  	vm1 =	vgt.s32 v20, $0x0;
	v63 =	vcvt.f32.s32 v22;
	v22 =	vcvt.f32.s32 v21  }
0x2f7: {  	v28 =	vnsel vm11, $0x0, v28;
	(erf) = vpow2.f32 v25;
	v25 =	vtrunc.f32 v33  }
0x2f8: {  	v17 =	vmin.u32 v17, $0xFFF;
	v30 =	vcvt.f32.s32 v11;
	(erf) = vpow2.f32 v26  }
0x2f9: {  	v20 =	vnsel vm1, $0x0, v20;
	v18 =	vcvt.f32.s32 v24;
	(erf) = vpow2.f32 v27  }
0x2fa: {  	v21 =	vcvt.f32.s32 v13;
	vm15 =	vgt.s32 v62, $0x0;
	v24 =	vcvt.f32.s32 v15  }
0x2fb: {  	v20 =	vmin.u32 v20, $0xFFF;
	vm13 =	veq.s32 v17, v10;
	v17 =	vcvt.f32.s32 v29;
	v31 =	vpop (erf)  }
0x2fc: {  	v26 =	vtrunc.f32 v19;
	v19 =	vcvt.f32.s32 v25;
	vm2 =	vgt.s32 v63, $0x0;
	v11 =	vpop (erf)  }
0x2fd: {  	v25 =	vcvt.f32.s32 v16;
	v29 =	vor.u32 v2, v20;
	v20 =	vcvt.f32.s32 v12;
	v12 =	vpop (erf)  }
0x2fe: {  	vm12 =	vgt.s32 v22, $0x0;
	vm14 =	vgt.s32 v30, $0x0;
	vm4 =	vgt.s32 v18, $0x0;
	v13 =	vpop (erf)  }
0x2ff: {  	v26 =	vcvt.f32.s32 v26;
	vm7 =	vgt.s32 v21, $0x0;
	vm8 =	vgt.s32 v24, $0x0;
	v14 =	vpop (erf)  }
0x300: {  	vm1 =	vgt.s32 v17, $0x0;
	vm5 =	vgt.s32 v19, $0x0;
	vm10 =	vgt.s32 v25, $0x0;
	v15 =	vpop (erf)  }
0x301: {  	vm6 =	vgt.s32 v20, $0x0;
	v27 =	vnsel vm1, $0x0, v17;
	vm11 =	vgt.s32 v26, $0x0;
	v16 =	vpop (erf)  }
0x302: {  	s2 =	simm.s32 $0x0;
	s3 =	simm.s32 $0x30C0;
	[tilespmem:v29+s26+$0x0] =	vst.idx.add.f32.msk vm13, v31;
	v31 =	vnsel vm14, $0x0, v30;
	v29 =	vnsel vm15, $0x0, v62;
	v30 =	vnsel vm2, $0x0, v63;
	v17 =	vpop (erf)  }
.LBB2_19:
0x303: {  	v32 =	vld [tilespmem:s3+$0x30];
	s2 =	sadd.s32 $0x8, s2;
	v22 =	vnsel vm12, $0x0, v22;
	v18 =	vnsel vm4, $0x0, v18;
	v19 =	vnsel vm5, $0x0, v19  }
0x304: {  	v20 =	vnsel vm6, $0x0, v20;
	v21 =	vnsel vm7, $0x0, v21;
	v23 =	vnsel vm9, $0x0, v23;
	v33 =	vld [tilespmem:s3+$0xFFFFFFD0];
	p1 =	slt.u32 s2, $0x2F8  }
0x305: {  	v24 =	vnsel vm8, $0x0, v24;
	v25 =	vnsel vm10, $0x0, v25;
	v26 =	vnsel vm11, $0x0, v26;
	v34 =	vld [tilespmem:s3+$0xFFFFFFE0]  }
0x306: {  	v27 =	vmin.u32 v27, $0xFFF;
	v28 =	vmin.u32 v28, $0xFFF;
	v31 =	vmin.u32 v31, $0xFFF;
	v35 =	vld [tilespmem:s3+$0xFFFFFFF0]  }
0x307: {  	v29 =	vmin.u32 v29, $0xFFF;
	v30 =	vmin.u32 v30, $0xFFF;
	v18 =	vmin.u32 v18, $0xFFF;
	v36 =	vld [tilespmem:s3+$0x0]  }
0x308: {  	v22 =	vmin.u32 v22, $0xFFF;
	v19 =	vmin.u32 v19, $0xFFF;
	v37 =	vld [tilespmem:s3+$0x10];
	v38 =	vsub.f32 v32, v4  }
0x309: {  	v20 =	vmin.u32 v20, $0xFFF;
	v41 =	vsub.f32 v32, v8;
	v39 =	vsub.f32 v33, v5;
	v40 =	vld [tilespmem:s3+$0x20]  }
0x30a: {  	v32 =	vsub.f32 v32, v5;
	v42 =	vld [tilespmem:s3+$0xFFFFFFC0];
	v43 =	vsub.f32 v34, v5;
	v38 =	vmul.f32 v38, v6  }
0x30b: {  	v44 =	vsub.f32 v33, v4;
	v41 =	vmul.f32 v41, v9;
	v45 =	vsub.f32 v35, v5  }
0x30c: {  	v32 =	vmul.f32 $1.442695020e+00, v32;
	v46 =	vsub.f32 v36, v5;
	v38 =	vtrunc.f32 v38  }
0x30d: {  	v41 =	vtrunc.f32 v41;
	v47 =	vsub.f32 v37, v5;
	v38 =	vcvt.f32.s32 v38  }
0x30e: {  	v41 =	vcvt.f32.s32 v41;
	v48 =	vsub.f32 v40, v5;
	(erf) = vpow2.f32 v32  }
0x30f: {  	v32 =	vsub.f32 v42, v5;
	v49 =	vsub.f32 v42, v4;
	vm1 =	vgt.s32 v38, $0x0  }
0x310: {  	v50 =	vsub.f32 v34, v4;
	v38 =	vnsel vm1, $0x0, v38;
	vm1 =	vgt.s32 v41, $0x0  }
0x311: {  	v51 =	vsub.f32 v35, v4;
	v38 =	vmin.u32 v38, $0xFFF;
	v41 =	vnsel vm1, $0x0, v41  }
0x312: {  	v52 =	vsub.f32 v36, v4;
	v41 =	vmin.u32 v41, $0xFFF;
	vm1 =	veq.s32 v38, v10  }
0x313: {  	v53 =	vsub.f32 v40, v4;
	v38 =	vsub.f32 v37, v4;
	v41 =	vor.u32 v2, v41  }
0x314: {  	v33 =	vsub.f32 v33, v8;
	v42 =	vsub.f32 v42, v8;
	v32 =	vmul.f32 $1.442695020e+00, v32  }
0x315: {  	v34 =	vsub.f32 v34, v8;
	v39 =	vmul.f32 $1.442695020e+00, v39;
	v35 =	vsub.f32 v35, v8  }
0x316: {  	v43 =	vmul.f32 $1.442695020e+00, v43;
	v36 =	vsub.f32 v36, v8;
	v37 =	vsub.f32 v37, v8  }
0x317: {  	v45 =	vmul.f32 $1.442695020e+00, v45;
	v46 =	vmul.f32 $1.442695020e+00, v46;
	v40 =	vsub.f32 v40, v8;
	v54 =	vpop (erf)  }
0x318: {  	v21 =	vmin.u32 v21, $0xFFF;
	v47 =	vmul.f32 $1.442695020e+00, v47;
	v48 =	vmul.f32 $1.442695020e+00, v48;
	[tilespmem:v41+s26+$0x0] =	vst.idx.add.f32.msk vm1, v54  }
0x319: {  	v23 =	vmin.u32 v23, $0xFFF;
	v44 =	vmul.f32 v44, v6;
	v41 =	vmul.f32 v49, v6  }
0x31a: {  	v24 =	vmin.u32 v24, $0xFFF;
	v49 =	vmul.f32 v50, v6;
	v50 =	vmul.f32 v51, v6  }
0x31b: {  	v25 =	vmin.u32 v25, $0xFFF;
	v38 =	vmul.f32 v38, v6;
	v51 =	vmul.f32 v52, v6  }
0x31c: {  	v26 =	vmin.u32 v26, $0xFFF;
	v42 =	vmul.f32 v42, v9;
	v52 =	vmul.f32 v53, v6  }
0x31d: {  	vm10 =	veq.s32 v27, v10;
	v33 =	vmul.f32 v33, v9;
	v34 =	vmul.f32 v34, v9  }
0x31e: {  	vm9 =	veq.s32 v28, v10;
	v27 =	vmul.f32 v35, v9;
	v35 =	vmul.f32 v36, v9  }
0x31f: {  	vm8 =	veq.s32 v31, v10;
	v36 =	vmul.f32 v40, v9;
	v28 =	vmul.f32 v37, v9  }
0x320: {  	vm7 =	veq.s32 v29, v10;
	v31 =	vtrunc.f32 v41;
	(erf) = vpow2.f32 v32  }
0x321: {  	vm6 =	veq.s32 v30, v10;
	v29 =	vtrunc.f32 v44;
	(erf) = vpow2.f32 v39  }
0x322: {  	vm5 =	veq.s32 v18, v10;
	v30 =	vtrunc.f32 v49;
	(erf) = vpow2.f32 v43  }
0x323: {  	vm4 =	veq.s32 v19, v10;
	v18 =	vtrunc.f32 v50;
	(erf) = vpow2.f32 v45  }
0x324: {  	v22 =	vor.u32 v2, v22;
	v19 =	vtrunc.f32 v51;
	(erf) = vpow2.f32 v46  }
0x325: {  	v20 =	vor.u32 v2, v20;
	v32 =	vtrunc.f32 v38;
	(erf) = vpow2.f32 v47  }
0x326: {  	v21 =	vor.u32 v2, v21;
	v37 =	vtrunc.f32 v52;
	(erf) = vpow2.f32 v48  }
0x327: {  	v23 =	vor.u32 v2, v23;
	v33 =	vtrunc.f32 v33;
	v38 =	vtrunc.f32 v42  }
0x328: {  	v24 =	vor.u32 v2, v24;
	v34 =	vtrunc.f32 v34;
	v27 =	vtrunc.f32 v27  }
0x329: {  	v25 =	vor.u32 v2, v25;
	v35 =	vtrunc.f32 v35;
	v28 =	vtrunc.f32 v28;
	[tilespmem:v22+s26+$0x0] =	vst.idx.add.f32.msk vm10, v11;
	v11 =	vpop (erf)  }
0x32a: {  	v26 =	vor.u32 v2, v26;
	v36 =	vtrunc.f32 v36;
	v31 =	vcvt.f32.s32 v31;
	[tilespmem:v20+s26+$0x0] =	vst.idx.add.f32.msk vm9, v12;
	v12 =	vpop (erf)  }
0x32b: {  	v29 =	vcvt.f32.s32 v29;
	v30 =	vcvt.f32.s32 v30;
	[tilespmem:v21+s26+$0x0] =	vst.idx.add.f32.msk vm8, v13;
	v13 =	vpop (erf)  }
0x32c: {  	v40 =	vcvt.f32.s32 v19;
	vm11 =	vgt.s32 v31, $0x0;
	v39 =	vcvt.f32.s32 v18;
	[tilespmem:v23+s26+$0x0] =	vst.idx.add.f32.msk vm7, v14;
	v14 =	vpop (erf)  }
0x32d: {  	vm13 =	vgt.s32 v29, $0x0;
	v19 =	vcvt.f32.s32 v37;
	v18 =	vcvt.f32.s32 v32;
	[tilespmem:v24+s26+$0x0] =	vst.idx.add.f32.msk vm6, v15;
	v15 =	vpop (erf)  }
0x32e: {  	vm1 =	vgt.s32 v30, $0x0;
	v22 =	vcvt.f32.s32 v38;
	v20 =	vcvt.f32.s32 v33;
	[tilespmem:v25+s26+$0x0] =	vst.idx.add.f32.msk vm5, v16;
	v16 =	vpop (erf)  }
0x32f: {  	vm2 =	vgt.s32 v39, $0x0;
	v21 =	vcvt.f32.s32 v34;
	v23 =	vcvt.f32.s32 v27;
	[tilespmem:v26+s26+$0x0] =	vst.idx.add.f32.msk vm4, v17;
	v17 =	vpop (erf)  }
0x330: {  	vm14 =	vgt.s32 v40, $0x0;
	v24 =	vcvt.f32.s32 v35;
	v25 =	vcvt.f32.s32 v28  }
.Ltmp9:
0x331: {  	vm5 =	vgt.s32 v19, $0x0;
	vm4 =	vgt.s32 v18, $0x0;
	v26 =	vcvt.f32.s32 v36;
	(pc) =	sbr.rel @p1 .LBB2_19-.Ltmp9, $4  }
0x332: {  	vm12 =	vgt.s32 v22, $0x0;
	vm6 =	vgt.s32 v20, $0x0;
	vm7 =	vgt.s32 v21, $0x0  }
0x333: {  	vm9 =	vgt.s32 v23, $0x0;
	vm8 =	vgt.s32 v24, $0x0;
	vm10 =	vgt.s32 v25, $0x0  }
0x334: {  	v27 =	vnsel vm11, $0x0, v31;
	v28 =	vnsel vm13, $0x0, v29;
	vm11 =	vgt.s32 v26, $0x0  }
0x335: {  	s3 =	sadd.s32 $0x80, s3;
	v31 =	vnsel vm1, $0x0, v30;
	v30 =	vnsel vm14, $0x0, v40;
	v29 =	vnsel vm2, $0x0, v39  }
0x336: {  	v22 =	vnsel vm12, $0x0, v22;
	v18 =	vnsel vm4, $0x0, v18;
	v19 =	vnsel vm5, $0x0, v19  }
0x337: {  	v20 =	vnsel vm6, $0x0, v20;
	v21 =	vnsel vm7, $0x0, v21;
	v23 =	vnsel vm9, $0x0, v23  }
0x338: {  	v24 =	vnsel vm8, $0x0, v24;
	v25 =	vnsel vm10, $0x0, v25;
	v26 =	vnsel vm11, $0x0, v26  }
0x339: {  	v27 =	vmin.u32 v27, $0xFFF;
	v28 =	vmin.u32 v28, $0xFFF;
	v31 =	vmin.u32 v31, $0xFFF  }
0x33a: {  	v29 =	vmin.u32 v29, $0xFFF;
	v30 =	vmin.u32 v30, $0xFFF;
	v18 =	vmin.u32 v18, $0xFFF  }
0x33b: {  	v22 =	vmin.u32 v22, $0xFFF;
	v19 =	vmin.u32 v19, $0xFFF;
	vm1 =	veq.s32 v27, v10  }
0x33c: {  	v20 =	vmin.u32 v20, $0xFFF;
	vm2 =	veq.s32 v28, v10;
	v22 =	vor.u32 v2, v22  }
0x33d: {  	v21 =	vmin.u32 v21, $0xFFF;
	vm4 =	veq.s32 v31, v10;
	v20 =	vor.u32 v2, v20  }
0x33e: {  	v23 =	vmin.u32 v23, $0xFFF;
	vm5 =	veq.s32 v29, v10;
	v21 =	vor.u32 v2, v21  }
0x33f: {  	v24 =	vmin.u32 v24, $0xFFF;
	vm13 =	veq.s32 v30, v10;
	v23 =	vor.u32 v2, v23  }
0x340: {  	v62 =	vmin.u32 v26, $0xFFF;
	v61 =	vor.u32 v2, v24;
	vm15 =	veq.s32 v19, v10  }
0x341: {  	v25 =	vmin.u32 v25, $0xFFF;
	vm14 =	veq.s32 v18, v10;
	v63 =	vor.u32 v2, v62;
	[tilespmem:v22+s26+$0x0] =	vst.idx.add.f32.msk vm1, v11  }
0x342: {  	v11 =	vor.u32 v2, v25;
	[tilespmem:v20+s26+$0x0] =	vst.idx.add.f32.msk vm2, v12  }
.Ltmp10:
0x343: {  	[tilespmem:v21+s26+$0x0] =	vst.idx.add.f32.msk vm4, v13;
	(pc) =	sbr.rel @p0 .LBB2_21-.Ltmp10, $4  }
0x344: {  	[tilespmem:v23+s26+$0x0] =	vst.idx.add.f32.msk vm5, v14  }
0x345: {  	[tilespmem:v61+s26+$0x0] =	vst.idx.add.f32.msk vm13, v15  }
0x346: {  	[tilespmem:v63+s26+$0x0] =	vst.idx.add.f32.msk vm15, v17  }
0x347: {  	[tilespmem:v11+s26+$0x0] =	vst.idx.add.f32.msk vm14, v16  }
0x348: {  	s0 =	smul.u32 $0x6000, s4  }
.Ltmp11:
0x349: {  	_ = 	snop;
	(pc) =	sbr.rel .LBB2_16-.Ltmp11, $4  }
0x34a: {  	s0 =	sadd.s32 s0, s8  }
0x34b: {  	s0 =	sshrl.u32 s0, $0x3  }
0x34c: {  	s4 =	sadd.s32 $0x1, s4;
	s0 =	sadd.s32 s5, s0  }
0x34d: {  	[tilespmem:s9], [sflag:$0x2] =	stream.linear.gather [hbm4b:s0+s6], $0x3000, $0x38;
	[tilespmem:$0x17380] =	vst v63  }
.LBB2_21:
0x34e: {  	s2 =	simm.s32 $0x6000  }
0x34f: {  	s1 =	simm.s32 $0x0;
	v4 =	vld [tilespmem:s2+$0x0]  }
0x350: {  	s1 =	sand.u32 $0xFF0, s1  }
0x351: {  	v5 =	vld [tilespmem:s1+$0x7000];
	_ =	sdelay $0x1  }
0x352: {  	v6 =	vld [tilespmem:s1+$0x8000]  }
0x353: {  	v4 =	vadd.f32 $0.0e+00, v4  }
0x354: {  	v8 =	vld [tilespmem:s1+$0x9000]  }
0x355: {  	v4 =	vadd.f32 v5, v4  }
0x356: {  	v5 =	vld [tilespmem:s1+$0xA000]  }
0x357: {  	v4 =	vadd.f32 v6, v4  }
0x358: {  	v6 =	vld [tilespmem:s1+$0xB000]  }
0x359: {  	v4 =	vadd.f32 v8, v4  }
0x35a: {  	v8 =	vld [tilespmem:s1+$0xC000]  }
0x35b: {  	v4 =	vadd.f32 v5, v4  }
0x35c: {  	v5 =	vld [tilespmem:s1+$0xD000]  }
0x35d: {  	v4 =	vadd.f32 v6, v4  }
0x35e: {  	v6 =	vld [tilespmem:s1+$0xE000]  }
0x35f: {  	v4 =	vadd.f32 v8, v4  }
0x360: {  	v8 =	vld [tilespmem:s1+$0xF000]  }
0x361: {  	v4 =	vadd.f32 v5, v4  }
0x362: {  	v5 =	vld [tilespmem:s1+$0x10000]  }
0x363: {  	v4 =	vadd.f32 v6, v4  }
0x364: {  	v6 =	vld [tilespmem:s1+$0x11000]  }
0x365: {  	v4 =	vadd.f32 v8, v4  }
0x366: {  	v8 =	vld [tilespmem:s1+$0x12000]  }
0x367: {  	v4 =	vadd.f32 v5, v4  }
0x368: {  	v5 =	vld [tilespmem:s1+$0x13000]  }
0x369: {  	v4 =	vadd.f32 v6, v4  }
0x36a: {  	v6 =	vld [tilespmem:s1+$0x14000]  }
0x36b: {  	v4 =	vadd.f32 v8, v4  }
0x36c: {  	v8 =	vld [tilespmem:s1+$0x15000]  }
0x36d: {  	v4 =	vadd.f32 v5, v4;
	_ =	sdelay $0x1  }
0x36e: {  	v4 =	vadd.f32 v6, v4;
	_ =	sdelay $0x1  }
0x36f: {  	v4 =	vadd.f32 v8, v4  }
0x370: {  	s0 =	simm.s32 $0x16000  }
0x371: {  	s1 =	simm.s32 $0x6010;
	[tilespmem:s0+$0x0] =	vst v4  }
0x372: {  	s3 =	simm.s32 $0x20;
	s2 =	simm.s32 $0x10;
	v4 =	vld [tilespmem:s1+$0x0]  }
.LBB2_22:
0x373: {  	p0 =	seq.s32 s3, $0xFF0;
	s4 =	sand.u32 $0xFF0, s2;
	s2 =	smov.u32 s3  }
0x374: {  	v5 =	vld [tilespmem:s4+$0x7000];
	_ =	sdelay $0x1  }
0x375: {  	v6 =	vld [tilespmem:s4+$0x8000]  }
0x376: {  	v4 =	vadd.f32 $0.0e+00, v4  }
0x377: {  	v8 =	vld [tilespmem:s4+$0x9000]  }
0x378: {  	v4 =	vadd.f32 v5, v4  }
0x379: {  	v5 =	vld [tilespmem:s4+$0xA000]  }
0x37a: {  	v4 =	vadd.f32 v6, v4  }
0x37b: {  	v6 =	vld [tilespmem:s4+$0xB000]  }
0x37c: {  	v4 =	vadd.f32 v8, v4  }
0x37d: {  	v8 =	vld [tilespmem:s4+$0xC000]  }
0x37e: {  	v4 =	vadd.f32 v5, v4  }
0x37f: {  	v5 =	vld [tilespmem:s4+$0xD000]  }
0x380: {  	v4 =	vadd.f32 v6, v4  }
0x381: {  	v6 =	vld [tilespmem:s4+$0xE000]  }
0x382: {  	v4 =	vadd.f32 v8, v4  }
0x383: {  	v8 =	vld [tilespmem:s4+$0xF000]  }
0x384: {  	v4 =	vadd.f32 v5, v4  }
0x385: {  	v5 =	vld [tilespmem:s4+$0x10000]  }
0x386: {  	v4 =	vadd.f32 v6, v4  }
0x387: {  	v6 =	vld [tilespmem:s4+$0x11000]  }
0x388: {  	v4 =	vadd.f32 v8, v4  }
0x389: {  	v8 =	vld [tilespmem:s4+$0x12000]  }
0x38a: {  	v4 =	vadd.f32 v5, v4  }
0x38b: {  	v5 =	vld [tilespmem:s4+$0x13000]  }
0x38c: {  	v4 =	vadd.f32 v6, v4  }
0x38d: {  	v6 =	vld [tilespmem:s4+$0x14000]  }
0x38e: {  	v4 =	vadd.f32 v8, v4  }
0x38f: {  	v8 =	vld [tilespmem:s4+$0x15000]  }
0x390: {  	v4 =	vadd.f32 v5, v4;
	_ =	sdelay $0x1  }
0x391: {  	v4 =	vadd.f32 v6, v4  }
.Ltmp12:
0x392: {  	(pc) =	sbr.rel @!p0 .LBB2_22-.Ltmp12, $4  }
0x393: {  	v4 =	vadd.f32 v8, v4  }
0x394: {  	s0 =	sadd.s32 $0x10, s0  }
0x395: {  	s1 =	sadd.s32 $0x10, s1;
	[tilespmem:s0+$0x0] =	vst v4  }
0x396: {  	s3 =	sadd.s32 $0x10, s3;
	v4 =	vld [tilespmem:s1+$0x0]  }
0x397: {  	s1 =	sand.u32 $0xFF0, s2  }
0x398: {  	v5 =	vld [tilespmem:s1+$0x7000];
	_ =	sdelay $0x1  }
0x399: {  	v6 =	vld [tilespmem:s1+$0x8000]  }
0x39a: {  	v4 =	vadd.f32 $0.0e+00, v4  }
0x39b: {  	v8 =	vld [tilespmem:s1+$0x9000]  }
0x39c: {  	v4 =	vadd.f32 v5, v4  }
0x39d: {  	v5 =	vld [tilespmem:s1+$0xA000]  }
0x39e: {  	v4 =	vadd.f32 v6, v4  }
0x39f: {  	v6 =	vld [tilespmem:s1+$0xB000]  }
0x3a0: {  	v4 =	vadd.f32 v8, v4  }
0x3a1: {  	v8 =	vld [tilespmem:s1+$0xC000]  }
0x3a2: {  	v4 =	vadd.f32 v5, v4  }
0x3a3: {  	v5 =	vld [tilespmem:s1+$0xD000]  }
0x3a4: {  	v4 =	vadd.f32 v6, v4  }
0x3a5: {  	v6 =	vld [tilespmem:s1+$0xE000]  }
0x3a6: {  	v4 =	vadd.f32 v8, v4  }
0x3a7: {  	v8 =	vld [tilespmem:s1+$0xF000]  }
0x3a8: {  	v4 =	vadd.f32 v5, v4  }
0x3a9: {  	v5 =	vld [tilespmem:s1+$0x10000]  }
0x3aa: {  	v4 =	vadd.f32 v6, v4  }
0x3ab: {  	v6 =	vld [tilespmem:s1+$0x11000]  }
0x3ac: {  	v4 =	vadd.f32 v8, v4  }
0x3ad: {  	v8 =	vld [tilespmem:s1+$0x12000]  }
0x3ae: {  	v4 =	vadd.f32 v5, v4  }
0x3af: {  	v5 =	vld [tilespmem:s1+$0x13000]  }
0x3b0: {  	v4 =	vadd.f32 v6, v4  }
0x3b1: {  	v6 =	vld [tilespmem:s1+$0x14000]  }
0x3b2: {  	v4 =	vadd.f32 v8, v4  }
0x3b3: {  	v8 =	vld [tilespmem:s1+$0x15000]  }
0x3b4: {  	v4 =	vadd.f32 v5, v4;
	_ =	sdelay $0x1  }
0x3b5: {  	v4 =	vadd.f32 v6, v4;
	_ =	sdelay $0x1  }
0x3b6: {  	v4 =	vadd.f32 v8, v4  }
0x3b7: {  	s0 =	sadd.s32 $0x10, s0  }
0x3b8: {  	s13 =	simm.s32 $0x16FF0;
	[tilespmem:s0+$0x0] =	vst v4  }
0x3b9: {  	v5 =	vld [tilespmem:s13+$0x0];
	_ =	sdelay $0x4  }
0x3ba: {  	(xrf2) =	vadd.scan.msk.f32 $0xffff, v5;
	_ =	sdelay $0x5  }
0x3bb: {  	s14 =	simm.s32 $0x16FE0  }
0x3bc: {  	v11 =	vld [tilespmem:s14+$0x0];
	_ =	sdelay $0x2  }
0x3bd: {  	v10, _, _ =	vpop (xrf2)  }
0x3be: {  	(v2sf) =	vpush v10, $0xF  }
0x3bf: {  	(xrf2) =	vadd.scan.msk.f32 $0xffff, v11  }
0x3c0: {  	v6 =	vbroadcast v10, $0xF;
	_ =	sdelay $0x1  }
0x3c1: {  	v6 =	vsub.f32 v6, v10  }
0x3c2: {  	s12 =	simm.f32 $0.0e+00  }
0x3c3: {  	v6 =	vadd.f32 s12, v6  }
0x3c4: {  	s15 =	simm.s32 $0x16FD0  }
0x3c5: {  	v12 =	vld [tilespmem:s15+$0x0];
	v6 =	vadd.f32 v6, v5  }
0x3c6: {  	v4 =	vmov s31  }
0x3c7: {  	v6 =	vadd.f32 v6, v4  }
0x3c8: {  	v13, _, _ =	vpop (xrf2)  }
0x3c9: {  	vm1 =	vgt.f32 v6, v7;
	(v2sf) =	vpush v13, $0xF  }
0x3ca: {  	(xrf2) =	vadd.scan.msk.f32 $0xffff, v12;
	v6 =	vsel vm1, $0x1, v3  }
0x3cb: {  	(xrf0) =	vadd.scan.msk.s32 $0xffff, v6;
	v6 =	vbroadcast v13, $0xF  }
0x3cc: {  	s16 =	spop (v2sf)  }
0x3cd: {  	v6 =	vsub.f32 v6, v13;
	s17 =	sadd.f32 s16, s12;
	_ =	sdelay $0x1  }
0x3ce: {  	v6 =	vadd.f32 s17, v6;
	_ =	sdelay $0x1  }
0x3cf: {  	v8, _, _ =	vpop (xrf0);
	v6 =	vadd.f32 v6, v11  }
0x3d0: {  	(v2sf) =	vpush v8, $0xF  }
0x3d1: {  	s3 =	simm.s32 $0x16FC0;
	v8 =	vadd.f32 v6, v4  }
0x3d2: {  	v6 =	vld [tilespmem:s3+$0x0]  }
0x3d3: {  	v14, _, _ =	vpop (xrf2);
	vm1 =	vgt.f32 v8, v7  }
0x3d4: {  	(v2sf) =	vpush v14, $0xF;
	v8 =	vsel vm1, $0x1, v3  }
0x3d5: {  	(xrf0) =	vadd.scan.msk.s32 $0xffff, v8;
	v8 =	vbroadcast v14, $0xF  }
0x3d6: {  	s5 =	spop (v2sf)  }
0x3d7: {  	s3 =	sadd.f32 s5, s17;
	(xrf2) =	vadd.scan.msk.f32 $0xffff, v6;
	v8 =	vsub.f32 v8, v14;
	_ =	sdelay $0x1  }
0x3d8: {  	v8 =	vadd.f32 s3, v8;
	_ =	sdelay $0x1  }
0x3d9: {  	v8 =	vadd.f32 v8, v12  }
0x3da: {  	v9, _, _ =	vpop (xrf0)  }
0x3db: {  	(v2sf) =	vpush v9, $0xF;
	v9 =	vadd.f32 v8, v4;
	_ =	sdelay $0x1  }
0x3dc: {  	s6 =	simm.s32 $0x16FB0;
	s18 =	spop (v2sf)  }
0x3dd: {  	v8 =	vld [tilespmem:s6+$0x0];
	s7 =	sadd.s32 $0xFFFFFFFF, s18  }
0x3de: {  	vm1 =	vgt.f32 v9, v7;
	v15 =	vmov s7;
	v9, _, _ =	vpop (xrf2)  }
0x3df: {  	v16 =	vsel vm1, $0x1, v3;
	vm1 =	veq.s32 v15, v1;
	v15 =	vbroadcast v9, $0xF  }
0x3e0: {  	s21 =	spop (v2sf);
	(xrf0) =	vadd.scan.msk.s32 $0xffff, v16;
	v10 =	vnsel vm1, $0xFF800000, v10  }
0x3e1: {  	s19 =	sadd.f32 s21, s3;
	(v2sf) =	vpush v9, $0xF;
	(xrf0) =	vmax.scan.msk.f32 $0xffff, v10;
	v10 =	vsub.f32 v15, v9  }
0x3e2: {  	(xrf2) =	vadd.scan.msk.f32 $0xffff, v8  }
0x3e3: {  	v10 =	vadd.f32 s19, v10  }
0x3e4: {  	v5 =	vnsel vm1, $0xFF800000, v5  }
0x3e5: {  	(xrf0) =	vmax.scan.msk.f32 $0xffff, v5;
	_ =	sdelay $0x1  }
0x3e6: {  	v5 =	vadd.f32 v10, v6;
	v10, _, _ =	vpop (xrf0)  }
0x3e7: {  	s22 =	simm.s32 $0x16FA0;
	(v2sf) =	vpush v10, $0xF  }
0x3e8: {  	v15 =	vadd.f32 v5, v4;
	v5 =	vld [tilespmem:s22+$0x0]  }
0x3e9: {  	v10, _, _ =	vpop (xrf0);
	s8 =	spop (v2sf)  }
0x3ea: {  	(v2sf) =	vpush v10, $0xF;
	s9 =	sadd.s32 $0xFFFFFFFF, s8;
	vm1 =	vgt.f32 v15, v7;
	v16, _, _ =	vpop (xrf0)  }
0x3eb: {  	v10, _, _ =	vpop (xrf2);
	v15 =	vmov s9;
	v17 =	vsel vm1, $0x1, v3;
	(v2sf) =	vpush v16, $0xF  }
0x3ec: {  	vm1 =	veq.s32 v15, v1;
	(v2sf) =	vpush v10, $0xF;
	(xrf0) =	vadd.scan.msk.s32 $0xffff, v17  }
0x3ed: {  	v13 =	vnsel vm1, $0xFF800000, v13;
	(xrf2) =	vadd.scan.msk.f32 $0xffff, v5  }
0x3ee: {  	(xrf0) =	vmax.scan.msk.f32 $0xffff, v13;
	v13 =	vbroadcast v10, $0xF  }
0x3ef: {  	s15 =	spop (v2sf)  }
0x3f0: {  	v13 =	vsub.f32 v13, v10;
	s20 =	sadd.f32 s15, s19;
	_ =	sdelay $0x1  }
0x3f1: {  	v13 =	vadd.f32 s20, v13;
	_ =	sdelay $0x1  }
0x3f2: {  	v13 =	vadd.f32 v13, v8  }
0x3f3: {  	v15, _, _ =	vpop (xrf0)  }
0x3f4: {  	(v2sf) =	vpush v15, $0xF;
	v15, _, _ =	vpop (xrf0);
	v13 =	vadd.f32 v13, v4;
	s9 =	spop (v2sf)  }
0x3f5: {  	(v2sf) =	vpush v15, $0xF;
	v15 =	vnsel vm1, $0xFF800000, v11;
	v11, _, _ =	vpop (xrf2);
	s10 =	sadd.s32 $0xFFFFFFFF, s9  }
0x3f6: {  	(xrf0) =	vmax.scan.msk.f32 $0xffff, v15;
	vm1 =	vgt.f32 v13, v7;
	v15 =	vbroadcast v11, $0xF;
	v13 =	vmov s10  }
0x3f7: {  	s23 =	spop (v2sf);
	v16 =	vsel vm1, $0x1, v3;
	vm1 =	veq.s32 v13, v1  }
0x3f8: {  	s24 =	spop (v2sf);
	v13 =	vnsel vm1, $0xFF800000, v14;
	v14 =	vsub.f32 v15, v11  }
0x3f9: {  	s1 =	ssub.f32 s16, s23;
	(xrf0) =	vadd.scan.msk.s32 $0xffff, v16;
	s16 =	spop (v2sf)  }
0x3fa: {  	s25 =	simm.s32 $0x16F90;
	s29 =	sadd.f32 s16, s20;
	v12 =	vnsel vm1, $0xFF800000, v12;
	(xrf0) =	vmax.scan.msk.f32 $0xffff, v13  }
0x3fb: {  	(xrf0) =	vmax.scan.msk.f32 $0xffff, v12;
	v12 =	vld [tilespmem:s25+$0x0]  }
0x3fc: {  	v13 =	vadd.f32 s29, v14;
	v14, _, _ =	vpop (xrf0)  }
0x3fd: {  	(v2sf) =	vpush v14, $0xF  }
0x3fe: {  	(v2sf) =	vpush v11, $0xF;
	_ =	sdelay $0x1  }
0x3ff: {  	(xrf2) =	vadd.scan.msk.f32 $0xffff, v12  }
0x400: {  	p0 =	por $0x0, $0x0;
	s0 =	sadd.f32 s1, s12;
	v13 =	vadd.f32 v13, v5  }
0x401: {  	s2 =	simm.s32 $0x0;
	p2 =	por !p0, !p0;
	p1 =	sgt.s32 s18, $0x0  }
0x402: {  	s4 =	simm.f32 $1.000000000e+00;
	p2 =	por !p1, !p2;
	s0 =	sadd.f32 s0, s24  }
0x403: {  	s6 =	simm.s32 $0xF9F;
	s7 =	simm.s32 $0xFAF;
	p2 =	por !p2, !p2;
	v14, _, _ =	vpop (xrf0)  }
0x404: {  	s22 =	simm.s32 $0xF8F;
	s11 =	sadd.s32 $0xFDF, s8;
	s0 =	sadd.f32 s0, s31;
	v15 =	vadd.f32 v13, v4;
	(v2sf) =	vpush v14, $0xF;
	v13, _, _ =	vpop (xrf0)  }
0x405: {  	s10 =	sadd.s32 $0xFEF, s18;
	s23 =	simm.s32 $0xF7F;
	s18 =	simm.s32 $0x16F80;
	(v2sf) =	vpush v13, $0xF  }
0x406: {  	s2 =	smov.u32 @p2 s10;
	s4 =	smov.u32 @p2 s0;
	s0 =	spop (v2sf)  }
0x407: {  	s12 =	sadd.s32 $0xFCF, s9;
	s13 =	sadd.s32 $0xFFFFFFFF, s0;
	s14 =	spop (v2sf);
	v13 =	vld [tilespmem:s18+$0x0]  }
0x408: {  	s1 =	simm.s32 $0xF6F;
	s10 =	sadd.s32 $0xFBF, s0;
	vm4 =	vgt.f32 v15, v7;
	v14 =	vmov s13;
	s30 =	ssub.f32 s5, s14;
	v15, _, _ =	vpop (xrf0)  }
.LBB2_24:
0x409: {  	p2 =	sne.s32 s1, $0xFFFFFFFF;
	v16, _, _ =	vpop (xrf2);
	v17 =	vsel vm4, $0x1, v3;
	vm1 =	veq.s32 v14, v1;
	(v2sf) =	vpush v15, $0xF;
	s5 =	smov.u32 s15;
	s15 =	smov.u32 s16  }
0x40a: {  	(v2sf) =	vpush v16, $0xF;
	(xrf0) =	vadd.scan.msk.s32 $0xffff, v17;
	v14 =	vnsel vm1, $0xFF800000, v9;
	s13 =	sadd.f32 s30, s17;
	v9 =	vmovc v10;
	v10 =	vmov v11;
	s17 =	smov.u32 s3;
	s3 =	smov.u32 s19  }
0x40b: {  	v15 =	vbroadcast v16, $0xF;
	v11 =	vmov v16;
	s19 =	smov.u32 s20;
	s20 =	smov.u32 s29;
	(xrf0) =	vmax.scan.msk.f32 $0xffff, v14;
	s14 =	spop (v2sf)  }
0x40c: {  	p0 =	por p0, p1;
	(xrf2) =	vadd.scan.msk.f32 $0xffff, v13;
	s16 =	spop (v2sf);
	s13 =	sadd.f32 s13, s14  }
0x40d: {  	p1 =	sgt.s32 s8, $0x0;
	p3 =	por !p0, !p0;
	v16 =	vsub.f32 v15, v11;
	s29 =	sadd.f32 s16, s29  }
0x40e: {  	s8 =	smov.u32 s9;
	p3 =	por !p1, !p3;
	v15 =	vnsel vm1, $0xFF800000, v6;
	v6 =	vmovc v8;
	v8 =	vmovc v5;
	v5 =	vmov v12;
	v12 =	vmov v13;
	s13 =	sadd.f32 s13, s31  }
0x40f: {  	s9 =	smov.u32 s0;
	p3 =	por !p3, !p3;
	s14 =	smov.u32 s7;
	v13 =	vadd.f32 s29, v16;
	(xrf0) =	vmax.scan.msk.f32 $0xffff, v15  }
0x410: {  	s2 =	smov.u32 @p3 s11;
	s11 =	smov.u32 s12;
	v14, _, _ =	vpop (xrf0);
	s4 =	smov.u32 @p3 s13  }
.Ltmp13:
0x411: {  	s7 =	smov.u32 s6;
	s12 =	smov.u32 s10;
	v13 =	vadd.f32 v13, v5;
	(v2sf) =	vpush v14, $0xF;
	v14, _, _ =	vpop (xrf0);
	(pc) =	sbr.rel @p2 .LBB2_24-.Ltmp13, $4  }
0x412: {  	s6 =	smov.u32 s22;
	s22 =	smov.u32 s23;
	s23 =	smov.u32 s1;
	(v2sf) =	vpush v14, $0xF  }
0x413: {  	s18 =	sadd.s32 $0xFFFFFFF0, s18;
	v14 =	vadd.f32 v13, v4;
	s0 =	spop (v2sf)  }
0x414: {  	v13 =	vld [tilespmem:s18+$0x0];
	s13 =	sadd.s32 $0xFFFFFFFF, s0;
	s10 =	sadd.s32 s14, s0;
	s14 =	spop (v2sf)  }
0x415: {  	s1 =	sadd.s32 $0xFFFFFFF0, s1;
	vm4 =	vgt.f32 v14, v7;
	v14 =	vmov s13;
	v15, _, _ =	vpop (xrf0);
	s30 =	ssub.f32 s21, s14;
	s21 =	smov.u32 s5  }
0x416: {  	v16, _, _ =	vpop (xrf2);
	(v2sf) =	vpush v15, $0xF  }
0x417: {  	(v2sf) =	vpush v16, $0xF;
	_ =	sdelay $0x2  }
0x418: {  	(xrf2) =	vadd.scan.msk.f32 $0xffff, v13;
	_ =	sdelay $0x6  }
0x419: {  	s1 =	spop (v2sf)  }
0x41a: {  	s14 =	spop (v2sf)  }
0x41b: {  	v54 =	vbroadcast v16, $0xF;
	[dreg:$0x1b] =	wrdreg s1;
	s13 =	spop (v2sf)  }
0x41c: {  	s1 =	sadd.f32 s14, s29;
	s5 =	spop (v2sf);
	v17, _, _ =	vpop (xrf2)  }
0x41d: {  	v15 =	vsub.f32 v54, v16;
	v18 =	vbroadcast v17, $0xF;
	s18 =	spop (v2sf)  }
0x41e: {  	[dreg:$0x12] =	wrdreg s1;
	s24 =	spop (v2sf)  }
0x41f: {  	v15 =	vadd.f32 s1, v15;
	v18 =	vsub.f32 v18, v17;
	s1 =	sadd.f32 s24, s1;
	_ =	sdelay $0x1  }
0x420: {  	v15 =	vadd.f32 v15, v12;
	v55 =	vadd.f32 s1, v18  }
0x421: {  	v19 =	vsel vm4, $0x1, v3;
	vm1 =	veq.s32 v14, v1  }
0x422: {  	(xrf0) =	vadd.scan.msk.s32 $0xffff, v19;
	v9 =	vnsel vm1, $0xFF800000, v9;
	v15 =	vadd.f32 v15, v4;
	v56 =	vadd.f32 v55, v13  }
0x423: {  	v6 =	vnsel vm1, $0xFF800000, v6;
	(xrf0) =	vmax.scan.msk.f32 $0xffff, v9;
	s25 =	sadd.s32 $0xFFFFFFFF, s13  }
0x424: {  	(xrf0) =	vmax.scan.msk.f32 $0xffff, v6;
	v57 =	vmov s25;
	vm1 =	vgt.f32 v15, v7;
	v4 =	vadd.f32 v56, v4  }
0x425: {  	v58 =	vsel vm1, $0x1, v3;
	vm1 =	veq.s32 v57, v1  }
0x426: {  	(xrf0) =	vadd.scan.msk.s32 $0xffff, v58;
	v59 =	vnsel vm1, $0xFF800000, v10;
	v61 =	vnsel vm1, $0xFF800000, v8;
	vm1 =	vgt.f32 v4, v7  }
0x427: {  	v4 =	vsel vm1, $0x1, v3  }
0x428: {  	v60, _, _ =	vpop (xrf0);
	(xrf0) =	vmax.scan.msk.f32 $0xffff, v59  }
0x429: {  	(v2sf) =	vpush v60, $0xF;
	v62, _, _ =	vpop (xrf0);
	(xrf0) =	vmax.scan.msk.f32 $0xffff, v61  }
0x42a: {  	(v2sf) =	vpush v62, $0xF;
	(xrf0) =	vadd.scan.msk.s32 $0xffff, v4;
	v4, _, _ =	vpop (xrf0)  }
0x42b: {  	(v2sf) =	vpush v4, $0xF  }
0x42c: {  	v4, _, _ =	vpop (xrf0);
	(v2sf) =	vpush v17, $0xF  }
0x42d: {  	(v2sf) =	vpush v4, $0xF  }
0x42e: {  	v4, _, _ =	vpop (xrf0)  }
0x42f: {  	(v2sf) =	vpush v4, $0xF;
	v4, _, _ =	vpop (xrf0)  }
0x430: {  	(v2sf) =	vpush v4, $0xF;
	v4, _, _ =	vpop (xrf0)  }
0x431: {  	(v2sf) =	vpush v4, $0xF;
	_ =	sdelay $0x2  }
0x432: {  	s17 =	sadd.f32 s30, s17  }
0x433: {  	[dreg:$0x14] =	wrdreg s14  }
0x434: {  	p0 =	por p0, p1;
	s30 =	rddreg [dreg:$0x1b]  }
0x435: {  	p3 =	sgt.s32 s8, $0x0;
	p2 =	por !p0, !p0;
	s17 =	sadd.f32 s17, s30  }
0x436: {  	p2 =	por !p3, !p2;
	[dreg:$0x17] =	wrdreg s13;
	s13 =	spop (v2sf)  }
0x437: {  	[dreg:$0x1d] =	wrdreg s5;
	s5 =	sadd.s32 $0xFFFFFFFF, s13;
	s25 =	spop (v2sf)  }
0x438: {  	p2 =	por !p2, !p2;
	[dreg:$0x19] =	wrdreg s18;
	v4 =	vmov s5;
	s18 =	spop (v2sf)  }
0x439: {  	s2 =	smov.u32 @p2 s11;
	s11 =	rddreg [dreg:$0x14];
	vm1 =	veq.s32 v4, v1;
	s14 =	spop (v2sf)  }
0x43a: {  	[dreg:$0x11] =	wrdreg s1;
	v4 =	vnsel vm1, $0xFF800000, v11;
	s1 =	spop (v2sf)  }
0x43b: {  	(xrf0) =	vmax.scan.msk.f32 $0xffff, v4;
	[dreg:$0x1a] =	wrdreg s14;
	s14 =	sadd.s32 $0xFFFFFFFF, s1  }
0x43c: {  	s17 =	sadd.f32 s17, s31;
	s5 =	spop (v2sf);
	v4 =	vmov s14  }
0x43d: {  	[dreg:$0x13] =	wrdreg s24;
	v5 =	vnsel vm1, $0xFF800000, v5;
	s24 =	spop (v2sf);
	vm1 =	veq.s32 v4, v1  }
0x43e: {  	p4 =	sgt.s32 s9, $0x0;
	s9 =	rddreg [dreg:$0x17];
	s14 =	spop (v2sf);
	v4 =	vnsel vm1, $0xFF800000, v16  }
0x43f: {  	(xrf0) =	vmax.scan.msk.f32 $0xffff, v5;
	[smem:$0x7FD] =	sst s24;
	s24 =	sadd.s32 $0xFFFFFFFF, s14  }
0x440: {  	s15 =	ssub.f32 s15, s25;
	v5 =	vmov s24;
	(xrf0) =	vmax.scan.msk.f32 $0xffff, v4  }
0x441: {  	s30 =	rddreg [dreg:$0x19];
	v63 =	vnsel vm1, $0xFF800000, v12;
	vm1 =	veq.s32 v5, v1;
	v4, _, _ =	vpop (xrf0)  }
0x442: {  	s25 =	sadd.f32 s15, s19;
	(xrf0) =	vmax.scan.msk.f32 $0xffff, v63;
	(v2sf) =	vpush v4, $0xF;
	v4 =	vnsel vm1, $0xFF800000, v17  }
0x443: {  	s5 =	ssub.f32 s16, s5;
	(xrf0) =	vmax.scan.msk.f32 $0xffff, v4  }
0x444: {  	s24 =	rddreg [dreg:$0x1d]  }
0x445: {  	s8 =	ssub.f32 s21, s24;
	v4, _, _ =	vpop (xrf0)  }
0x446: {  	s16 =	rddreg [dreg:$0x13];
	(v2sf) =	vpush v4, $0xF;
	v4, _, _ =	vpop (xrf0)  }
0x447: {  	v5 =	vnsel vm1, $0xFF800000, v13;
	s3 =	sadd.f32 s8, s3;
	(v2sf) =	vpush v4, $0xF  }
0x448: {  	p5 =	sgt.s32 s0, $0x0;
	s0 =	sadd.f32 s5, s20;
	v4, _, _ =	vpop (xrf0);
	(xrf0) =	vmax.scan.msk.f32 $0xffff, v5  }
0x449: {  	p1 =	por p0, p3;
	s3 =	sadd.f32 s3, s30;
	(v2sf) =	vpush v4, $0xF;
	v4, _, _ =	vpop (xrf0)  }
0x44a: {  	p3 =	por !p1, !p1;
	p1 =	por p1, p4;
	s8 =	sadd.f32 s25, s18;
	(v2sf) =	vpush v4, $0xF  }
0x44b: {  	p3 =	por !p4, !p3;
	p6 =	por !p1, !p1;
	s3 =	sadd.f32 s3, s31  }
0x44c: {  	s4 =	smov.u32 @p2 s17;
	p2 =	por !p3, !p3;
	s20 =	rddreg [dreg:$0x1a]  }
0x44d: {  	p0 =	por p1, p5;
	s4 =	smov.u32 @p2 s3;
	s3 =	sadd.f32 s8, s31  }
0x44e: {  	p3 =	por !p5, !p6;
	p5 =	por !p0, !p0;
	s8 =	sld [smem:$0x7FD];
	v4, _, _ =	vpop (xrf0)  }
0x44f: {  	s2 =	smov.u32 @p2 s12;
	p4 =	sgt.s32 s9, $0x0;
	s24 =	rddreg [dreg:$0x10];
	(v2sf) =	vpush v4, $0xF  }
0x450: {  	p6 =	por !p4, !p5;
	s18 =	rddreg [dreg:$0x12];
	p2 =	por !p3, !p3  }
0x451: {  	s2 =	smov.u32 @p2 s10;
	s0 =	sadd.f32 s0, s8;
	s10 =	spop (v2sf)  }
0x452: {  	p0 =	por p0, p4;
	s4 =	smov.u32 @p2 s3;
	s3 =	ssub.f32 s11, s10  }
0x453: {  	p4 =	por !p0, !p0;
	p5 =	sgt.s32 s1, $0x0;
	s0 =	sadd.f32 s0, s31  }
0x454: {  	s5 =	sadd.s32 s7, s9;
	p3 =	sgt.s32 s13, $0x0;
	s3 =	sadd.f32 s3, s29  }
0x455: {  	p0 =	por p0, p3;
	p2 =	por !p6, !p6;
	s12 =	spop (v2sf)  }
0x456: {  	s4 =	smov.u32 @p2 s0;
	s0 =	sadd.f32 s3, s12;
	s15 =	spop (v2sf)  }
0x457: {  	p1 =	por !p0, !p0;
	s2 =	smov.u32 @p2 s5;
	s3 =	ssub.f32 s16, s15  }
0x458: {  	s5 =	sadd.s32 s6, s13;
	p2 =	por !p3, !p4;
	s17 =	spop (v2sf)  }
0x459: {  	p2 =	por !p2, !p2;
	s3 =	sadd.f32 s3, s18;
	s19 =	spop (v2sf)  }
0x45a: {  	p0 =	por p0, p5;
	s2 =	smov.u32 @p2 s5;
	s5 =	ssub.f32 s20, s19  }
0x45b: {  	p6 =	sgt.s32 s14, $0x0;
	p1 =	por !p5, !p1;
	s21 =	sadd.f32 s3, s17  }
0x45c: {  	p0 =	por !p0, !p0;
	s3 =	sadd.s32 s22, s1;
	s22 =	rddreg [dreg:$0x11]  }
0x45d: {  	p1 =	por !p1, !p1;
	p0 =	por !p6, !p0;
	s1 =	sadd.f32 s5, s22  }
0x45e: {  	s0 =	sadd.f32 s0, s31;
	s5 =	sadd.s32 s23, s14;
	s23 =	spop (v2sf)  }
0x45f: {  	p0 =	por !p0, !p0;
	s2 =	smov.u32 @p1 s3;
	s1 =	sadd.f32 s1, s23  }
0x460: {  	s4 =	smov.u32 @p2 s0;
	s2 =	smov.u32 @p0 s5;
	s0 =	sadd.f32 s21, s31  }
0x461: {  	vm1 =	vcmask $0x300;
	v4 =	vmov s24;
	s2 =	scvt.s32.f32 s2;
	s1 =	sadd.f32 s1, s31  }
0x462: {  	v4 =	vnsel vm1, $0x0, v4;
	vm1 =	vcmask $0x704;
	s4 =	smov.u32 @p1 s0  }
0x463: {  	v4 =	vsel vm1, s2, v4;
	s4 =	smov.u32 @p0 s1  }
0x464: {  	s7 =	simm.s32 $0x0;
	v4 =	vsel vm3, s4, v4  }
0x465: {  	s25 =	rddreg [dreg:$0xd];
	s29 =	simm.s32 $0x17300;
	s3 =	simm.s32 $0x3;
	[tilespmem:$0x17300] =	vst v4  }
0x466: {  	[hbm4b:s25+s7] =	stream.linear.scatter [tilespmem:s29], [sflag:$0x3], $0x80, $0x38;
	[tilespmem:$0x17380] =	vst v63  }
0x467: {  	_ =	swait.ge [sflag:s3], $0x80  }
0x468: {  	s30 =	rddreg [dreg:$0xf]  }
0x469: {  	s31 =	rddreg [dreg:$0xe];
	s1 =	sadd.s32 $0x1, s30  }
0x46a: {  	p0 =	sne.s32 s1, s31  }
.Ltmp14:
0x46b: {  	_ = 	snop;
	(pc) =	sbr.rel @p0 .LBB2_1-.Ltmp14, $4  }
0x46c: {  	_ = 	snop  }
0x46d: {  	[sflag:s3] =	ssyncset.done $0x0;
	s5 =	rddreg [dreg:$0xb]  }
0x46e: {  	s8 =	rddreg [dreg:$0xc];
	[sflag:s3] =	ssyncadd.s32 $0xFFFFFF80  }
0x46f: {  	s9 =	simm.s32 $0x1;
	s4 =	simm.s32 $0x3000;
	s6 =	rddreg [dreg:$0x0]  }
0x470: {  	_ =	sfence.sel $0x180000  }
0x471: {  	[bflag:$0x0] =	sbarrier.arrive $0xFFFF  }
0x472: {  	_ =	strace $0x90000047  }
0x473: {  	s0 =	stileid.u32;
	[bflag:$0x2] =	sbarrier.arrive $0xFFFF  }
0x474: {  	p0 =	sne.s32 s0, $0x0;
	s0 =	rddreg [dreg:$0x3]  }
0x475: {  	s0 =	sadd.s32 @!p0 $0x100000, s0  }
0x476: {  	[sflag:s0] =	ssyncadd.tile.s32 @!p0 $0x1;
	_ =	shalt  }
.Lfunc_end2:
_tile_overlayer_lowered:
.L_overlay_start_2:
0x477: {  	(tag) =	ssettag $0x2  }
0x478: {  	s0 =	rddreg [dreg:$0x0];
	s2 =	stileid.u32  }
0x479: {  	s1 =	rddreg [dreg:$0x1];
	p0 =	sne.s32 s2, $0x0  }
0x47a: {  	s3 =	rddreg [dreg:$0x2];
	[bflag:$0x3] =	sbarrier.arrive $0xFFFF;
	s2 =	simm.s32 @!p0 $0x1C03  }
0x47b: {  	[timem:s3], [sflag:s2] =	dma.local @!p0 [hbm:s0], s1  }
0x47c: {  	s0 =	simm.s32 @!p0 $0x3  }
0x47d: {  	_ =	swait.ge @!p0 [sflag:s0], s1  }
0x47e: {  	s1 =	ssub.s32 @!p0 $0x0, s1;
	[sflag:s0] =	ssyncset.done @!p0 $0x0  }
0x47f: {  	[sflag:s0] =	ssyncadd.s32 @!p0 s1  }
0x480: {  	[bflag:$0x3] =	sbarrier.arrive $0xFFFF  }
0x481: {  	_ =	shalt  }

</sc_bundles>
